<compile_context>
chip_gen: v7x
topology: tpu7x:2x2x1
jax: 0.10.2.dev20260603
libtpu: 0.0.44.dev20260713+nightly
codegen_flags: <defaults>
</compile_context>

<pallas_src>
import jax
import jax.numpy as jnp
from jax import lax
from jax.experimental import pallas as pl
from jax.experimental.pallas import tpu as pltpu
from jax.experimental.pallas import tpu_sc as plsc

LAYERS = 4
HEADS = 4
DM = 128
DH = 32
DE = 16
N = 10000
E = 320000

NC = 2
NS = 16
DHF = DM // NC
ACC = 80
EW = E // NS
K = 80
NB = EW // K
NPAD = 10240
RPT = NPAD // NS
CB = 25
CHW = CB * K

_HIGH = jax.lax.Precision.HIGHEST



def _ea_body(ea_ref, we_ref, out_ref):
    out_ref[...] = jnp.dot(ea_ref[...], we_ref[0, 0],
                           precision=jax.lax.Precision.DEFAULT,
                           preferred_element_type=jnp.float32)


def _compute_ea(edge_attr2, We2_r):
    BE2 = 1600
    NB2 = (E // 2) // BE2
    return pl.pallas_call(
        _ea_body,
        grid=(LAYERS, NB2, NC),
        in_specs=[
            pl.BlockSpec((BE2, 2 * DE), lambda l, i, c: (i, 0)),
            pl.BlockSpec((1, 1, 2 * DE, DM), lambda l, i, c: (l, c, 0, 0)),
        ],
        out_specs=pl.BlockSpec((BE2, DM),
                               lambda l, i, c: ((l * NC + c) * NB2 + i, 0)),
        out_shape=jax.ShapeDtypeStruct((LAYERS * NC * E // 2, DM), jnp.float32),
    )(edge_attr2, We2_r)



def _matmul_body(x_ref, wl_ref, wr_ref, xl_ref, xr_ref):
    xb = x_ref[...]
    xl_ref[...] = jnp.dot(xb, wl_ref[0], precision=_HIGH,
                          preferred_element_type=jnp.float32)
    xr_ref[...] = jnp.dot(xb, wr_ref[0], precision=_HIGH,
                          preferred_element_type=jnp.float32)


def _matmuls(x, Wl_l, Wr_l):
    BN = 2000
    return pl.pallas_call(
        _matmul_body,
        grid=(N // BN, NC),
        in_specs=[
            pl.BlockSpec((BN, DM), lambda i, c: (i, 0)),
            pl.BlockSpec((1, DM, DHF), lambda i, c: (c, 0, 0)),
            pl.BlockSpec((1, DM, DHF), lambda i, c: (c, 0, 0)),
        ],
        out_specs=[
            pl.BlockSpec((BN, DHF), lambda i, c: (c * (N // BN) + i, 0)),
            pl.BlockSpec((BN, DHF), lambda i, c: (c * (N // BN) + i, 0)),
        ],
        out_shape=[
            jax.ShapeDtypeStruct((NC * N, DHF), jnp.float32),
            jax.ShapeDtypeStruct((NC * N, DHF), jnp.float32),
        ],
    )(x, Wl_l, Wr_l)


def _combine_body(x_ref, accm_ref, bias_ref, out_ref):
    parts = []
    for h in range(HEADS):
        c, j = divmod(h, 2)
        num = accm_ref[c, :, j * DH:(j + 1) * DH]
        den = accm_ref[c, :, DHF + j:DHF + j + 1] + 1e-16
        parts.append(num / den)
    out_ref[...] = jnp.concatenate(parts, axis=1) + x_ref[...] + bias_ref[0]


def _combine(x, accm, bias):
    BN = 2000
    return pl.pallas_call(
        _combine_body,
        grid=(N // BN,),
        in_specs=[
            pl.BlockSpec((BN, DM), lambda i: (i, 0)),
            pl.BlockSpec((NC, BN, ACC), lambda i: (0, i, 0)),
            pl.BlockSpec((1, DM), lambda i: (0, 0)),
        ],
        out_specs=pl.BlockSpec((BN, DM), lambda i: (i, 0)),
        out_shape=jax.ShapeDtypeStruct((N, DM), jnp.float32),
    )(x, accm, bias.reshape(1, DM))



def _edge_body(xl_hbm, xr_hbm, ea_hbm, src_hbm, dst_hbm, att_hbm, l_hbm,
               out_hbm, idx_ga, idx_da, idx_ha, idx_d, idx_g, idx_h,
               u_b, v_b, ea_b, msg_b, att_v, lv_v, acc_sh, sems, ssems):
    cid = lax.axis_index("c")
    sid = lax.axis_index("s")

    pltpu.sync_copy(l_hbm, lv_v)
    lyr = lv_v[0:16][0]
    pltpu.sync_copy(att_hbm.at[pl.ds(lyr * DM + cid * DHF, DHF)], att_v)

    zv = jnp.zeros((16,), jnp.float32)
    mz = msg_b.at[0]

    def _zrow(e, carry):
        for j in range(ACC // 16):
            mz[e, 16 * j:16 * (j + 1)] = zv
        return carry

    lax.fori_loop(0, K, _zrow, 0)

    r0 = sid * RPT
    for c in range(RPT // K):
        pltpu.sync_copy(mz, acc_sh.at[pl.ds(r0 + c * K, K)])
    plsc.subcore_barrier()

    att_vecs = [att_v[16 * q:16 * (q + 1)] for q in range(DHF // 16)]
    iota = lax.iota(jnp.int32, 16)
    noff = cid * N
    eb0 = sid * EW
    ea0 = ((lyr * NC + cid) * E + eb0) // 2

    def _stage(cidx):
        coff = cidx * CHW
        pltpu.sync_copy(src_hbm.at[pl.ds(eb0 + coff, CHW)], idx_ga)
        pltpu.sync_copy(dst_hbm.at[pl.ds(eb0 + coff, CHW)], idx_da)

        def _adj(i, carry):
            s = pl.ds(16 * i, 16)
            idx_ga[s] = idx_ga[s] + noff
            idx_ha[s] = idx_da[s] + noff
            return carry

        lax.fori_loop(0, CHW // 16, _adj, 0)

    def _prep(jn, bn):
        off = lax.rem(jn, CB) * K

        gv = idx_g.at[bn]
        hv = idx_h.at[bn]

        def _cpg(t, tcarry):
            gv[pl.ds(16 * t, 16)] = idx_ga[pl.ds(off + 16 * t, 16)]
            hv[pl.ds(16 * t, 16)] = idx_ha[pl.ds(off + 16 * t, 16)]
            return tcarry

        lax.fori_loop(0, K // 16, _cpg, 0)
        pltpu.async_copy(xl_hbm.at[idx_g.at[bn]], u_b.at[bn], sems.at[bn])
        pltpu.async_copy(xr_hbm.at[idx_h.at[bn]], v_b.at[bn], sems.at[bn])
        pltpu.async_copy(ea_hbm.at[pl.ds(ea0 + jn * (K // 2), K // 2)],
                         ea_b.at[bn], sems.at[bn])

    def _drain(jn, bn):
        pltpu.make_async_copy(xl_hbm.at[idx_g.at[bn]], u_b.at[bn],
                              sems.at[bn]).wait()
        pltpu.make_async_copy(xr_hbm.at[idx_h.at[bn]], v_b.at[bn],
                              sems.at[bn]).wait()
        pltpu.make_async_copy(ea_hbm.at[pl.ds(ea0 + jn * (K // 2), K // 2)],
                              ea_b.at[bn], sems.at[bn]).wait()

    _stage(0)
    _prep(0, 0)

    def _block(j, carry):
        b = lax.rem(j, 2)
        @pl.when(j >= 2)
        def _():
            pltpu.make_async_copy(msg_b.at[b], acc_sh.at[idx_d.at[b]],
                                  ssems.at[b]).wait()

        off = lax.rem(j, CB) * K
        dv = idx_d.at[b]

        def _cpd(t, tcarry):
            dv[pl.ds(16 * t, 16)] = idx_da[pl.ds(off + 16 * t, 16)]
            return tcarry

        lax.fori_loop(0, K // 16, _cpd, 0)

        @pl.when(jnp.logical_and(j + 1 < NB, lax.rem(j + 1, CB) == 0))
        def _():
            _stage(lax.div(j + 1, CB))

        @pl.when(j + 1 < NB)
        def _():
            _prep(j + 1, 1 - b)

        _drain(j, b)

        uv2 = u_b.at[b]
        vv2 = v_b.at[b]
        ev2 = ea_b.at[b]
        mv2 = msg_b.at[b]

        def _edge(e, ecarry):
            us = []
            ps = []
            er = lax.shift_right_logical(e, 1)
            ec = lax.bitwise_and(e, 1) * DHF
            for q in range(DHF // 16):
                uq = uv2[e, 16 * q:16 * (q + 1)]
                aq = (uq + vv2[e, 16 * q:16 * (q + 1)]
                      + ev2[er, pl.ds(ec + 16 * q, 16)])
                gq = jnp.maximum(aq, 0.2 * aq)
                ps.append(gq * att_vecs[q])
                us.append(uq)
            exv = jnp.zeros((16,), jnp.float32)
            for jj in range(2):
                tot = jnp.sum(ps[2 * jj] + ps[2 * jj + 1])
                exs = jnp.exp(jnp.full((16,), tot, jnp.float32))
                mv2[e, DH * jj:DH * jj + 16] = us[2 * jj] * exs
                mv2[e, DH * jj + 16:DH * (jj + 1)] = us[2 * jj + 1] * exs
                exv = jnp.where(iota == jj, exs, exv)
            mv2[e, DHF:DHF + 16] = exv
            return ecarry

        lax.fori_loop(0, K, _edge, 0, unroll=4)
        pltpu.async_copy(msg_b.at[b], acc_sh.at[idx_d.at[b]], ssems.at[b],
                         add=True)
        return carry

    lax.fori_loop(0, NB, _block, 0)
    for bb in range(2):
        pltpu.make_async_copy(msg_b.at[bb], acc_sh.at[idx_d.at[bb]],
                              ssems.at[bb]).wait()

    plsc.subcore_barrier()
    pltpu.sync_copy(acc_sh.at[pl.ds(r0, RPT)], out_hbm.at[cid, pl.ds(r0, RPT)])


_edge_pass = pl.kernel(
    _edge_body,
    out_type=jax.ShapeDtypeStruct((NC, NPAD, ACC), jnp.float32),
    mesh=plsc.VectorSubcoreMesh(core_axis_name="c", subcore_axis_name="s"),
    compiler_params=pltpu.CompilerParams(use_tc_tiling_on_sc=False,
                                         needs_layout_passes=False),
    scratch_types=[
        pltpu.VMEM((CHW,), jnp.int32),
        pltpu.VMEM((CHW,), jnp.int32),
        pltpu.VMEM((CHW,), jnp.int32),
        pltpu.VMEM((2, K), jnp.int32),
        pltpu.VMEM((2, K), jnp.int32),
        pltpu.VMEM((2, K), jnp.int32),
        pltpu.VMEM((2, K, DHF), jnp.float32),
        pltpu.VMEM((2, K, DHF), jnp.float32),
        pltpu.VMEM((2, K // 2, DM), jnp.float32),
        pltpu.VMEM((2, K, ACC), jnp.float32),
        pltpu.VMEM((DHF,), jnp.float32),
        pltpu.VMEM((16,), jnp.int32),
        pltpu.VMEM_SHARED((NPAD, ACC), jnp.float32),
        pltpu.SemaphoreType.DMA((2,)),
        pltpu.SemaphoreType.DMA((2,)),
    ],
)



def kernel(x, edge_index, edge_attr, Wl, Wr, We, att, bias):
    ei = edge_index.astype(jnp.int32)
    src = ei[0]
    dst = ei[1]
    We_r = We.reshape(LAYERS, DE, NC, DHF).transpose(0, 2, 1, 3)
    Wl_r = Wl.reshape(LAYERS, DM, NC, DHF).transpose(0, 2, 1, 3)
    Wr_r = Wr.reshape(LAYERS, DM, NC, DHF).transpose(0, 2, 1, 3)
    zw = jnp.zeros_like(We_r)
    We2_r = jnp.concatenate([
        jnp.concatenate([We_r, zw], axis=-1),
        jnp.concatenate([zw, We_r], axis=-1),
    ], axis=2)
    ea_all = _compute_ea(edge_attr.reshape(E // 2, 2 * DE), We2_r)
    att_flat = att.reshape(LAYERS, DM)

    att_all = att_flat.reshape(LAYERS * DM)
    lvecs = jnp.broadcast_to(
        jnp.arange(LAYERS, dtype=jnp.int32)[:, None], (LAYERS, 16))

    def _layer(xc, inp):
        Wl_l, Wr_l, bias_l, lvec = inp
        xl, xr = _matmuls(xc, Wl_l, Wr_l)
        accm = _edge_pass(xl, xr, ea_all, src, dst, att_all, lvec)
        return _combine(xc, accm, bias_l), None

    x, _ = lax.scan(_layer, x, (Wl_r, Wr_r, bias, lvecs))
    return x

# --- scband reference (transcript-rebuilt; emitter-appended) ---
"""Pipeline reference for scband-gatbase-2319282340539 (READ-ONLY COPY).

The authoritative reference and input builder live on the scoring server;
editing this copy changes nothing except your own understanding.
"""

import jax, jax.numpy as jnp
import numpy as np

L = 4
H = 4
DM = 128
DH = DM // H
DE = 16
N = 10000
E = 320000

def setup_inputs(seed: int = 0) -> dict:
    key = jax.random.key(seed)
    ks = jax.random.split(key, 10)
    x = jax.random.normal(ks[0], (N, DM), dtype=jnp.float32)
    edge_index = jax.random.randint(ks[1], (2, E), 0, N, dtype=jnp.int64)
    edge_attr = jax.random.normal(ks[2], (E, DE), dtype=jnp.float32)
    s = 1.0 / np.sqrt(DM)
    Wl = jax.random.normal(ks[3], (L, DM, DM), dtype=jnp.float32) * s
    Wr = jax.random.normal(ks[4], (L, DM, DM), dtype=jnp.float32) * s
    We = jax.random.normal(ks[5], (L, DE, DM), dtype=jnp.float32) * (1.0 / np.sqrt(DE))
    att = jax.random.normal(ks[6], (L, H, DH), dtype=jnp.float32) * (1.0 / np.sqrt(DH))
    bias = jnp.zeros((L, DM), dtype=jnp.float32)
    return {"x": x, "edge_index": edge_index, "edge_attr": edge_attr, "Wl": Wl, "Wr": Wr, "We": We, "att": att, "bias": bias}

def _gatv2_layer(x, src, dst, edge_attr, Wl, Wr, We, att, bias):
    n = x.shape[0]
    xl = x @ Wl  # [N, H*DH]
    xr = x @ Wr
    ea = edge_attr @ We  # [E, H*DH]
    m = (xl[src] + xr[dst] + ea).reshape(-1, H, DH)
    g = jax.nn.leaky_relu(m, negative_slope=0.2)
    logits = jnp.einsum('ehd,hd->eh', g, att)  # [E, H]
    lmax = jax.ops.segment_max(logits, dst, num_segments=n)
    lmax = jnp.where(jnp.isfinite(lmax), lmax, 0.0)
    ex = jnp.exp(logits - lmax[dst])
    denom = jax.ops.segment_sum(ex, dst, num_segments=n)
    alpha = ex / (denom[dst] + 1e-16)
    msg = xl[src].reshape(-1, H, DH) * alpha[:, :, None]
    out = jax.ops.segment_sum(msg, dst, num_segments=n).reshape(n, H * DH)
    # residual connection + bias (dropout disabled / eval mode)
    return x + out + bias

def reference(x, edge_index, edge_attr, Wl, Wr, We, att, bias):
    src = edge_index[0]
    dst = edge_index[1]
    for l in range(L):
        x = _gatv2_layer(x, src, dst, edge_attr, Wl[l], Wr[l], We[l], att[l], bias[l])
    return x

if __name__ == "__main__":
    import jax
    _d = setup_inputs()
    print(jax.jit(kernel)(*tuple(_d.values())))

</pallas_src>

<mosaic_0001>
#map = affine_map<(d0, d1) -> (0, 0)>
#map1 = affine_map<(d0, d1) -> (0)>
#map2 = affine_map<(d0, d1) -> (0, 0, 0)>
module attributes {stable_mosaic.version = 14 : i64} {
  func.func @_edge_body(%arg0: i32, %arg1: i32, %arg2: memref<20000x64xf32, #tpu.memory_space<hbm>>, %arg3: memref<20000x64xf32, #tpu.memory_space<hbm>>, %arg4: memref<1280000x128xf32, #tpu.memory_space<hbm>>, %arg5: memref<320000xi32, #tpu.memory_space<hbm>>, %arg6: memref<320000xi32, #tpu.memory_space<hbm>>, %arg7: memref<512xf32, #tpu.memory_space<hbm>>, %arg8: memref<16xi32, #tpu.memory_space<hbm>>, %arg9: memref<2x10240x80xf32, #tpu.memory_space<hbm>>, %arg10: memref<2000xi32, #tpu.memory_space<vmem>>, %arg11: memref<2000xi32, #tpu.memory_space<vmem>>, %arg12: memref<2000xi32, #tpu.memory_space<vmem>>, %arg13: memref<2x80xi32, #tpu.memory_space<vmem>>, %arg14: memref<2x80xi32, #tpu.memory_space<vmem>>, %arg15: memref<2x80xi32, #tpu.memory_space<vmem>>, %arg16: memref<2x80x64xf32, #tpu.memory_space<vmem>>, %arg17: memref<2x80x64xf32, #tpu.memory_space<vmem>>, %arg18: memref<2x40x128xf32, #tpu.memory_space<vmem>>, %arg19: memref<2x80x80xf32, #tpu.memory_space<vmem>>, %arg20: memref<64xf32, #tpu.memory_space<vmem>>, %arg21: memref<16xi32, #tpu.memory_space<vmem>>, %arg22: memref<10240x80xf32, #tpu.memory_space<vmem_shared>>, %arg23: memref<2x!tpu.dma_semaphore, #tpu.memory_space<semaphore_mem>>, %arg24: memref<2x!tpu.dma_semaphore, #tpu.memory_space<semaphore_mem>>) attributes {dimension_semantics = [#tpu.dimension_semantics<core_parallel>, #tpu.dimension_semantics<subcore_parallel>], iteration_bounds = array<i64: 2, 16>, scalar_prefetch = 0 : i64, scratch_operands = 15 : i64, tpu.core_type = #tpu.core_type<sc_vector_subcore>, window_params = [{transform_indices = #map}, {transform_indices = #map}, {transform_indices = #map}, {transform_indices = #map1}, {transform_indices = #map1}, {transform_indices = #map1}, {transform_indices = #map1}, {transform_indices = #map2}]} {
    "tpu.region"() ({
      %run_scoped3A_176 = tpu.sem_alloc : memref<!tpu.dma_semaphore, #tpu.memory_space<semaphore_mem>>
      tpu.enqueue_dma source(%arg8 : memref<16xi32, #tpu.memory_space<hbm>>) target(%arg21 : memref<16xi32, #tpu.memory_space<vmem>>) target_semaphore(%run_scoped3A_176 : memref<!tpu.dma_semaphore, #tpu.memory_space<semaphore_mem>>)
      tpu.wait_dma2 semaphore(%run_scoped3A_176 : memref<!tpu.dma_semaphore, #tpu.memory_space<semaphore_mem>>) src(%arg8 : memref<16xi32, #tpu.memory_space<hbm>>) dst(%arg21 : memref<16xi32, #tpu.memory_space<vmem>>)
      tpu.yield
    }) : () -> ()
    %get3A = arith.constant 0 : index
    %get3A_0 = tpu.vector_load %arg21[%get3A] {strides = array<i32>} : memref<16xi32, #tpu.memory_space<vmem>>, vector<16xi32>,
    %slice3A = vector.extract_strided_slice %get3A_0 {offsets = [0], sizes = [1], strides = [1]} : vector<16xi32> to vector<1xi32>
    %squeeze3A = vector.extract %slice3A[0] : i32 from vector<1xi32>
    %mul3A = arith.constant 128 : i32
    %mul3A_1 = arith.muli %squeeze3A, %mul3A : i32
    %mul3A_2 = arith.constant 64 : i32
    %mul3A_3 = arith.muli %arg0, %mul3A_2 : i32
    %add3A = arith.addi %mul3A_1, %mul3A_3 : i32
    "tpu.region"() ({
      %run_scoped3A_176 = tpu.sem_alloc : memref<!tpu.dma_semaphore, #tpu.memory_space<semaphore_mem>>
      %dma_start3A_177 = tpu.memref_slice %arg7[%add3A] : memref<512xf32, #tpu.memory_space<hbm>> -> memref<64xf32, #tpu.memory_space<hbm>>
      %dma_start3A_178 = tpu.memref_slice %arg7[%add3A] : memref<512xf32, #tpu.memory_space<hbm>> -> memref<64xf32, #tpu.memory_space<hbm>>
      tpu.enqueue_dma source(%dma_start3A_178 : memref<64xf32, #tpu.memory_space<hbm>>) target(%arg20 : memref<64xf32, #tpu.memory_space<vmem>>) target_semaphore(%run_scoped3A_176 : memref<!tpu.dma_semaphore, #tpu.memory_space<semaphore_mem>>)
      %dma_wait3A_179 = tpu.memref_slice %arg7[%add3A] : memref<512xf32, #tpu.memory_space<hbm>> -> memref<64xf32, #tpu.memory_space<hbm>>
      %dma_wait3A_180 = tpu.memref_slice %arg7[%add3A] : memref<512xf32, #tpu.memory_space<hbm>> -> memref<64xf32, #tpu.memory_space<hbm>>
      tpu.wait_dma2 semaphore(%run_scoped3A_176 : memref<!tpu.dma_semaphore, #tpu.memory_space<semaphore_mem>>) src(%dma_wait3A_180 : memref<64xf32, #tpu.memory_space<hbm>>) dst(%arg20 : memref<64xf32, #tpu.memory_space<vmem>>)
      tpu.yield
    }) : () -> ()
    %broadcast_in_dim3A = arith.constant 0.000000e+00 : f32
    %broadcast_in_dim3A_4 = vector.broadcast %broadcast_in_dim3A : f32 to vector<16xf32>
    %scan3A = arith.constant 0 : i32
    %scan3A_5 = arith.constant 0 : i32
    %scan3A_6 = arith.constant 0 : i32
    %scan3A_7 = arith.constant 80 : i32
    %scan3A_8 = arith.addi %scan3A_6, %scan3A_7 : i32
    %scan3A_9 = arith.constant 1 : i32
    scf.for %scan3A_176 = %scan3A_6 to %scan3A_8 step %scan3A_9  : i32 {
      %swap3A = arith.constant 0 : i32
      %swap3A_177 = arith.constant 0 : i32
      %swap3A_178 = tpu.memref_slice %arg19[%scan3A_5, %swap3A, %swap3A_177] : memref<2x80x80xf32, #tpu.memory_space<vmem>> -> memref<1x80x80xf32, #tpu.memory_space<vmem>>
      %swap3A_179 = tpu.memref_squeeze %swap3A_178 : memref<1x80x80xf32, #tpu.memory_space<vmem>> -> memref<80x80xf32, #tpu.memory_space<vmem>>
      %swap3A_180 = arith.index_cast %scan3A_176 : i32 to index
      %swap3A_181 = arith.constant 0 : index
      %swap3A_182 = tpu.vector_load %swap3A_179[%swap3A_180, %swap3A_181] {strides = array<i32>} : memref<80x80xf32, #tpu.memory_space<vmem>>, vector<16xf32>,
      tpu.vector_store %swap3A_179[%swap3A_180, %swap3A_181], %broadcast_in_dim3A_4 {strides = array<i32>} : memref<80x80xf32, #tpu.memory_space<vmem>>, vector<16xf32>,
      %swap3A_183 = arith.constant 0 : i32
      %swap3A_184 = arith.constant 0 : i32
      %swap3A_185 = tpu.memref_slice %arg19[%scan3A_5, %swap3A_183, %swap3A_184] : memref<2x80x80xf32, #tpu.memory_space<vmem>> -> memref<1x80x80xf32, #tpu.memory_space<vmem>>
      %swap3A_186 = tpu.memref_squeeze %swap3A_185 : memref<1x80x80xf32, #tpu.memory_space<vmem>> -> memref<80x80xf32, #tpu.memory_space<vmem>>
      %swap3A_187 = arith.index_cast %scan3A_176 : i32 to index
      %swap3A_188 = arith.constant 16 : index
      %swap3A_189 = tpu.vector_load %swap3A_186[%swap3A_187, %swap3A_188] {strides = array<i32>} : memref<80x80xf32, #tpu.memory_space<vmem>>, vector<16xf32>,
      tpu.vector_store %swap3A_186[%swap3A_187, %swap3A_188], %broadcast_in_dim3A_4 {strides = array<i32>} : memref<80x80xf32, #tpu.memory_space<vmem>>, vector<16xf32>,
      %swap3A_190 = arith.constant 0 : i32
      %swap3A_191 = arith.constant 0 : i32
      %swap3A_192 = tpu.memref_slice %arg19[%scan3A_5, %swap3A_190, %swap3A_191] : memref<2x80x80xf32, #tpu.memory_space<vmem>> -> memref<1x80x80xf32, #tpu.memory_space<vmem>>
      %swap3A_193 = tpu.memref_squeeze %swap3A_192 : memref<1x80x80xf32, #tpu.memory_space<vmem>> -> memref<80x80xf32, #tpu.memory_space<vmem>>
      %swap3A_194 = arith.index_cast %scan3A_176 : i32 to index
      %swap3A_195 = arith.constant 32 : index
      %swap3A_196 = tpu.vector_load %swap3A_193[%swap3A_194, %swap3A_195] {strides = array<i32>} : memref<80x80xf32, #tpu.memory_space<vmem>>, vector<16xf32>,
      tpu.vector_store %swap3A_193[%swap3A_194, %swap3A_195], %broadcast_in_dim3A_4 {strides = array<i32>} : memref<80x80xf32, #tpu.memory_space<vmem>>, vector<16xf32>,
      %swap3A_197 = arith.constant 0 : i32
      %swap3A_198 = arith.constant 0 : i32
      %swap3A_199 = tpu.memref_slice %arg19[%scan3A_5, %swap3A_197, %swap3A_198] : memref<2x80x80xf32, #tpu.memory_space<vmem>> -> memref<1x80x80xf32, #tpu.memory_space<vmem>>
      %swap3A_200 = tpu.memref_squeeze %swap3A_199 : memref<1x80x80xf32, #tpu.memory_space<vmem>> -> memref<80x80xf32, #tpu.memory_space<vmem>>
      %swap3A_201 = arith.index_cast %scan3A_176 : i32 to index
      %swap3A_202 = arith.constant 48 : index
      %swap3A_203 = tpu.vector_load %swap3A_200[%swap3A_201, %swap3A_202] {strides = array<i32>} : memref<80x80xf32, #tpu.memory_space<vmem>>, vector<16xf32>,
      tpu.vector_store %swap3A_200[%swap3A_201, %swap3A_202], %broadcast_in_dim3A_4 {strides = array<i32>} : memref<80x80xf32, #tpu.memory_space<vmem>>, vector<16xf32>,
      %swap3A_204 = arith.constant 0 : i32
      %swap3A_205 = arith.constant 0 : i32
      %swap3A_206 = tpu.memref_slice %arg19[%scan3A_5, %swap3A_204, %swap3A_205] : memref<2x80x80xf32, #tpu.memory_space<vmem>> -> memref<1x80x80xf32, #tpu.memory_space<vmem>>
      %swap3A_207 = tpu.memref_squeeze %swap3A_206 : memref<1x80x80xf32, #tpu.memory_space<vmem>> -> memref<80x80xf32, #tpu.memory_space<vmem>>
      %swap3A_208 = arith.index_cast %scan3A_176 : i32 to index
      %swap3A_209 = arith.constant 64 : index
      %swap3A_210 = tpu.vector_load %swap3A_207[%swap3A_208, %swap3A_209] {strides = array<i32>} : memref<80x80xf32, #tpu.memory_space<vmem>>, vector<16xf32>,
      tpu.vector_store %swap3A_207[%swap3A_208, %swap3A_209], %broadcast_in_dim3A_4 {strides = array<i32>} : memref<80x80xf32, #tpu.memory_space<vmem>>, vector<16xf32>,
    }
    %scan3A_10 = arith.constant 80 : i32
    %mul3A_11 = arith.constant 640 : i32
    %mul3A_12 = arith.muli %arg1, %mul3A_11 : i32
    %add3A_13 = arith.constant 0 : i32
    %add3A_14 = arith.addi %mul3A_12, %add3A_13 : i32
    %run_scoped3A = arith.constant 0 : i32
    "tpu.region"() ({
      %run_scoped3A_176 = tpu.sem_alloc : memref<!tpu.dma_semaphore, #tpu.memory_space<semaphore_mem>>
      %dma_start3A_177 = arith.constant 0 : i32
      %dma_start3A_178 = arith.constant 0 : i32
      %dma_start3A_179 = tpu.memref_slice %arg19[%run_scoped3A, %dma_start3A_177, %dma_start3A_178] : memref<2x80x80xf32, #tpu.memory_space<vmem>> -> memref<1x80x80xf32, #tpu.memory_space<vmem>>
      %dma_start3A_180 = tpu.memref_squeeze %dma_start3A_179 : memref<1x80x80xf32, #tpu.memory_space<vmem>> -> memref<80x80xf32, #tpu.memory_space<vmem>>
      %dma_start3A_181 = arith.constant 0 : i32
      %dma_start3A_182 = tpu.memref_slice %arg22[%add3A_14, %dma_start3A_181] : memref<10240x80xf32, #tpu.memory_space<vmem_shared>> -> memref<80x80xf32, #tpu.memory_space<vmem_shared>>
      %dma_start3A_183 = arith.constant 0 : i32
      %dma_start3A_184 = tpu.memref_slice %arg22[%add3A_14, %dma_start3A_183] : memref<10240x80xf32, #tpu.memory_space<vmem_shared>> -> memref<80x80xf32, #tpu.memory_space<vmem_shared>>
      %dma_start3A_185 = arith.constant 0 : i32
      %dma_start3A_186 = arith.constant 0 : i32
      %dma_start3A_187 = tpu.memref_slice %arg19[%run_scoped3A, %dma_start3A_185, %dma_start3A_186] : memref<2x80x80xf32, #tpu.memory_space<vmem>> -> memref<1x80x80xf32, #tpu.memory_space<vmem>>
      %dma_start3A_188 = tpu.memref_squeeze %dma_start3A_187 : memref<1x80x80xf32, #tpu.memory_space<vmem>> -> memref<80x80xf32, #tpu.memory_space<vmem>>
      tpu.enqueue_dma source(%dma_start3A_188 : memref<80x80xf32, #tpu.memory_space<vmem>>) target(%dma_start3A_184 : memref<80x80xf32, #tpu.memory_space<vmem_shared>>) target_semaphore(%run_scoped3A_176 : memref<!tpu.dma_semaphore, #tpu.memory_space<semaphore_mem>>)
      %dma_wait3A_189 = arith.constant 0 : i32
      %dma_wait3A_190 = arith.constant 0 : i32
      %dma_wait3A_191 = tpu.memref_slice %arg19[%run_scoped3A, %dma_wait3A_189, %dma_wait3A_190] : memref<2x80x80xf32, #tpu.memory_space<vmem>> -> memref<1x80x80xf32, #tpu.memory_space<vmem>>
      %dma_wait3A_192 = tpu.memref_squeeze %dma_wait3A_191 : memref<1x80x80xf32, #tpu.memory_space<vmem>> -> memref<80x80xf32, #tpu.memory_space<vmem>>
      %dma_wait3A_193 = arith.constant 0 : i32
      %dma_wait3A_194 = tpu.memref_slice %arg22[%add3A_14, %dma_wait3A_193] : memref<10240x80xf32, #tpu.memory_space<vmem_shared>> -> memref<80x80xf32, #tpu.memory_space<vmem_shared>>
      %dma_wait3A_195 = arith.constant 0 : i32
      %dma_wait3A_196 = tpu.memref_slice %arg22[%add3A_14, %dma_wait3A_195] : memref<10240x80xf32, #tpu.memory_space<vmem_shared>> -> memref<80x80xf32, #tpu.memory_space<vmem_shared>>
      %dma_wait3A_197 = arith.constant 0 : i32
      %dma_wait3A_198 = arith.constant 0 : i32
      %dma_wait3A_199 = tpu.memref_slice %arg19[%run_scoped3A, %dma_wait3A_197, %dma_wait3A_198] : memref<2x80x80xf32, #tpu.memory_space<vmem>> -> memref<1x80x80xf32, #tpu.memory_space<vmem>>
      %dma_wait3A_200 = tpu.memref_squeeze %dma_wait3A_199 : memref<1x80x80xf32, #tpu.memory_space<vmem>> -> memref<80x80xf32, #tpu.memory_space<vmem>>
      tpu.wait_dma2 semaphore(%run_scoped3A_176 : memref<!tpu.dma_semaphore, #tpu.memory_space<semaphore_mem>>) src(%dma_wait3A_200 : memref<80x80xf32, #tpu.memory_space<vmem>>) dst(%dma_wait3A_196 : memref<80x80xf32, #tpu.memory_space<vmem_shared>>)
      tpu.yield
    }) : () -> ()
    %add3A_15 = arith.constant 80 : i32
    %add3A_16 = arith.addi %mul3A_12, %add3A_15 : i32
    %run_scoped3A_17 = arith.constant 0 : i32
    "tpu.region"() ({
      %run_scoped3A_176 = tpu.sem_alloc : memref<!tpu.dma_semaphore, #tpu.memory_space<semaphore_mem>>
      %dma_start3A_177 = arith.constant 0 : i32
      %dma_start3A_178 = arith.constant 0 : i32
      %dma_start3A_179 = tpu.memref_slice %arg19[%run_scoped3A_17, %dma_start3A_177, %dma_start3A_178] : memref<2x80x80xf32, #tpu.memory_space<vmem>> -> memref<1x80x80xf32, #tpu.memory_space<vmem>>
      %dma_start3A_180 = tpu.memref_squeeze %dma_start3A_179 : memref<1x80x80xf32, #tpu.memory_space<vmem>> -> memref<80x80xf32, #tpu.memory_space<vmem>>
      %dma_start3A_181 = arith.constant 0 : i32
      %dma_start3A_182 = tpu.memref_slice %arg22[%add3A_16, %dma_start3A_181] : memref<10240x80xf32, #tpu.memory_space<vmem_shared>> -> memref<80x80xf32, #tpu.memory_space<vmem_shared>>
      %dma_start3A_183 = arith.constant 0 : i32
      %dma_start3A_184 = tpu.memref_slice %arg22[%add3A_16, %dma_start3A_183] : memref<10240x80xf32, #tpu.memory_space<vmem_shared>> -> memref<80x80xf32, #tpu.memory_space<vmem_shared>>
      %dma_start3A_185 = arith.constant 0 : i32
      %dma_start3A_186 = arith.constant 0 : i32
      %dma_start3A_187 = tpu.memref_slice %arg19[%run_scoped3A_17, %dma_start3A_185, %dma_start3A_186] : memref<2x80x80xf32, #tpu.memory_space<vmem>> -> memref<1x80x80xf32, #tpu.memory_space<vmem>>
      %dma_start3A_188 = tpu.memref_squeeze %dma_start3A_187 : memref<1x80x80xf32, #tpu.memory_space<vmem>> -> memref<80x80xf32, #tpu.memory_space<vmem>>
      tpu.enqueue_dma source(%dma_start3A_188 : memref<80x80xf32, #tpu.memory_space<vmem>>) target(%dma_start3A_184 : memref<80x80xf32, #tpu.memory_space<vmem_shared>>) target_semaphore(%run_scoped3A_176 : memref<!tpu.dma_semaphore, #tpu.memory_space<semaphore_mem>>)
      %dma_wait3A_189 = arith.constant 0 : i32
      %dma_wait3A_190 = arith.constant 0 : i32
      %dma_wait3A_191 = tpu.memref_slice %arg19[%run_scoped3A_17, %dma_wait3A_189, %dma_wait3A_190] : memref<2x80x80xf32, #tpu.memory_space<vmem>> -> memref<1x80x80xf32, #tpu.memory_space<vmem>>
      %dma_wait3A_192 = tpu.memref_squeeze %dma_wait3A_191 : memref<1x80x80xf32, #tpu.memory_space<vmem>> -> memref<80x80xf32, #tpu.memory_space<vmem>>
      %dma_wait3A_193 = arith.constant 0 : i32
      %dma_wait3A_194 = tpu.memref_slice %arg22[%add3A_16, %dma_wait3A_193] : memref<10240x80xf32, #tpu.memory_space<vmem_shared>> -> memref<80x80xf32, #tpu.memory_space<vmem_shared>>
      %dma_wait3A_195 = arith.constant 0 : i32
      %dma_wait3A_196 = tpu.memref_slice %arg22[%add3A_16, %dma_wait3A_195] : memref<10240x80xf32, #tpu.memory_space<vmem_shared>> -> memref<80x80xf32, #tpu.memory_space<vmem_shared>>
      %dma_wait3A_197 = arith.constant 0 : i32
      %dma_wait3A_198 = arith.constant 0 : i32
      %dma_wait3A_199 = tpu.memref_slice %arg19[%run_scoped3A_17, %dma_wait3A_197, %dma_wait3A_198] : memref<2x80x80xf32, #tpu.memory_space<vmem>> -> memref<1x80x80xf32, #tpu.memory_space<vmem>>
      %dma_wait3A_200 = tpu.memref_squeeze %dma_wait3A_199 : memref<1x80x80xf32, #tpu.memory_space<vmem>> -> memref<80x80xf32, #tpu.memory_space<vmem>>
      tpu.wait_dma2 semaphore(%run_scoped3A_176 : memref<!tpu.dma_semaphore, #tpu.memory_space<semaphore_mem>>) src(%dma_wait3A_200 : memref<80x80xf32, #tpu.memory_space<vmem>>) dst(%dma_wait3A_196 : memref<80x80xf32, #tpu.memory_space<vmem_shared>>)
      tpu.yield
    }) : () -> ()
    %add3A_18 = arith.constant 160 : i32
    %add3A_19 = arith.addi %mul3A_12, %add3A_18 : i32
    %run_scoped3A_20 = arith.constant 0 : i32
    "tpu.region"() ({
      %run_scoped3A_176 = tpu.sem_alloc : memref<!tpu.dma_semaphore, #tpu.memory_space<semaphore_mem>>
      %dma_start3A_177 = arith.constant 0 : i32
      %dma_start3A_178 = arith.constant 0 : i32
      %dma_start3A_179 = tpu.memref_slice %arg19[%run_scoped3A_20, %dma_start3A_177, %dma_start3A_178] : memref<2x80x80xf32, #tpu.memory_space<vmem>> -> memref<1x80x80xf32, #tpu.memory_space<vmem>>
      %dma_start3A_180 = tpu.memref_squeeze %dma_start3A_179 : memref<1x80x80xf32, #tpu.memory_space<vmem>> -> memref<80x80xf32, #tpu.memory_space<vmem>>
      %dma_start3A_181 = arith.constant 0 : i32
      %dma_start3A_182 = tpu.memref_slice %arg22[%add3A_19, %dma_start3A_181] : memref<10240x80xf32, #tpu.memory_space<vmem_shared>> -> memref<80x80xf32, #tpu.memory_space<vmem_shared>>
      %dma_start3A_183 = arith.constant 0 : i32
      %dma_start3A_184 = tpu.memref_slice %arg22[%add3A_19, %dma_start3A_183] : memref<10240x80xf32, #tpu.memory_space<vmem_shared>> -> memref<80x80xf32, #tpu.memory_space<vmem_shared>>
      %dma_start3A_185 = arith.constant 0 : i32
      %dma_start3A_186 = arith.constant 0 : i32
      %dma_start3A_187 = tpu.memref_slice %arg19[%run_scoped3A_20, %dma_start3A_185, %dma_start3A_186] : memref<2x80x80xf32, #tpu.memory_space<vmem>> -> memref<1x80x80xf32, #tpu.memory_space<vmem>>
      %dma_start3A_188 = tpu.memref_squeeze %dma_start3A_187 : memref<1x80x80xf32, #tpu.memory_space<vmem>> -> memref<80x80xf32, #tpu.memory_space<vmem>>
      tpu.enqueue_dma source(%dma_start3A_188 : memref<80x80xf32, #tpu.memory_space<vmem>>) target(%dma_start3A_184 : memref<80x80xf32, #tpu.memory_space<vmem_shared>>) target_semaphore(%run_scoped3A_176 : memref<!tpu.dma_semaphore, #tpu.memory_space<semaphore_mem>>)
      %dma_wait3A_189 = arith.constant 0 : i32
      %dma_wait3A_190 = arith.constant 0 : i32
      %dma_wait3A_191 = tpu.memref_slice %arg19[%run_scoped3A_20, %dma_wait3A_189, %dma_wait3A_190] : memref<2x80x80xf32, #tpu.memory_space<vmem>> -> memref<1x80x80xf32, #tpu.memory_space<vmem>>
      %dma_wait3A_192 = tpu.memref_squeeze %dma_wait3A_191 : memref<1x80x80xf32, #tpu.memory_space<vmem>> -> memref<80x80xf32, #tpu.memory_space<vmem>>
      %dma_wait3A_193 = arith.constant 0 : i32
      %dma_wait3A_194 = tpu.memref_slice %arg22[%add3A_19, %dma_wait3A_193] : memref<10240x80xf32, #tpu.memory_space<vmem_shared>> -> memref<80x80xf32, #tpu.memory_space<vmem_shared>>
      %dma_wait3A_195 = arith.constant 0 : i32
      %dma_wait3A_196 = tpu.memref_slice %arg22[%add3A_19, %dma_wait3A_195] : memref<10240x80xf32, #tpu.memory_space<vmem_shared>> -> memref<80x80xf32, #tpu.memory_space<vmem_shared>>
      %dma_wait3A_197 = arith.constant 0 : i32
      %dma_wait3A_198 = arith.constant 0 : i32
      %dma_wait3A_199 = tpu.memref_slice %arg19[%run_scoped3A_20, %dma_wait3A_197, %dma_wait3A_198] : memref<2x80x80xf32, #tpu.memory_space<vmem>> -> memref<1x80x80xf32, #tpu.memory_space<vmem>>
      %dma_wait3A_200 = tpu.memref_squeeze %dma_wait3A_199 : memref<1x80x80xf32, #tpu.memory_space<vmem>> -> memref<80x80xf32, #tpu.memory_space<vmem>>
      tpu.wait_dma2 semaphore(%run_scoped3A_176 : memref<!tpu.dma_semaphore, #tpu.memory_space<semaphore_mem>>) src(%dma_wait3A_200 : memref<80x80xf32, #tpu.memory_space<vmem>>) dst(%dma_wait3A_196 : memref<80x80xf32, #tpu.memory_space<vmem_shared>>)
      tpu.yield
    }) : () -> ()
    %add3A_21 = arith.constant 240 : i32
    %add3A_22 = arith.addi %mul3A_12, %add3A_21 : i32
    %run_scoped3A_23 = arith.constant 0 : i32
    "tpu.region"() ({
      %run_scoped3A_176 = tpu.sem_alloc : memref<!tpu.dma_semaphore, #tpu.memory_space<semaphore_mem>>
      %dma_start3A_177 = arith.constant 0 : i32
      %dma_start3A_178 = arith.constant 0 : i32
      %dma_start3A_179 = tpu.memref_slice %arg19[%run_scoped3A_23, %dma_start3A_177, %dma_start3A_178] : memref<2x80x80xf32, #tpu.memory_space<vmem>> -> memref<1x80x80xf32, #tpu.memory_space<vmem>>
      %dma_start3A_180 = tpu.memref_squeeze %dma_start3A_179 : memref<1x80x80xf32, #tpu.memory_space<vmem>> -> memref<80x80xf32, #tpu.memory_space<vmem>>
      %dma_start3A_181 = arith.constant 0 : i32
      %dma_start3A_182 = tpu.memref_slice %arg22[%add3A_22, %dma_start3A_181] : memref<10240x80xf32, #tpu.memory_space<vmem_shared>> -> memref<80x80xf32, #tpu.memory_space<vmem_shared>>
      %dma_start3A_183 = arith.constant 0 : i32
      %dma_start3A_184 = tpu.memref_slice %arg22[%add3A_22, %dma_start3A_183] : memref<10240x80xf32, #tpu.memory_space<vmem_shared>> -> memref<80x80xf32, #tpu.memory_space<vmem_shared>>
      %dma_start3A_185 = arith.constant 0 : i32
      %dma_start3A_186 = arith.constant 0 : i32
      %dma_start3A_187 = tpu.memref_slice %arg19[%run_scoped3A_23, %dma_start3A_185, %dma_start3A_186] : memref<2x80x80xf32, #tpu.memory_space<vmem>> -> memref<1x80x80xf32, #tpu.memory_space<vmem>>
      %dma_start3A_188 = tpu.memref_squeeze %dma_start3A_187 : memref<1x80x80xf32, #tpu.memory_space<vmem>> -> memref<80x80xf32, #tpu.memory_space<vmem>>
      tpu.enqueue_dma source(%dma_start3A_188 : memref<80x80xf32, #tpu.memory_space<vmem>>) target(%dma_start3A_184 : memref<80x80xf32, #tpu.memory_space<vmem_shared>>) target_semaphore(%run_scoped3A_176 : memref<!tpu.dma_semaphore, #tpu.memory_space<semaphore_mem>>)
      %dma_wait3A_189 = arith.constant 0 : i32
      %dma_wait3A_190 = arith.constant 0 : i32
      %dma_wait3A_191 = tpu.memref_slice %arg19[%run_scoped3A_23, %dma_wait3A_189, %dma_wait3A_190] : memref<2x80x80xf32, #tpu.memory_space<vmem>> -> memref<1x80x80xf32, #tpu.memory_space<vmem>>
      %dma_wait3A_192 = tpu.memref_squeeze %dma_wait3A_191 : memref<1x80x80xf32, #tpu.memory_space<vmem>> -> memref<80x80xf32, #tpu.memory_space<vmem>>
      %dma_wait3A_193 = arith.constant 0 : i32
      %dma_wait3A_194 = tpu.memref_slice %arg22[%add3A_22, %dma_wait3A_193] : memref<10240x80xf32, #tpu.memory_space<vmem_shared>> -> memref<80x80xf32, #tpu.memory_space<vmem_shared>>
      %dma_wait3A_195 = arith.constant 0 : i32
      %dma_wait3A_196 = tpu.memref_slice %arg22[%add3A_22, %dma_wait3A_195] : memref<10240x80xf32, #tpu.memory_space<vmem_shared>> -> memref<80x80xf32, #tpu.memory_space<vmem_shared>>
      %dma_wait3A_197 = arith.constant 0 : i32
      %dma_wait3A_198 = arith.constant 0 : i32
      %dma_wait3A_199 = tpu.memref_slice %arg19[%run_scoped3A_23, %dma_wait3A_197, %dma_wait3A_198] : memref<2x80x80xf32, #tpu.memory_space<vmem>> -> memref<1x80x80xf32, #tpu.memory_space<vmem>>
      %dma_wait3A_200 = tpu.memref_squeeze %dma_wait3A_199 : memref<1x80x80xf32, #tpu.memory_space<vmem>> -> memref<80x80xf32, #tpu.memory_space<vmem>>
      tpu.wait_dma2 semaphore(%run_scoped3A_176 : memref<!tpu.dma_semaphore, #tpu.memory_space<semaphore_mem>>) src(%dma_wait3A_200 : memref<80x80xf32, #tpu.memory_space<vmem>>) dst(%dma_wait3A_196 : memref<80x80xf32, #tpu.memory_space<vmem_shared>>)
      tpu.yield
    }) : () -> ()
    %add3A_24 = arith.constant 320 : i32
    %add3A_25 = arith.addi %mul3A_12, %add3A_24 : i32
    %run_scoped3A_26 = arith.constant 0 : i32
    "tpu.region"() ({
      %run_scoped3A_176 = tpu.sem_alloc : memref<!tpu.dma_semaphore, #tpu.memory_space<semaphore_mem>>
      %dma_start3A_177 = arith.constant 0 : i32
      %dma_start3A_178 = arith.constant 0 : i32
      %dma_start3A_179 = tpu.memref_slice %arg19[%run_scoped3A_26, %dma_start3A_177, %dma_start3A_178] : memref<2x80x80xf32, #tpu.memory_space<vmem>> -> memref<1x80x80xf32, #tpu.memory_space<vmem>>
      %dma_start3A_180 = tpu.memref_squeeze %dma_start3A_179 : memref<1x80x80xf32, #tpu.memory_space<vmem>> -> memref<80x80xf32, #tpu.memory_space<vmem>>
      %dma_start3A_181 = arith.constant 0 : i32
      %dma_start3A_182 = tpu.memref_slice %arg22[%add3A_25, %dma_start3A_181] : memref<10240x80xf32, #tpu.memory_space<vmem_shared>> -> memref<80x80xf32, #tpu.memory_space<vmem_shared>>
      %dma_start3A_183 = arith.constant 0 : i32
      %dma_start3A_184 = tpu.memref_slice %arg22[%add3A_25, %dma_start3A_183] : memref<10240x80xf32, #tpu.memory_space<vmem_shared>> -> memref<80x80xf32, #tpu.memory_space<vmem_shared>>
      %dma_start3A_185 = arith.constant 0 : i32
      %dma_start3A_186 = arith.constant 0 : i32
      %dma_start3A_187 = tpu.memref_slice %arg19[%run_scoped3A_26, %dma_start3A_185, %dma_start3A_186] : memref<2x80x80xf32, #tpu.memory_space<vmem>> -> memref<1x80x80xf32, #tpu.memory_space<vmem>>
      %dma_start3A_188 = tpu.memref_squeeze %dma_start3A_187 : memref<1x80x80xf32, #tpu.memory_space<vmem>> -> memref<80x80xf32, #tpu.memory_space<vmem>>
      tpu.enqueue_dma source(%dma_start3A_188 : memref<80x80xf32, #tpu.memory_space<vmem>>) target(%dma_start3A_184 : memref<80x80xf32, #tpu.memory_space<vmem_shared>>) target_semaphore(%run_scoped3A_176 : memref<!tpu.dma_semaphore, #tpu.memory_space<semaphore_mem>>)
      %dma_wait3A_189 = arith.constant 0 : i32
      %dma_wait3A_190 = arith.constant 0 : i32
      %dma_wait3A_191 = tpu.memref_slice %arg19[%run_scoped3A_26, %dma_wait3A_189, %dma_wait3A_190] : memref<2x80x80xf32, #tpu.memory_space<vmem>> -> memref<1x80x80xf32, #tpu.memory_space<vmem>>
      %dma_wait3A_192 = tpu.memref_squeeze %dma_wait3A_191 : memref<1x80x80xf32, #tpu.memory_space<vmem>> -> memref<80x80xf32, #tpu.memory_space<vmem>>
      %dma_wait3A_193 = arith.constant 0 : i32
      %dma_wait3A_194 = tpu.memref_slice %arg22[%add3A_25, %dma_wait3A_193] : memref<10240x80xf32, #tpu.memory_space<vmem_shared>> -> memref<80x80xf32, #tpu.memory_space<vmem_shared>>
      %dma_wait3A_195 = arith.constant 0 : i32
      %dma_wait3A_196 = tpu.memref_slice %arg22[%add3A_25, %dma_wait3A_195] : memref<10240x80xf32, #tpu.memory_space<vmem_shared>> -> memref<80x80xf32, #tpu.memory_space<vmem_shared>>
      %dma_wait3A_197 = arith.constant 0 : i32
      %dma_wait3A_198 = arith.constant 0 : i32
      %dma_wait3A_199 = tpu.memref_slice %arg19[%run_scoped3A_26, %dma_wait3A_197, %dma_wait3A_198] : memref<2x80x80xf32, #tpu.memory_space<vmem>> -> memref<1x80x80xf32, #tpu.memory_space<vmem>>
      %dma_wait3A_200 = tpu.memref_squeeze %dma_wait3A_199 : memref<1x80x80xf32, #tpu.memory_space<vmem>> -> memref<80x80xf32, #tpu.memory_space<vmem>>
      tpu.wait_dma2 semaphore(%run_scoped3A_176 : memref<!tpu.dma_semaphore, #tpu.memory_space<semaphore_mem>>) src(%dma_wait3A_200 : memref<80x80xf32, #tpu.memory_space<vmem>>) dst(%dma_wait3A_196 : memref<80x80xf32, #tpu.memory_space<vmem_shared>>)
      tpu.yield
    }) : () -> ()
    %add3A_27 = arith.constant 400 : i32
    %add3A_28 = arith.addi %mul3A_12, %add3A_27 : i32
    %run_scoped3A_29 = arith.constant 0 : i32
    "tpu.region"() ({
      %run_scoped3A_176 = tpu.sem_alloc : memref<!tpu.dma_semaphore, #tpu.memory_space<semaphore_mem>>
      %dma_start3A_177 = arith.constant 0 : i32
      %dma_start3A_178 = arith.constant 0 : i32
      %dma_start3A_179 = tpu.memref_slice %arg19[%run_scoped3A_29, %dma_start3A_177, %dma_start3A_178] : memref<2x80x80xf32, #tpu.memory_space<vmem>> -> memref<1x80x80xf32, #tpu.memory_space<vmem>>
      %dma_start3A_180 = tpu.memref_squeeze %dma_start3A_179 : memref<1x80x80xf32, #tpu.memory_space<vmem>> -> memref<80x80xf32, #tpu.memory_space<vmem>>
      %dma_start3A_181 = arith.constant 0 : i32
      %dma_start3A_182 = tpu.memref_slice %arg22[%add3A_28, %dma_start3A_181] : memref<10240x80xf32, #tpu.memory_space<vmem_shared>> -> memref<80x80xf32, #tpu.memory_space<vmem_shared>>
      %dma_start3A_183 = arith.constant 0 : i32
      %dma_start3A_184 = tpu.memref_slice %arg22[%add3A_28, %dma_start3A_183] : memref<10240x80xf32, #tpu.memory_space<vmem_shared>> -> memref<80x80xf32, #tpu.memory_space<vmem_shared>>
      %dma_start3A_185 = arith.constant 0 : i32
      %dma_start3A_186 = arith.constant 0 : i32
      %dma_start3A_187 = tpu.memref_slice %arg19[%run_scoped3A_29, %dma_start3A_185, %dma_start3A_186] : memref<2x80x80xf32, #tpu.memory_space<vmem>> -> memref<1x80x80xf32, #tpu.memory_space<vmem>>
      %dma_start3A_188 = tpu.memref_squeeze %dma_start3A_187 : memref<1x80x80xf32, #tpu.memory_space<vmem>> -> memref<80x80xf32, #tpu.memory_space<vmem>>
      tpu.enqueue_dma source(%dma_start3A_188 : memref<80x80xf32, #tpu.memory_space<vmem>>) target(%dma_start3A_184 : memref<80x80xf32, #tpu.memory_space<vmem_shared>>) target_semaphore(%run_scoped3A_176 : memref<!tpu.dma_semaphore, #tpu.memory_space<semaphore_mem>>)
      %dma_wait3A_189 = arith.constant 0 : i32
      %dma_wait3A_190 = arith.constant 0 : i32
      %dma_wait3A_191 = tpu.memref_slice %arg19[%run_scoped3A_29, %dma_wait3A_189, %dma_wait3A_190] : memref<2x80x80xf32, #tpu.memory_space<vmem>> -> memref<1x80x80xf32, #tpu.memory_space<vmem>>
      %dma_wait3A_192 = tpu.memref_squeeze %dma_wait3A_191 : memref<1x80x80xf32, #tpu.memory_space<vmem>> -> memref<80x80xf32, #tpu.memory_space<vmem>>
      %dma_wait3A_193 = arith.constant 0 : i32
      %dma_wait3A_194 = tpu.memref_slice %arg22[%add3A_28, %dma_wait3A_193] : memref<10240x80xf32, #tpu.memory_space<vmem_shared>> -> memref<80x80xf32, #tpu.memory_space<vmem_shared>>
      %dma_wait3A_195 = arith.constant 0 : i32
      %dma_wait3A_196 = tpu.memref_slice %arg22[%add3A_28, %dma_wait3A_195] : memref<10240x80xf32, #tpu.memory_space<vmem_shared>> -> memref<80x80xf32, #tpu.memory_space<vmem_shared>>
      %dma_wait3A_197 = arith.constant 0 : i32
      %dma_wait3A_198 = arith.constant 0 : i32
      %dma_wait3A_199 = tpu.memref_slice %arg19[%run_scoped3A_29, %dma_wait3A_197, %dma_wait3A_198] : memref<2x80x80xf32, #tpu.memory_space<vmem>> -> memref<1x80x80xf32, #tpu.memory_space<vmem>>
      %dma_wait3A_200 = tpu.memref_squeeze %dma_wait3A_199 : memref<1x80x80xf32, #tpu.memory_space<vmem>> -> memref<80x80xf32, #tpu.memory_space<vmem>>
      tpu.wait_dma2 semaphore(%run_scoped3A_176 : memref<!tpu.dma_semaphore, #tpu.memory_space<semaphore_mem>>) src(%dma_wait3A_200 : memref<80x80xf32, #tpu.memory_space<vmem>>) dst(%dma_wait3A_196 : memref<80x80xf32, #tpu.memory_space<vmem_shared>>)
      tpu.yield
    }) : () -> ()
    %add3A_30 = arith.constant 480 : i32
    %add3A_31 = arith.addi %mul3A_12, %add3A_30 : i32
    %run_scoped3A_32 = arith.constant 0 : i32
    "tpu.region"() ({
      %run_scoped3A_176 = tpu.sem_alloc : memref<!tpu.dma_semaphore, #tpu.memory_space<semaphore_mem>>
      %dma_start3A_177 = arith.constant 0 : i32
      %dma_start3A_178 = arith.constant 0 : i32
      %dma_start3A_179 = tpu.memref_slice %arg19[%run_scoped3A_32, %dma_start3A_177, %dma_start3A_178] : memref<2x80x80xf32, #tpu.memory_space<vmem>> -> memref<1x80x80xf32, #tpu.memory_space<vmem>>
      %dma_start3A_180 = tpu.memref_squeeze %dma_start3A_179 : memref<1x80x80xf32, #tpu.memory_space<vmem>> -> memref<80x80xf32, #tpu.memory_space<vmem>>
      %dma_start3A_181 = arith.constant 0 : i32
      %dma_start3A_182 = tpu.memref_slice %arg22[%add3A_31, %dma_start3A_181] : memref<10240x80xf32, #tpu.memory_space<vmem_shared>> -> memref<80x80xf32, #tpu.memory_space<vmem_shared>>
      %dma_start3A_183 = arith.constant 0 : i32
      %dma_start3A_184 = tpu.memref_slice %arg22[%add3A_31, %dma_start3A_183] : memref<10240x80xf32, #tpu.memory_space<vmem_shared>> -> memref<80x80xf32, #tpu.memory_space<vmem_shared>>
      %dma_start3A_185 = arith.constant 0 : i32
      %dma_start3A_186 = arith.constant 0 : i32
      %dma_start3A_187 = tpu.memref_slice %arg19[%run_scoped3A_32, %dma_start3A_185, %dma_start3A_186] : memref<2x80x80xf32, #tpu.memory_space<vmem>> -> memref<1x80x80xf32, #tpu.memory_space<vmem>>
      %dma_start3A_188 = tpu.memref_squeeze %dma_start3A_187 : memref<1x80x80xf32, #tpu.memory_space<vmem>> -> memref<80x80xf32, #tpu.memory_space<vmem>>
      tpu.enqueue_dma source(%dma_start3A_188 : memref<80x80xf32, #tpu.memory_space<vmem>>) target(%dma_start3A_184 : memref<80x80xf32, #tpu.memory_space<vmem_shared>>) target_semaphore(%run_scoped3A_176 : memref<!tpu.dma_semaphore, #tpu.memory_space<semaphore_mem>>)
      %dma_wait3A_189 = arith.constant 0 : i32
      %dma_wait3A_190 = arith.constant 0 : i32
      %dma_wait3A_191 = tpu.memref_slice %arg19[%run_scoped3A_32, %dma_wait3A_189, %dma_wait3A_190] : memref<2x80x80xf32, #tpu.memory_space<vmem>> -> memref<1x80x80xf32, #tpu.memory_space<vmem>>
      %dma_wait3A_192 = tpu.memref_squeeze %dma_wait3A_191 : memref<1x80x80xf32, #tpu.memory_space<vmem>> -> memref<80x80xf32, #tpu.memory_space<vmem>>
      %dma_wait3A_193 = arith.constant 0 : i32
      %dma_wait3A_194 = tpu.memref_slice %arg22[%add3A_31, %dma_wait3A_193] : memref<10240x80xf32, #tpu.memory_space<vmem_shared>> -> memref<80x80xf32, #tpu.memory_space<vmem_shared>>
      %dma_wait3A_195 = arith.constant 0 : i32
      %dma_wait3A_196 = tpu.memref_slice %arg22[%add3A_31, %dma_wait3A_195] : memref<10240x80xf32, #tpu.memory_space<vmem_shared>> -> memref<80x80xf32, #tpu.memory_space<vmem_shared>>
      %dma_wait3A_197 = arith.constant 0 : i32
      %dma_wait3A_198 = arith.constant 0 : i32
      %dma_wait3A_199 = tpu.memref_slice %arg19[%run_scoped3A_32, %dma_wait3A_197, %dma_wait3A_198] : memref<2x80x80xf32, #tpu.memory_space<vmem>> -> memref<1x80x80xf32, #tpu.memory_space<vmem>>
      %dma_wait3A_200 = tpu.memref_squeeze %dma_wait3A_199 : memref<1x80x80xf32, #tpu.memory_space<vmem>> -> memref<80x80xf32, #tpu.memory_space<vmem>>
      tpu.wait_dma2 semaphore(%run_scoped3A_176 : memref<!tpu.dma_semaphore, #tpu.memory_space<semaphore_mem>>) src(%dma_wait3A_200 : memref<80x80xf32, #tpu.memory_space<vmem>>) dst(%dma_wait3A_196 : memref<80x80xf32, #tpu.memory_space<vmem_shared>>)
      tpu.yield
    }) : () -> ()
    %add3A_33 = arith.constant 560 : i32
    %add3A_34 = arith.addi %mul3A_12, %add3A_33 : i32
    %run_scoped3A_35 = arith.constant 0 : i32
    "tpu.region"() ({
      %run_scoped3A_176 = tpu.sem_alloc : memref<!tpu.dma_semaphore, #tpu.memory_space<semaphore_mem>>
      %dma_start3A_177 = arith.constant 0 : i32
      %dma_start3A_178 = arith.constant 0 : i32
      %dma_start3A_179 = tpu.memref_slice %arg19[%run_scoped3A_35, %dma_start3A_177, %dma_start3A_178] : memref<2x80x80xf32, #tpu.memory_space<vmem>> -> memref<1x80x80xf32, #tpu.memory_space<vmem>>
      %dma_start3A_180 = tpu.memref_squeeze %dma_start3A_179 : memref<1x80x80xf32, #tpu.memory_space<vmem>> -> memref<80x80xf32, #tpu.memory_space<vmem>>
      %dma_start3A_181 = arith.constant 0 : i32
      %dma_start3A_182 = tpu.memref_slice %arg22[%add3A_34, %dma_start3A_181] : memref<10240x80xf32, #tpu.memory_space<vmem_shared>> -> memref<80x80xf32, #tpu.memory_space<vmem_shared>>
      %dma_start3A_183 = arith.constant 0 : i32
      %dma_start3A_184 = tpu.memref_slice %arg22[%add3A_34, %dma_start3A_183] : memref<10240x80xf32, #tpu.memory_space<vmem_shared>> -> memref<80x80xf32, #tpu.memory_space<vmem_shared>>
      %dma_start3A_185 = arith.constant 0 : i32
      %dma_start3A_186 = arith.constant 0 : i32
      %dma_start3A_187 = tpu.memref_slice %arg19[%run_scoped3A_35, %dma_start3A_185, %dma_start3A_186] : memref<2x80x80xf32, #tpu.memory_space<vmem>> -> memref<1x80x80xf32, #tpu.memory_space<vmem>>
      %dma_start3A_188 = tpu.memref_squeeze %dma_start3A_187 : memref<1x80x80xf32, #tpu.memory_space<vmem>> -> memref<80x80xf32, #tpu.memory_space<vmem>>
      tpu.enqueue_dma source(%dma_start3A_188 : memref<80x80xf32, #tpu.memory_space<vmem>>) target(%dma_start3A_184 : memref<80x80xf32, #tpu.memory_space<vmem_shared>>) target_semaphore(%run_scoped3A_176 : memref<!tpu.dma_semaphore, #tpu.memory_space<semaphore_mem>>)
      %dma_wait3A_189 = arith.constant 0 : i32
      %dma_wait3A_190 = arith.constant 0 : i32
      %dma_wait3A_191 = tpu.memref_slice %arg19[%run_scoped3A_35, %dma_wait3A_189, %dma_wait3A_190] : memref<2x80x80xf32, #tpu.memory_space<vmem>> -> memref<1x80x80xf32, #tpu.memory_space<vmem>>
      %dma_wait3A_192 = tpu.memref_squeeze %dma_wait3A_191 : memref<1x80x80xf32, #tpu.memory_space<vmem>> -> memref<80x80xf32, #tpu.memory_space<vmem>>
      %dma_wait3A_193 = arith.constant 0 : i32
      %dma_wait3A_194 = tpu.memref_slice %arg22[%add3A_34, %dma_wait3A_193] : memref<10240x80xf32, #tpu.memory_space<vmem_shared>> -> memref<80x80xf32, #tpu.memory_space<vmem_shared>>
      %dma_wait3A_195 = arith.constant 0 : i32
      %dma_wait3A_196 = tpu.memref_slice %arg22[%add3A_34, %dma_wait3A_195] : memref<10240x80xf32, #tpu.memory_space<vmem_shared>> -> memref<80x80xf32, #tpu.memory_space<vmem_shared>>
      %dma_wait3A_197 = arith.constant 0 : i32
      %dma_wait3A_198 = arith.constant 0 : i32
      %dma_wait3A_199 = tpu.memref_slice %arg19[%run_scoped3A_35, %dma_wait3A_197, %dma_wait3A_198] : memref<2x80x80xf32, #tpu.memory_space<vmem>> -> memref<1x80x80xf32, #tpu.memory_space<vmem>>
      %dma_wait3A_200 = tpu.memref_squeeze %dma_wait3A_199 : memref<1x80x80xf32, #tpu.memory_space<vmem>> -> memref<80x80xf32, #tpu.memory_space<vmem>>
      tpu.wait_dma2 semaphore(%run_scoped3A_176 : memref<!tpu.dma_semaphore, #tpu.memory_space<semaphore_mem>>) src(%dma_wait3A_200 : memref<80x80xf32, #tpu.memory_space<vmem>>) dst(%dma_wait3A_196 : memref<80x80xf32, #tpu.memory_space<vmem_shared>>)
      tpu.yield
    }) : () -> ()
    %barrier3A = arith.constant 0 : index
    tpu.barrier barrier_id(%barrier3A)
    %get3A_36 = arith.constant 0 : index
    %get3A_37 = tpu.vector_load %arg20[%get3A_36] {strides = array<i32>} : memref<64xf32, #tpu.memory_space<vmem>>, vector<16xf32>,
    %get3A_38 = arith.constant 16 : index
    %get3A_39 = tpu.vector_load %arg20[%get3A_38] {strides = array<i32>} : memref<64xf32, #tpu.memory_space<vmem>>, vector<16xf32>,
    %get3A_40 = arith.constant 32 : index
    %get3A_41 = tpu.vector_load %arg20[%get3A_40] {strides = array<i32>} : memref<64xf32, #tpu.memory_space<vmem>>, vector<16xf32>,
    %get3A_42 = arith.constant 48 : index
    %get3A_43 = tpu.vector_load %arg20[%get3A_42] {strides = array<i32>} : memref<64xf32, #tpu.memory_space<vmem>>, vector<16xf32>,
    %iota3A = tpu.iota {dimensions = array<i32: 0>} : vector<16xi32>
    %mul3A_44 = arith.constant 10000 : i32
    %mul3A_45 = arith.muli %arg0, %mul3A_44 : i32
    %mul3A_46 = arith.constant 20000 : i32
    %mul3A_47 = arith.muli %arg1, %mul3A_46 : i32
    %mul3A_48 = arith.constant 2 : i32
    %mul3A_49 = arith.muli %squeeze3A, %mul3A_48 : i32
    %add3A_50 = arith.addi %mul3A_49, %arg0 : i32
    %mul3A_51 = arith.constant 320000 : i32
    %mul3A_52 = arith.muli %add3A_50, %mul3A_51 : i32
    %add3A_53 = arith.addi %mul3A_52, %mul3A_47 : i32
    %jit3A = arith.constant 2 : i32
    %div3A = arith.divsi %add3A_53, %jit3A : i32
    %sign3A = arith.constant 0 : i32
    %sign3A_54 = arith.cmpi sgt, %add3A_53, %sign3A : i32
    %sign3A_55 = arith.extui %sign3A_54 : i1 to i32
    %sign3A_56 = arith.constant 0 : i32
    %sign3A_57 = arith.cmpi slt, %add3A_53, %sign3A_56 : i32
    %sign3A_58 = arith.extui %sign3A_57 : i1 to i32
    %sign3A_59 = arith.subi %sign3A_55, %sign3A_58 : i32
    %sign3A_60 = arith.constant 0 : i32
    %sign3A_61 = arith.cmpi sgt, %jit3A, %sign3A_60 : i32
    %sign3A_62 = arith.extui %sign3A_61 : i1 to i32
    %sign3A_63 = arith.constant 0 : i32
    %sign3A_64 = arith.cmpi slt, %jit3A, %sign3A_63 : i32
    %sign3A_65 = arith.extui %sign3A_64 : i1 to i32
    %sign3A_66 = arith.subi %sign3A_62, %sign3A_65 : i32
    %ne3A = arith.cmpi ne, %sign3A_59, %sign3A_66 : i32
    %rem3A = arith.remsi %add3A_53, %jit3A : i32
    %ne3A_67 = arith.constant 0 : i32
    %ne3A_68 = arith.cmpi ne, %rem3A, %ne3A_67 : i32
    %and3A = arith.andi %ne3A, %ne3A_68 : i1
    %sub3A = arith.constant 1 : i32
    %sub3A_69 = arith.subi %div3A, %sub3A : i32
    %select_n3A = arith.select %and3A, %sub3A_69, %div3A : i32
    %add3A_70 = arith.constant 0 : i32
    %add3A_71 = arith.addi %mul3A_47, %add3A_70 : i32
    "tpu.region"() ({
      %run_scoped3A_176 = tpu.sem_alloc : memref<!tpu.dma_semaphore, #tpu.memory_space<semaphore_mem>>
      %dma_start3A_177 = tpu.memref_slice %arg5[%add3A_71] : memref<320000xi32, #tpu.memory_space<hbm>> -> memref<2000xi32, #tpu.memory_space<hbm>>
      %dma_start3A_178 = tpu.memref_slice %arg5[%add3A_71] : memref<320000xi32, #tpu.memory_space<hbm>> -> memref<2000xi32, #tpu.memory_space<hbm>>
      tpu.enqueue_dma source(%dma_start3A_178 : memref<2000xi32, #tpu.memory_space<hbm>>) target(%arg10 : memref<2000xi32, #tpu.memory_space<vmem>>) target_semaphore(%run_scoped3A_176 : memref<!tpu.dma_semaphore, #tpu.memory_space<semaphore_mem>>)
      %dma_wait3A_179 = tpu.memref_slice %arg5[%add3A_71] : memref<320000xi32, #tpu.memory_space<hbm>> -> memref<2000xi32, #tpu.memory_space<hbm>>
      %dma_wait3A_180 = tpu.memref_slice %arg5[%add3A_71] : memref<320000xi32, #tpu.memory_space<hbm>> -> memref<2000xi32, #tpu.memory_space<hbm>>
      tpu.wait_dma2 semaphore(%run_scoped3A_176 : memref<!tpu.dma_semaphore, #tpu.memory_space<semaphore_mem>>) src(%dma_wait3A_180 : memref<2000xi32, #tpu.memory_space<hbm>>) dst(%arg10 : memref<2000xi32, #tpu.memory_space<vmem>>)
      tpu.yield
    }) : () -> ()
    %add3A_72 = arith.constant 0 : i32
    %add3A_73 = arith.addi %mul3A_47, %add3A_72 : i32
    "tpu.region"() ({
      %run_scoped3A_176 = tpu.sem_alloc : memref<!tpu.dma_semaphore, #tpu.memory_space<semaphore_mem>>
      %dma_start3A_177 = tpu.memref_slice %arg6[%add3A_73] : memref<320000xi32, #tpu.memory_space<hbm>> -> memref<2000xi32, #tpu.memory_space<hbm>>
      %dma_start3A_178 = tpu.memref_slice %arg6[%add3A_73] : memref<320000xi32, #tpu.memory_space<hbm>> -> memref<2000xi32, #tpu.memory_space<hbm>>
      tpu.enqueue_dma source(%dma_start3A_178 : memref<2000xi32, #tpu.memory_space<hbm>>) target(%arg11 : memref<2000xi32, #tpu.memory_space<vmem>>) target_semaphore(%run_scoped3A_176 : memref<!tpu.dma_semaphore, #tpu.memory_space<semaphore_mem>>)
      %dma_wait3A_179 = tpu.memref_slice %arg6[%add3A_73] : memref<320000xi32, #tpu.memory_space<hbm>> -> memref<2000xi32, #tpu.memory_space<hbm>>
      %dma_wait3A_180 = tpu.memref_slice %arg6[%add3A_73] : memref<320000xi32, #tpu.memory_space<hbm>> -> memref<2000xi32, #tpu.memory_space<hbm>>
      tpu.wait_dma2 semaphore(%run_scoped3A_176 : memref<!tpu.dma_semaphore, #tpu.memory_space<semaphore_mem>>) src(%dma_wait3A_180 : memref<2000xi32, #tpu.memory_space<hbm>>) dst(%arg11 : memref<2000xi32, #tpu.memory_space<vmem>>)
      tpu.yield
    }) : () -> ()
    %scan3A_74 = arith.constant 0 : i32
    %scan3A_75 = arith.constant 0 : i32
    %scan3A_76 = arith.constant 125 : i32
    %scan3A_77 = arith.addi %scan3A_75, %scan3A_76 : i32
    %scan3A_78 = arith.constant 1 : i32
    scf.for %scan3A_176 = %scan3A_75 to %scan3A_77 step %scan3A_78  : i32 {
      %mul3A_177 = arith.constant 16 : i32
      %mul3A_178 = arith.muli %mul3A_177, %scan3A_176 : i32
      %get3A_179 = arith.index_cast %mul3A_178 : i32 to index
      %get3A_180 = tpu.vector_load %arg10[%get3A_179] {strides = array<i32>} : memref<2000xi32, #tpu.memory_space<vmem>>, vector<16xi32>,
      %add3A_181 = vector.broadcast %mul3A_45 : i32 to vector<16xi32>
      %add3A_182 = arith.addi %get3A_180, %add3A_181 : vector<16xi32>
      %swap3A = arith.index_cast %mul3A_178 : i32 to index
      %swap3A_183 = tpu.vector_load %arg10[%swap3A] {strides = array<i32>} : memref<2000xi32, #tpu.memory_space<vmem>>, vector<16xi32>,
      tpu.vector_store %arg10[%swap3A], %add3A_182 {strides = array<i32>} : memref<2000xi32, #tpu.memory_space<vmem>>, vector<16xi32>,
      %get3A_184 = arith.index_cast %mul3A_178 : i32 to index
      %get3A_185 = tpu.vector_load %arg11[%get3A_184] {strides = array<i32>} : memref<2000xi32, #tpu.memory_space<vmem>>, vector<16xi32>,
      %add3A_186 = vector.broadcast %mul3A_45 : i32 to vector<16xi32>
      %add3A_187 = arith.addi %get3A_185, %add3A_186 : vector<16xi32>
      %swap3A_188 = arith.index_cast %mul3A_178 : i32 to index
      %swap3A_189 = tpu.vector_load %arg12[%swap3A_188] {strides = array<i32>} : memref<2000xi32, #tpu.memory_space<vmem>>, vector<16xi32>,
      tpu.vector_store %arg12[%swap3A_188], %add3A_187 {strides = array<i32>} : memref<2000xi32, #tpu.memory_space<vmem>>, vector<16xi32>,
    }
    %scan3A_79 = arith.constant 125 : i32
    %rem3A_80 = arith.constant 0 : i32
    %rem3A_81 = arith.constant 25 : i32
    %rem3A_82 = arith.remsi %rem3A_80, %rem3A_81 : i32
    %mul3A_83 = arith.constant 80 : i32
    %mul3A_84 = arith.muli %rem3A_82, %mul3A_83 : i32
    %scan3A_85 = arith.constant 0 : i32
    %scan3A_86 = arith.constant 0 : i32
    %scan3A_87 = arith.constant 0 : i32
    %scan3A_88 = arith.constant 0 : i32
    %scan3A_89 = arith.constant 5 : i32
    %scan3A_90 = arith.addi %scan3A_88, %scan3A_89 : i32
    %scan3A_91 = arith.constant 1 : i32
    scf.for %scan3A_176 = %scan3A_88 to %scan3A_90 step %scan3A_91  : i32 {
      %mul3A_177 = arith.constant 16 : i32
      %mul3A_178 = arith.muli %mul3A_177, %scan3A_176 : i32
      %add3A_179 = arith.addi %mul3A_84, %mul3A_178 : i32
      %get3A_180 = arith.index_cast %add3A_179 : i32 to index
      %get3A_181 = tpu.vector_load %arg10[%get3A_180] {strides = array<i32>} : memref<2000xi32, #tpu.memory_space<vmem>>, vector<16xi32>,
      %mul3A_182 = arith.constant 16 : i32
      %mul3A_183 = arith.muli %mul3A_182, %scan3A_176 : i32
      %swap3A = arith.constant 0 : i32
      %swap3A_184 = tpu.memref_slice %arg14[%scan3A_86, %swap3A] : memref<2x80xi32, #tpu.memory_space<vmem>> -> memref<1x80xi32, #tpu.memory_space<vmem>>
      %swap3A_185 = tpu.memref_squeeze %swap3A_184 : memref<1x80xi32, #tpu.memory_space<vmem>> -> memref<80xi32, #tpu.memory_space<vmem>>
      %swap3A_186 = arith.index_cast %mul3A_183 : i32 to index
      %swap3A_187 = tpu.vector_load %swap3A_185[%swap3A_186] {strides = array<i32>} : memref<80xi32, #tpu.memory_space<vmem>>, vector<16xi32>,
      tpu.vector_store %swap3A_185[%swap3A_186], %get3A_181 {strides = array<i32>} : memref<80xi32, #tpu.memory_space<vmem>>, vector<16xi32>,
      %mul3A_188 = arith.constant 16 : i32
      %mul3A_189 = arith.muli %mul3A_188, %scan3A_176 : i32
      %add3A_190 = arith.addi %mul3A_84, %mul3A_189 : i32
      %get3A_191 = arith.index_cast %add3A_190 : i32 to index
      %get3A_192 = tpu.vector_load %arg12[%get3A_191] {strides = array<i32>} : memref<2000xi32, #tpu.memory_space<vmem>>, vector<16xi32>,
      %mul3A_193 = arith.constant 16 : i32
      %mul3A_194 = arith.muli %mul3A_193, %scan3A_176 : i32
      %swap3A_195 = arith.constant 0 : i32
      %swap3A_196 = tpu.memref_slice %arg15[%scan3A_87, %swap3A_195] : memref<2x80xi32, #tpu.memory_space<vmem>> -> memref<1x80xi32, #tpu.memory_space<vmem>>
      %swap3A_197 = tpu.memref_squeeze %swap3A_196 : memref<1x80xi32, #tpu.memory_space<vmem>> -> memref<80xi32, #tpu.memory_space<vmem>>
      %swap3A_198 = arith.index_cast %mul3A_194 : i32 to index
      %swap3A_199 = tpu.vector_load %swap3A_197[%swap3A_198] {strides = array<i32>} : memref<80xi32, #tpu.memory_space<vmem>>, vector<16xi32>,
      tpu.vector_store %swap3A_197[%swap3A_198], %get3A_192 {strides = array<i32>} : memref<80xi32, #tpu.memory_space<vmem>>, vector<16xi32>,
    }
    %scan3A_92 = arith.constant 5 : i32
    %dma_start3A = arith.constant 0 : i32
    %dma_start3A_93 = arith.constant 0 : i32
    %dma_start3A_94 = arith.constant 0 : i32
    %dma_start3A_95 = arith.constant 0 : i32
    %dma_start3A_96 = arith.constant 0 : i32
    %dma_start3A_97 = tpu.memref_slice %arg16[%dma_start3A_93, %dma_start3A_95, %dma_start3A_96] : memref<2x80x64xf32, #tpu.memory_space<vmem>> -> memref<1x80x64xf32, #tpu.memory_space<vmem>>
    %dma_start3A_98 = tpu.memref_squeeze %dma_start3A_97 : memref<1x80x64xf32, #tpu.memory_space<vmem>> -> memref<80x64xf32, #tpu.memory_space<vmem>>
    %dma_start3A_99 = arith.constant 0 : i32
    %dma_start3A_100 = tpu.memref_slice %arg14[%dma_start3A, %dma_start3A_99] : memref<2x80xi32, #tpu.memory_space<vmem>> -> memref<1x80xi32, #tpu.memory_space<vmem>>
    %dma_start3A_101 = tpu.memref_squeeze %dma_start3A_100 : memref<1x80xi32, #tpu.memory_space<vmem>> -> memref<80xi32, #tpu.memory_space<vmem>>
    %dma_start3A_102 = arith.constant 0 : i32
    %dma_start3A_103 = arith.constant 0 : i32
    %dma_start3A_104 = tpu.memref_slice %arg2[%dma_start3A_102, %dma_start3A_103] : memref<20000x64xf32, #tpu.memory_space<hbm>> -> memref<20000x64xf32, #tpu.memory_space<hbm>>
    %dma_start3A_105 = tpu.memref_slice %arg23[%dma_start3A_94] : memref<2x!tpu.dma_semaphore, #tpu.memory_space<semaphore_mem>> -> memref<1x!tpu.dma_semaphore, #tpu.memory_space<semaphore_mem>>
    %dma_start3A_106 = tpu.memref_squeeze %dma_start3A_105 : memref<1x!tpu.dma_semaphore, #tpu.memory_space<semaphore_mem>> -> memref<!tpu.dma_semaphore, #tpu.memory_space<semaphore_mem>>
    tpu.enqueue_indirect_dma source(%dma_start3A_104 : memref<20000x64xf32, #tpu.memory_space<hbm>>) target(%dma_start3A_98 : memref<80x64xf32, #tpu.memory_space<vmem>>) offsets(%dma_start3A_101 : memref<80xi32, #tpu.memory_space<vmem>>) semaphore(%dma_start3A_106 : memref<!tpu.dma_semaphore, #tpu.memory_space<semaphore_mem>>)
    %dma_start3A_107 = arith.constant 0 : i32
    %dma_start3A_108 = arith.constant 0 : i32
    %dma_start3A_109 = arith.constant 0 : i32
    %dma_start3A_110 = arith.constant 0 : i32
    %dma_start3A_111 = arith.constant 0 : i32
    %dma_start3A_112 = tpu.memref_slice %arg17[%dma_start3A_108, %dma_start3A_110, %dma_start3A_111] : memref<2x80x64xf32, #tpu.memory_space<vmem>> -> memref<1x80x64xf32, #tpu.memory_space<vmem>>
    %dma_start3A_113 = tpu.memref_squeeze %dma_start3A_112 : memref<1x80x64xf32, #tpu.memory_space<vmem>> -> memref<80x64xf32, #tpu.memory_space<vmem>>
    %dma_start3A_114 = arith.constant 0 : i32
    %dma_start3A_115 = tpu.memref_slice %arg15[%dma_start3A_107, %dma_start3A_114] : memref<2x80xi32, #tpu.memory_space<vmem>> -> memref<1x80xi32, #tpu.memory_space<vmem>>
    %dma_start3A_116 = tpu.memref_squeeze %dma_start3A_115 : memref<1x80xi32, #tpu.memory_space<vmem>> -> memref<80xi32, #tpu.memory_space<vmem>>
    %dma_start3A_117 = arith.constant 0 : i32
    %dma_start3A_118 = arith.constant 0 : i32
    %dma_start3A_119 = tpu.memref_slice %arg3[%dma_start3A_117, %dma_start3A_118] : memref<20000x64xf32, #tpu.memory_space<hbm>> -> memref<20000x64xf32, #tpu.memory_space<hbm>>
    %dma_start3A_120 = tpu.memref_slice %arg23[%dma_start3A_109] : memref<2x!tpu.dma_semaphore, #tpu.memory_space<semaphore_mem>> -> memref<1x!tpu.dma_semaphore, #tpu.memory_space<semaphore_mem>>
    %dma_start3A_121 = tpu.memref_squeeze %dma_start3A_120 : memref<1x!tpu.dma_semaphore, #tpu.memory_space<semaphore_mem>> -> memref<!tpu.dma_semaphore, #tpu.memory_space<semaphore_mem>>
    tpu.enqueue_indirect_dma source(%dma_start3A_119 : memref<20000x64xf32, #tpu.memory_space<hbm>>) target(%dma_start3A_113 : memref<80x64xf32, #tpu.memory_space<vmem>>) offsets(%dma_start3A_116 : memref<80xi32, #tpu.memory_space<vmem>>) semaphore(%dma_start3A_121 : memref<!tpu.dma_semaphore, #tpu.memory_space<semaphore_mem>>)
    %add3A_122 = arith.constant 0 : i32
    %add3A_123 = arith.addi %select_n3A, %add3A_122 : i32
    %dma_start3A_124 = arith.constant 0 : i32
    %dma_start3A_125 = arith.constant 0 : i32
    %dma_start3A_126 = arith.constant 0 : i32
    %dma_start3A_127 = arith.constant 0 : i32
    %dma_start3A_128 = tpu.memref_slice %arg18[%dma_start3A_124, %dma_start3A_126, %dma_start3A_127] : memref<2x40x128xf32, #tpu.memory_space<vmem>> -> memref<1x40x128xf32, #tpu.memory_space<vmem>>
    %dma_start3A_129 = tpu.memref_squeeze %dma_start3A_128 : memref<1x40x128xf32, #tpu.memory_space<vmem>> -> memref<40x128xf32, #tpu.memory_space<vmem>>
    %dma_start3A_130 = arith.constant 0 : i32
    %dma_start3A_131 = tpu.memref_slice %arg4[%add3A_123, %dma_start3A_130] : memref<1280000x128xf32, #tpu.memory_space<hbm>> -> memref<40x128xf32, #tpu.memory_space<hbm>>
    %dma_start3A_132 = tpu.memref_slice %arg23[%dma_start3A_125] : memref<2x!tpu.dma_semaphore, #tpu.memory_space<semaphore_mem>> -> memref<1x!tpu.dma_semaphore, #tpu.memory_space<semaphore_mem>>
    %dma_start3A_133 = tpu.memref_squeeze %dma_start3A_132 : memref<1x!tpu.dma_semaphore, #tpu.memory_space<semaphore_mem>> -> memref<!tpu.dma_semaphore, #tpu.memory_space<semaphore_mem>>
    %dma_start3A_134 = arith.constant 0 : i32
    %dma_start3A_135 = arith.constant 0 : i32
    %dma_start3A_136 = tpu.memref_slice %arg18[%dma_start3A_124, %dma_start3A_134, %dma_start3A_135] : memref<2x40x128xf32, #tpu.memory_space<vmem>> -> memref<1x40x128xf32, #tpu.memory_space<vmem>>
    %dma_start3A_137 = tpu.memref_squeeze %dma_start3A_136 : memref<1x40x128xf32, #tpu.memory_space<vmem>> -> memref<40x128xf32, #tpu.memory_space<vmem>>
    %dma_start3A_138 = arith.constant 0 : i32
    %dma_start3A_139 = tpu.memref_slice %arg4[%add3A_123, %dma_start3A_138] : memref<1280000x128xf32, #tpu.memory_space<hbm>> -> memref<40x128xf32, #tpu.memory_space<hbm>>
    tpu.enqueue_dma source(%dma_start3A_139 : memref<40x128xf32, #tpu.memory_space<hbm>>) target(%dma_start3A_137 : memref<40x128xf32, #tpu.memory_space<vmem>>) target_semaphore(%dma_start3A_133 : memref<!tpu.dma_semaphore, #tpu.memory_space<semaphore_mem>>)
    %scan3A_140 = arith.constant 0 : i32
    %scan3A_141 = arith.constant 0 : i32
    %scan3A_142 = arith.constant 250 : i32
    %scan3A_143 = arith.addi %scan3A_141, %scan3A_142 : i32
    %scan3A_144 = arith.constant 1 : i32
    scf.for %scan3A_176 = %scan3A_141 to %scan3A_143 step %scan3A_144  : i32 {
      %rem3A_177 = arith.constant 2 : i32
      %rem3A_178 = arith.remsi %scan3A_176, %rem3A_177 : i32
      %ge3A = arith.constant 2 : i32
      %ge3A_179 = arith.cmpi sge, %scan3A_176, %ge3A : i32
      %convert_element_type3A = arith.extui %ge3A_179 : i1 to i32
      %cond3A = arith.constant 0 : i32
      %cond3A_180 = arith.cmpi ne, %convert_element_type3A, %cond3A : i32
      scf.if %cond3A_180 {
        %dma_wait3A_269 = arith.constant 0 : i32
        %dma_wait3A_270 = arith.constant 0 : i32
        %dma_wait3A_271 = tpu.memref_slice %arg19[%rem3A_178, %dma_wait3A_269, %dma_wait3A_270] : memref<2x80x80xf32, #tpu.memory_space<vmem>> -> memref<1x80x80xf32, #tpu.memory_space<vmem>>
        %dma_wait3A_272 = tpu.memref_squeeze %dma_wait3A_271 : memref<1x80x80xf32, #tpu.memory_space<vmem>> -> memref<80x80xf32, #tpu.memory_space<vmem>>
        %dma_wait3A_273 = arith.constant 0 : i32
        %dma_wait3A_274 = tpu.memref_slice %arg13[%rem3A_178, %dma_wait3A_273] : memref<2x80xi32, #tpu.memory_space<vmem>> -> memref<1x80xi32, #tpu.memory_space<vmem>>
        %dma_wait3A_275 = tpu.memref_squeeze %dma_wait3A_274 : memref<1x80xi32, #tpu.memory_space<vmem>> -> memref<80xi32, #tpu.memory_space<vmem>>
        %dma_wait3A_276 = arith.constant 0 : i32
        %dma_wait3A_277 = arith.constant 0 : i32
        %dma_wait3A_278 = tpu.memref_slice %arg22[%dma_wait3A_276, %dma_wait3A_277] : memref<10240x80xf32, #tpu.memory_space<vmem_shared>> -> memref<10240x80xf32, #tpu.memory_space<vmem_shared>>
        %dma_wait3A_279 = tpu.memref_slice %arg24[%rem3A_178] : memref<2x!tpu.dma_semaphore, #tpu.memory_space<semaphore_mem>> -> memref<1x!tpu.dma_semaphore, #tpu.memory_space<semaphore_mem>>
        %dma_wait3A_280 = tpu.memref_squeeze %dma_wait3A_279 : memref<1x!tpu.dma_semaphore, #tpu.memory_space<semaphore_mem>> -> memref<!tpu.dma_semaphore, #tpu.memory_space<semaphore_mem>>
        tpu.wait_indirect_dma semaphore(%dma_wait3A_280 : memref<!tpu.dma_semaphore, #tpu.memory_space<semaphore_mem>>) src(%dma_wait3A_272 : memref<80x80xf32, #tpu.memory_space<vmem>>) dst(%dma_wait3A_278 : memref<10240x80xf32, #tpu.memory_space<vmem_shared>>)
      } else {
      }
      %rem3A_181 = arith.constant 25 : i32
      %rem3A_182 = arith.remsi %scan3A_176, %rem3A_181 : i32
      %mul3A_183 = arith.constant 80 : i32
      %mul3A_184 = arith.muli %rem3A_182, %mul3A_183 : i32
      %scan3A_185 = arith.constant 0 : i32
      %scan3A_186 = arith.constant 0 : i32
      %scan3A_187 = arith.constant 5 : i32
      %scan3A_188 = arith.addi %scan3A_186, %scan3A_187 : i32
      %scan3A_189 = arith.constant 1 : i32
      scf.for %scan3A_269 = %scan3A_186 to %scan3A_188 step %scan3A_189  : i32 {
        %mul3A_270 = arith.constant 16 : i32
        %mul3A_271 = arith.muli %mul3A_270, %scan3A_269 : i32
        %add3A_272 = arith.addi %mul3A_184, %mul3A_271 : i32
        %get3A_273 = arith.index_cast %add3A_272 : i32 to index
        %get3A_274 = tpu.vector_load %arg11[%get3A_273] {strides = array<i32>} : memref<2000xi32, #tpu.memory_space<vmem>>, vector<16xi32>,
        %mul3A_275 = arith.constant 16 : i32
        %mul3A_276 = arith.muli %mul3A_275, %scan3A_269 : i32
        %swap3A = arith.constant 0 : i32
        %swap3A_277 = tpu.memref_slice %arg13[%rem3A_178, %swap3A] : memref<2x80xi32, #tpu.memory_space<vmem>> -> memref<1x80xi32, #tpu.memory_space<vmem>>
        %swap3A_278 = tpu.memref_squeeze %swap3A_277 : memref<1x80xi32, #tpu.memory_space<vmem>> -> memref<80xi32, #tpu.memory_space<vmem>>
        %swap3A_279 = arith.index_cast %mul3A_276 : i32 to index
        %swap3A_280 = tpu.vector_load %swap3A_278[%swap3A_279] {strides = array<i32>} : memref<80xi32, #tpu.memory_space<vmem>>, vector<16xi32>,
        tpu.vector_store %swap3A_278[%swap3A_279], %get3A_274 {strides = array<i32>} : memref<80xi32, #tpu.memory_space<vmem>>, vector<16xi32>,
      }
      %scan3A_190 = arith.constant 5 : i32
      %add3A_191 = arith.constant 1 : i32
      %add3A_192 = arith.addi %scan3A_176, %add3A_191 : i32
      %lt3A = arith.constant 250 : i32
      %lt3A_193 = arith.cmpi slt, %add3A_192, %lt3A : i32
      %add3A_194 = arith.constant 1 : i32
      %add3A_195 = arith.addi %scan3A_176, %add3A_194 : i32
      %rem3A_196 = arith.constant 25 : i32
      %rem3A_197 = arith.remsi %add3A_195, %rem3A_196 : i32
      %eq3A = arith.constant 0 : i32
      %eq3A_198 = arith.cmpi eq, %rem3A_197, %eq3A : i32
      %and3A_199 = arith.andi %lt3A_193, %eq3A_198 : i1
      %convert_element_type3A_200 = arith.extui %and3A_199 : i1 to i32
      %cond3A_201 = arith.constant 0 : i32
      %cond3A_202 = arith.cmpi ne, %convert_element_type3A_200, %cond3A_201 : i32
      scf.if %cond3A_202 {
        %add3A_269 = arith.constant 1 : i32
        %add3A_270 = arith.addi %scan3A_176, %add3A_269 : i32
        %div3A_271 = arith.constant 25 : i32
        %div3A_272 = arith.divsi %add3A_270, %div3A_271 : i32
        %mul3A_273 = arith.constant 2000 : i32
        %mul3A_274 = arith.muli %div3A_272, %mul3A_273 : i32
        %add3A_275 = arith.addi %mul3A_47, %mul3A_274 : i32
        "tpu.region"() ({
          %run_scoped3A_283 = tpu.sem_alloc : memref<!tpu.dma_semaphore, #tpu.memory_space<semaphore_mem>>
          %dma_start3A_284 = tpu.memref_slice %arg5[%add3A_275] : memref<320000xi32, #tpu.memory_space<hbm>> -> memref<2000xi32, #tpu.memory_space<hbm>>
          %dma_start3A_285 = tpu.memref_slice %arg5[%add3A_275] : memref<320000xi32, #tpu.memory_space<hbm>> -> memref<2000xi32, #tpu.memory_space<hbm>>
          tpu.enqueue_dma source(%dma_start3A_285 : memref<2000xi32, #tpu.memory_space<hbm>>) target(%arg10 : memref<2000xi32, #tpu.memory_space<vmem>>) target_semaphore(%run_scoped3A_283 : memref<!tpu.dma_semaphore, #tpu.memory_space<semaphore_mem>>)
          %dma_wait3A_286 = tpu.memref_slice %arg5[%add3A_275] : memref<320000xi32, #tpu.memory_space<hbm>> -> memref<2000xi32, #tpu.memory_space<hbm>>
          %dma_wait3A_287 = tpu.memref_slice %arg5[%add3A_275] : memref<320000xi32, #tpu.memory_space<hbm>> -> memref<2000xi32, #tpu.memory_space<hbm>>
          tpu.wait_dma2 semaphore(%run_scoped3A_283 : memref<!tpu.dma_semaphore, #tpu.memory_space<semaphore_mem>>) src(%dma_wait3A_287 : memref<2000xi32, #tpu.memory_space<hbm>>) dst(%arg10 : memref<2000xi32, #tpu.memory_space<vmem>>)
          tpu.yield
        }) : () -> ()
        %add3A_276 = arith.addi %mul3A_47, %mul3A_274 : i32
        "tpu.region"() ({
          %run_scoped3A_283 = tpu.sem_alloc : memref<!tpu.dma_semaphore, #tpu.memory_space<semaphore_mem>>
          %dma_start3A_284 = tpu.memref_slice %arg6[%add3A_276] : memref<320000xi32, #tpu.memory_space<hbm>> -> memref<2000xi32, #tpu.memory_space<hbm>>
          %dma_start3A_285 = tpu.memref_slice %arg6[%add3A_276] : memref<320000xi32, #tpu.memory_space<hbm>> -> memref<2000xi32, #tpu.memory_space<hbm>>
          tpu.enqueue_dma source(%dma_start3A_285 : memref<2000xi32, #tpu.memory_space<hbm>>) target(%arg11 : memref<2000xi32, #tpu.memory_space<vmem>>) target_semaphore(%run_scoped3A_283 : memref<!tpu.dma_semaphore, #tpu.memory_space<semaphore_mem>>)
          %dma_wait3A_286 = tpu.memref_slice %arg6[%add3A_276] : memref<320000xi32, #tpu.memory_space<hbm>> -> memref<2000xi32, #tpu.memory_space<hbm>>
          %dma_wait3A_287 = tpu.memref_slice %arg6[%add3A_276] : memref<320000xi32, #tpu.memory_space<hbm>> -> memref<2000xi32, #tpu.memory_space<hbm>>
          tpu.wait_dma2 semaphore(%run_scoped3A_283 : memref<!tpu.dma_semaphore, #tpu.memory_space<semaphore_mem>>) src(%dma_wait3A_287 : memref<2000xi32, #tpu.memory_space<hbm>>) dst(%arg11 : memref<2000xi32, #tpu.memory_space<vmem>>)
          tpu.yield
        }) : () -> ()
        %scan3A_277 = arith.constant 0 : i32
        %scan3A_278 = arith.constant 0 : i32
        %scan3A_279 = arith.constant 125 : i32
        %scan3A_280 = arith.addi %scan3A_278, %scan3A_279 : i32
        %scan3A_281 = arith.constant 1 : i32
        scf.for %scan3A_283 = %scan3A_278 to %scan3A_280 step %scan3A_281  : i32 {
          %mul3A_284 = arith.constant 16 : i32
          %mul3A_285 = arith.muli %mul3A_284, %scan3A_283 : i32
          %get3A_286 = arith.index_cast %mul3A_285 : i32 to index
          %get3A_287 = tpu.vector_load %arg10[%get3A_286] {strides = array<i32>} : memref<2000xi32, #tpu.memory_space<vmem>>, vector<16xi32>,
          %add3A_288 = vector.broadcast %mul3A_45 : i32 to vector<16xi32>
          %add3A_289 = arith.addi %get3A_287, %add3A_288 : vector<16xi32>
          %swap3A = arith.index_cast %mul3A_285 : i32 to index
          %swap3A_290 = tpu.vector_load %arg10[%swap3A] {strides = array<i32>} : memref<2000xi32, #tpu.memory_space<vmem>>, vector<16xi32>,
          tpu.vector_store %arg10[%swap3A], %add3A_289 {strides = array<i32>} : memref<2000xi32, #tpu.memory_space<vmem>>, vector<16xi32>,
          %get3A_291 = arith.index_cast %mul3A_285 : i32 to index
          %get3A_292 = tpu.vector_load %arg11[%get3A_291] {strides = array<i32>} : memref<2000xi32, #tpu.memory_space<vmem>>, vector<16xi32>,
          %add3A_293 = vector.broadcast %mul3A_45 : i32 to vector<16xi32>
          %add3A_294 = arith.addi %get3A_292, %add3A_293 : vector<16xi32>
          %swap3A_295 = arith.index_cast %mul3A_285 : i32 to index
          %swap3A_296 = tpu.vector_load %arg12[%swap3A_295] {strides = array<i32>} : memref<2000xi32, #tpu.memory_space<vmem>>, vector<16xi32>,
          tpu.vector_store %arg12[%swap3A_295], %add3A_294 {strides = array<i32>} : memref<2000xi32, #tpu.memory_space<vmem>>, vector<16xi32>,
        }
        %scan3A_282 = arith.constant 125 : i32
      } else {
      }
      %add3A_203 = arith.constant 1 : i32
      %add3A_204 = arith.addi %scan3A_176, %add3A_203 : i32
      %lt3A_205 = arith.constant 250 : i32
      %lt3A_206 = arith.cmpi slt, %add3A_204, %lt3A_205 : i32
      %convert_element_type3A_207 = arith.extui %lt3A_206 : i1 to i32
      %cond3A_208 = arith.constant 0 : i32
      %cond3A_209 = arith.cmpi ne, %convert_element_type3A_207, %cond3A_208 : i32
      scf.if %cond3A_209 {
        %add3A_269 = arith.constant 1 : i32
        %add3A_270 = arith.addi %scan3A_176, %add3A_269 : i32
        %sub3A_271 = arith.constant 1 : i32
        %sub3A_272 = arith.subi %sub3A_271, %rem3A_178 : i32
        %rem3A_273 = arith.constant 25 : i32
        %rem3A_274 = arith.remsi %add3A_270, %rem3A_273 : i32
        %mul3A_275 = arith.constant 80 : i32
        %mul3A_276 = arith.muli %rem3A_274, %mul3A_275 : i32
        %scan3A_277 = arith.constant 0 : i32
        %scan3A_278 = arith.constant 0 : i32
        %scan3A_279 = arith.constant 5 : i32
        %scan3A_280 = arith.addi %scan3A_278, %scan3A_279 : i32
        %scan3A_281 = arith.constant 1 : i32
        scf.for %scan3A_324 = %scan3A_278 to %scan3A_280 step %scan3A_281  : i32 {
          %mul3A_325 = arith.constant 16 : i32
          %mul3A_326 = arith.muli %mul3A_325, %scan3A_324 : i32
          %add3A_327 = arith.addi %mul3A_276, %mul3A_326 : i32
          %get3A_328 = arith.index_cast %add3A_327 : i32 to index
          %get3A_329 = tpu.vector_load %arg10[%get3A_328] {strides = array<i32>} : memref<2000xi32, #tpu.memory_space<vmem>>, vector<16xi32>,
          %mul3A_330 = arith.constant 16 : i32
          %mul3A_331 = arith.muli %mul3A_330, %scan3A_324 : i32
          %swap3A = arith.constant 0 : i32
          %swap3A_332 = tpu.memref_slice %arg14[%sub3A_272, %swap3A] : memref<2x80xi32, #tpu.memory_space<vmem>> -> memref<1x80xi32, #tpu.memory_space<vmem>>
          %swap3A_333 = tpu.memref_squeeze %swap3A_332 : memref<1x80xi32, #tpu.memory_space<vmem>> -> memref<80xi32, #tpu.memory_space<vmem>>
          %swap3A_334 = arith.index_cast %mul3A_331 : i32 to index
          %swap3A_335 = tpu.vector_load %swap3A_333[%swap3A_334] {strides = array<i32>} : memref<80xi32, #tpu.memory_space<vmem>>, vector<16xi32>,
          tpu.vector_store %swap3A_333[%swap3A_334], %get3A_329 {strides = array<i32>} : memref<80xi32, #tpu.memory_space<vmem>>, vector<16xi32>,
          %mul3A_336 = arith.constant 16 : i32
          %mul3A_337 = arith.muli %mul3A_336, %scan3A_324 : i32
          %add3A_338 = arith.addi %mul3A_276, %mul3A_337 : i32
          %get3A_339 = arith.index_cast %add3A_338 : i32 to index
          %get3A_340 = tpu.vector_load %arg12[%get3A_339] {strides = array<i32>} : memref<2000xi32, #tpu.memory_space<vmem>>, vector<16xi32>,
          %mul3A_341 = arith.constant 16 : i32
          %mul3A_342 = arith.muli %mul3A_341, %scan3A_324 : i32
          %swap3A_343 = arith.constant 0 : i32
          %swap3A_344 = tpu.memref_slice %arg15[%sub3A_272, %swap3A_343] : memref<2x80xi32, #tpu.memory_space<vmem>> -> memref<1x80xi32, #tpu.memory_space<vmem>>
          %swap3A_345 = tpu.memref_squeeze %swap3A_344 : memref<1x80xi32, #tpu.memory_space<vmem>> -> memref<80xi32, #tpu.memory_space<vmem>>
          %swap3A_346 = arith.index_cast %mul3A_342 : i32 to index
          %swap3A_347 = tpu.vector_load %swap3A_345[%swap3A_346] {strides = array<i32>} : memref<80xi32, #tpu.memory_space<vmem>>, vector<16xi32>,
          tpu.vector_store %swap3A_345[%swap3A_346], %get3A_340 {strides = array<i32>} : memref<80xi32, #tpu.memory_space<vmem>>, vector<16xi32>,
        }
        %scan3A_282 = arith.constant 5 : i32
        %dma_start3A_283 = arith.constant 0 : i32
        %dma_start3A_284 = arith.constant 0 : i32
        %dma_start3A_285 = tpu.memref_slice %arg16[%sub3A_272, %dma_start3A_283, %dma_start3A_284] : memref<2x80x64xf32, #tpu.memory_space<vmem>> -> memref<1x80x64xf32, #tpu.memory_space<vmem>>
        %dma_start3A_286 = tpu.memref_squeeze %dma_start3A_285 : memref<1x80x64xf32, #tpu.memory_space<vmem>> -> memref<80x64xf32, #tpu.memory_space<vmem>>
        %dma_start3A_287 = arith.constant 0 : i32
        %dma_start3A_288 = tpu.memref_slice %arg14[%sub3A_272, %dma_start3A_287] : memref<2x80xi32, #tpu.memory_space<vmem>> -> memref<1x80xi32, #tpu.memory_space<vmem>>
        %dma_start3A_289 = tpu.memref_squeeze %dma_start3A_288 : memref<1x80xi32, #tpu.memory_space<vmem>> -> memref<80xi32, #tpu.memory_space<vmem>>
        %dma_start3A_290 = arith.constant 0 : i32
        %dma_start3A_291 = arith.constant 0 : i32
        %dma_start3A_292 = tpu.memref_slice %arg2[%dma_start3A_290, %dma_start3A_291] : memref<20000x64xf32, #tpu.memory_space<hbm>> -> memref<20000x64xf32, #tpu.memory_space<hbm>>
        %dma_start3A_293 = tpu.memref_slice %arg23[%sub3A_272] : memref<2x!tpu.dma_semaphore, #tpu.memory_space<semaphore_mem>> -> memref<1x!tpu.dma_semaphore, #tpu.memory_space<semaphore_mem>>
        %dma_start3A_294 = tpu.memref_squeeze %dma_start3A_293 : memref<1x!tpu.dma_semaphore, #tpu.memory_space<semaphore_mem>> -> memref<!tpu.dma_semaphore, #tpu.memory_space<semaphore_mem>>
        tpu.enqueue_indirect_dma source(%dma_start3A_292 : memref<20000x64xf32, #tpu.memory_space<hbm>>) target(%dma_start3A_286 : memref<80x64xf32, #tpu.memory_space<vmem>>) offsets(%dma_start3A_289 : memref<80xi32, #tpu.memory_space<vmem>>) semaphore(%dma_start3A_294 : memref<!tpu.dma_semaphore, #tpu.memory_space<semaphore_mem>>)
        %dma_start3A_295 = arith.constant 0 : i32
        %dma_start3A_296 = arith.constant 0 : i32
        %dma_start3A_297 = tpu.memref_slice %arg17[%sub3A_272, %dma_start3A_295, %dma_start3A_296] : memref<2x80x64xf32, #tpu.memory_space<vmem>> -> memref<1x80x64xf32, #tpu.memory_space<vmem>>
        %dma_start3A_298 = tpu.memref_squeeze %dma_start3A_297 : memref<1x80x64xf32, #tpu.memory_space<vmem>> -> memref<80x64xf32, #tpu.memory_space<vmem>>
        %dma_start3A_299 = arith.constant 0 : i32
        %dma_start3A_300 = tpu.memref_slice %arg15[%sub3A_272, %dma_start3A_299] : memref<2x80xi32, #tpu.memory_space<vmem>> -> memref<1x80xi32, #tpu.memory_space<vmem>>
        %dma_start3A_301 = tpu.memref_squeeze %dma_start3A_300 : memref<1x80xi32, #tpu.memory_space<vmem>> -> memref<80xi32, #tpu.memory_space<vmem>>
        %dma_start3A_302 = arith.constant 0 : i32
        %dma_start3A_303 = arith.constant 0 : i32
        %dma_start3A_304 = tpu.memref_slice %arg3[%dma_start3A_302, %dma_start3A_303] : memref<20000x64xf32, #tpu.memory_space<hbm>> -> memref<20000x64xf32, #tpu.memory_space<hbm>>
        %dma_start3A_305 = tpu.memref_slice %arg23[%sub3A_272] : memref<2x!tpu.dma_semaphore, #tpu.memory_space<semaphore_mem>> -> memref<1x!tpu.dma_semaphore, #tpu.memory_space<semaphore_mem>>
        %dma_start3A_306 = tpu.memref_squeeze %dma_start3A_305 : memref<1x!tpu.dma_semaphore, #tpu.memory_space<semaphore_mem>> -> memref<!tpu.dma_semaphore, #tpu.memory_space<semaphore_mem>>
        tpu.enqueue_indirect_dma source(%dma_start3A_304 : memref<20000x64xf32, #tpu.memory_space<hbm>>) target(%dma_start3A_298 : memref<80x64xf32, #tpu.memory_space<vmem>>) offsets(%dma_start3A_301 : memref<80xi32, #tpu.memory_space<vmem>>) semaphore(%dma_start3A_306 : memref<!tpu.dma_semaphore, #tpu.memory_space<semaphore_mem>>)
        %mul3A_307 = arith.constant 40 : i32
        %mul3A_308 = arith.muli %add3A_270, %mul3A_307 : i32
        %add3A_309 = arith.addi %select_n3A, %mul3A_308 : i32
        %dma_start3A_310 = arith.constant 0 : i32
        %dma_start3A_311 = arith.constant 0 : i32
        %dma_start3A_312 = tpu.memref_slice %arg18[%sub3A_272, %dma_start3A_310, %dma_start3A_311] : memref<2x40x128xf32, #tpu.memory_space<vmem>> -> memref<1x40x128xf32, #tpu.memory_space<vmem>>
        %dma_start3A_313 = tpu.memref_squeeze %dma_start3A_312 : memref<1x40x128xf32, #tpu.memory_space<vmem>> -> memref<40x128xf32, #tpu.memory_space<vmem>>
        %dma_start3A_314 = arith.constant 0 : i32
        %dma_start3A_315 = tpu.memref_slice %arg4[%add3A_309, %dma_start3A_314] : memref<1280000x128xf32, #tpu.memory_space<hbm>> -> memref<40x128xf32, #tpu.memory_space<hbm>>
        %dma_start3A_316 = tpu.memref_slice %arg23[%sub3A_272] : memref<2x!tpu.dma_semaphore, #tpu.memory_space<semaphore_mem>> -> memref<1x!tpu.dma_semaphore, #tpu.memory_space<semaphore_mem>>
        %dma_start3A_317 = tpu.memref_squeeze %dma_start3A_316 : memref<1x!tpu.dma_semaphore, #tpu.memory_space<semaphore_mem>> -> memref<!tpu.dma_semaphore, #tpu.memory_space<semaphore_mem>>
        %dma_start3A_318 = arith.constant 0 : i32
        %dma_start3A_319 = arith.constant 0 : i32
        %dma_start3A_320 = tpu.memref_slice %arg18[%sub3A_272, %dma_start3A_318, %dma_start3A_319] : memref<2x40x128xf32, #tpu.memory_space<vmem>> -> memref<1x40x128xf32, #tpu.memory_space<vmem>>
        %dma_start3A_321 = tpu.memref_squeeze %dma_start3A_320 : memref<1x40x128xf32, #tpu.memory_space<vmem>> -> memref<40x128xf32, #tpu.memory_space<vmem>>
        %dma_start3A_322 = arith.constant 0 : i32
        %dma_start3A_323 = tpu.memref_slice %arg4[%add3A_309, %dma_start3A_322] : memref<1280000x128xf32, #tpu.memory_space<hbm>> -> memref<40x128xf32, #tpu.memory_space<hbm>>
        tpu.enqueue_dma source(%dma_start3A_323 : memref<40x128xf32, #tpu.memory_space<hbm>>) target(%dma_start3A_321 : memref<40x128xf32, #tpu.memory_space<vmem>>) target_semaphore(%dma_start3A_317 : memref<!tpu.dma_semaphore, #tpu.memory_space<semaphore_mem>>)
      } else {
      }
      %dma_wait3A_210 = arith.constant 0 : i32
      %dma_wait3A_211 = arith.constant 0 : i32
      %dma_wait3A_212 = tpu.memref_slice %arg16[%rem3A_178, %dma_wait3A_210, %dma_wait3A_211] : memref<2x80x64xf32, #tpu.memory_space<vmem>> -> memref<1x80x64xf32, #tpu.memory_space<vmem>>
      %dma_wait3A_213 = tpu.memref_squeeze %dma_wait3A_212 : memref<1x80x64xf32, #tpu.memory_space<vmem>> -> memref<80x64xf32, #tpu.memory_space<vmem>>
      %dma_wait3A_214 = arith.constant 0 : i32
      %dma_wait3A_215 = tpu.memref_slice %arg14[%rem3A_178, %dma_wait3A_214] : memref<2x80xi32, #tpu.memory_space<vmem>> -> memref<1x80xi32, #tpu.memory_space<vmem>>
      %dma_wait3A_216 = tpu.memref_squeeze %dma_wait3A_215 : memref<1x80xi32, #tpu.memory_space<vmem>> -> memref<80xi32, #tpu.memory_space<vmem>>
      %dma_wait3A_217 = arith.constant 0 : i32
      %dma_wait3A_218 = arith.constant 0 : i32
      %dma_wait3A_219 = tpu.memref_slice %arg2[%dma_wait3A_217, %dma_wait3A_218] : memref<20000x64xf32, #tpu.memory_space<hbm>> -> memref<20000x64xf32, #tpu.memory_space<hbm>>
      %dma_wait3A_220 = tpu.memref_slice %arg23[%rem3A_178] : memref<2x!tpu.dma_semaphore, #tpu.memory_space<semaphore_mem>> -> memref<1x!tpu.dma_semaphore, #tpu.memory_space<semaphore_mem>>
      %dma_wait3A_221 = tpu.memref_squeeze %dma_wait3A_220 : memref<1x!tpu.dma_semaphore, #tpu.memory_space<semaphore_mem>> -> memref<!tpu.dma_semaphore, #tpu.memory_space<semaphore_mem>>
      tpu.wait_indirect_dma semaphore(%dma_wait3A_221 : memref<!tpu.dma_semaphore, #tpu.memory_space<semaphore_mem>>) src(%dma_wait3A_219 : memref<20000x64xf32, #tpu.memory_space<hbm>>) dst(%dma_wait3A_213 : memref<80x64xf32, #tpu.memory_space<vmem>>)
      %dma_wait3A_222 = arith.constant 0 : i32
      %dma_wait3A_223 = arith.constant 0 : i32
      %dma_wait3A_224 = tpu.memref_slice %arg17[%rem3A_178, %dma_wait3A_222, %dma_wait3A_223] : memref<2x80x64xf32, #tpu.memory_space<vmem>> -> memref<1x80x64xf32, #tpu.memory_space<vmem>>
      %dma_wait3A_225 = tpu.memref_squeeze %dma_wait3A_224 : memref<1x80x64xf32, #tpu.memory_space<vmem>> -> memref<80x64xf32, #tpu.memory_space<vmem>>
      %dma_wait3A_226 = arith.constant 0 : i32
      %dma_wait3A_227 = tpu.memref_slice %arg15[%rem3A_178, %dma_wait3A_226] : memref<2x80xi32, #tpu.memory_space<vmem>> -> memref<1x80xi32, #tpu.memory_space<vmem>>
      %dma_wait3A_228 = tpu.memref_squeeze %dma_wait3A_227 : memref<1x80xi32, #tpu.memory_space<vmem>> -> memref<80xi32, #tpu.memory_space<vmem>>
      %dma_wait3A_229 = arith.constant 0 : i32
      %dma_wait3A_230 = arith.constant 0 : i32
      %dma_wait3A_231 = tpu.memref_slice %arg3[%dma_wait3A_229, %dma_wait3A_230] : memref<20000x64xf32, #tpu.memory_space<hbm>> -> memref<20000x64xf32, #tpu.memory_space<hbm>>
      %dma_wait3A_232 = tpu.memref_slice %arg23[%rem3A_178] : memref<2x!tpu.dma_semaphore, #tpu.memory_space<semaphore_mem>> -> memref<1x!tpu.dma_semaphore, #tpu.memory_space<semaphore_mem>>
      %dma_wait3A_233 = tpu.memref_squeeze %dma_wait3A_232 : memref<1x!tpu.dma_semaphore, #tpu.memory_space<semaphore_mem>> -> memref<!tpu.dma_semaphore, #tpu.memory_space<semaphore_mem>>
      tpu.wait_indirect_dma semaphore(%dma_wait3A_233 : memref<!tpu.dma_semaphore, #tpu.memory_space<semaphore_mem>>) src(%dma_wait3A_231 : memref<20000x64xf32, #tpu.memory_space<hbm>>) dst(%dma_wait3A_225 : memref<80x64xf32, #tpu.memory_space<vmem>>)
      %mul3A_234 = arith.constant 40 : i32
      %mul3A_235 = arith.muli %scan3A_176, %mul3A_234 : i32
      %add3A_236 = arith.addi %select_n3A, %mul3A_235 : i32
      %dma_wait3A_237 = arith.constant 0 : i32
      %dma_wait3A_238 = arith.constant 0 : i32
      %dma_wait3A_239 = tpu.memref_slice %arg18[%rem3A_178, %dma_wait3A_237, %dma_wait3A_238] : memref<2x40x128xf32, #tpu.memory_space<vmem>> -> memref<1x40x128xf32, #tpu.memory_space<vmem>>
      %dma_wait3A_240 = tpu.memref_squeeze %dma_wait3A_239 : memref<1x40x128xf32, #tpu.memory_space<vmem>> -> memref<40x128xf32, #tpu.memory_space<vmem>>
      %dma_wait3A_241 = arith.constant 0 : i32
      %dma_wait3A_242 = tpu.memref_slice %arg4[%add3A_236, %dma_wait3A_241] : memref<1280000x128xf32, #tpu.memory_space<hbm>> -> memref<40x128xf32, #tpu.memory_space<hbm>>
      %dma_wait3A_243 = tpu.memref_slice %arg23[%rem3A_178] : memref<2x!tpu.dma_semaphore, #tpu.memory_space<semaphore_mem>> -> memref<1x!tpu.dma_semaphore, #tpu.memory_space<semaphore_mem>>
      %dma_wait3A_244 = tpu.memref_squeeze %dma_wait3A_243 : memref<1x!tpu.dma_semaphore, #tpu.memory_space<semaphore_mem>> -> memref<!tpu.dma_semaphore, #tpu.memory_space<semaphore_mem>>
      %dma_wait3A_245 = arith.constant 0 : i32
      %dma_wait3A_246 = arith.constant 0 : i32
      %dma_wait3A_247 = tpu.memref_slice %arg18[%rem3A_178, %dma_wait3A_245, %dma_wait3A_246] : memref<2x40x128xf32, #tpu.memory_space<vmem>> -> memref<1x40x128xf32, #tpu.memory_space<vmem>>
      %dma_wait3A_248 = tpu.memref_squeeze %dma_wait3A_247 : memref<1x40x128xf32, #tpu.memory_space<vmem>> -> memref<40x128xf32, #tpu.memory_space<vmem>>
      %dma_wait3A_249 = arith.constant 0 : i32
      %dma_wait3A_250 = tpu.memref_slice %arg4[%add3A_236, %dma_wait3A_249] : memref<1280000x128xf32, #tpu.memory_space<hbm>> -> memref<40x128xf32, #tpu.memory_space<hbm>>
      tpu.wait_dma2 semaphore(%dma_wait3A_244 : memref<!tpu.dma_semaphore, #tpu.memory_space<semaphore_mem>>) src(%dma_wait3A_250 : memref<40x128xf32, #tpu.memory_space<hbm>>) dst(%dma_wait3A_248 : memref<40x128xf32, #tpu.memory_space<vmem>>)
      %scan3A_251 = arith.constant 0 : i32
      %scan3A_252 = arith.constant 0 : i32
      %scan3A_253 = arith.constant 80 : i32
      %scan3A_254 = arith.addi %scan3A_252, %scan3A_253 : i32
      %scan3A_255 = arith.constant 4 : i32
      scf.for %scan3A_269 = %scan3A_252 to %scan3A_254 step %scan3A_255  : i32 {
        %shift_right_logical3A = arith.constant 1 : i32
        %shift_right_logical3A_270 = arith.shrui %scan3A_269, %shift_right_logical3A : i32
        %and3A_271 = arith.constant 1 : i32
        %and3A_272 = arith.andi %scan3A_269, %and3A_271 : i32
        %mul3A_273 = arith.constant 64 : i32
        %mul3A_274 = arith.muli %and3A_272, %mul3A_273 : i32
        %get3A_275 = arith.constant 0 : i32
        %get3A_276 = arith.constant 0 : i32
        %get3A_277 = tpu.memref_slice %arg16[%rem3A_178, %get3A_275, %get3A_276] : memref<2x80x64xf32, #tpu.memory_space<vmem>> -> memref<1x80x64xf32, #tpu.memory_space<vmem>>
        %get3A_278 = tpu.memref_squeeze %get3A_277 : memref<1x80x64xf32, #tpu.memory_space<vmem>> -> memref<80x64xf32, #tpu.memory_space<vmem>>
        %get3A_279 = arith.index_cast %scan3A_269 : i32 to index
        %get3A_280 = arith.constant 0 : index
        %get3A_281 = tpu.vector_load %get3A_278[%get3A_279, %get3A_280] {strides = array<i32>} : memref<80x64xf32, #tpu.memory_space<vmem>>, vector<16xf32>,
        %get3A_282 = arith.constant 0 : i32
        %get3A_283 = arith.constant 0 : i32
        %get3A_284 = tpu.memref_slice %arg17[%rem3A_178, %get3A_282, %get3A_283] : memref<2x80x64xf32, #tpu.memory_space<vmem>> -> memref<1x80x64xf32, #tpu.memory_space<vmem>>
        %get3A_285 = tpu.memref_squeeze %get3A_284 : memref<1x80x64xf32, #tpu.memory_space<vmem>> -> memref<80x64xf32, #tpu.memory_space<vmem>>
        %get3A_286 = arith.index_cast %scan3A_269 : i32 to index
        %get3A_287 = arith.constant 0 : index
        %get3A_288 = tpu.vector_load %get3A_285[%get3A_286, %get3A_287] {strides = array<i32>} : memref<80x64xf32, #tpu.memory_space<vmem>>, vector<16xf32>,
        %add3A_289 = arith.addf %get3A_281, %get3A_288 : vector<16xf32>
        %add3A_290 = arith.constant 0 : i32
        %add3A_291 = arith.addi %mul3A_274, %add3A_290 : i32
        %get3A_292 = arith.constant 0 : i32
        %get3A_293 = arith.constant 0 : i32
        %get3A_294 = tpu.memref_slice %arg18[%rem3A_178, %get3A_292, %get3A_293] : memref<2x40x128xf32, #tpu.memory_space<vmem>> -> memref<1x40x128xf32, #tpu.memory_space<vmem>>
        %get3A_295 = tpu.memref_squeeze %get3A_294 : memref<1x40x128xf32, #tpu.memory_space<vmem>> -> memref<40x128xf32, #tpu.memory_space<vmem>>
        %get3A_296 = arith.index_cast %shift_right_logical3A_270 : i32 to index
        %get3A_297 = arith.index_cast %add3A_291 : i32 to index
        %get3A_298 = tpu.vector_load %get3A_295[%get3A_296, %get3A_297] {strides = array<i32>} : memref<40x128xf32, #tpu.memory_space<vmem>>, vector<16xf32>,
        %add3A_299 = arith.addf %add3A_289, %get3A_298 : vector<16xf32>
        %mul3A_300 = arith.constant 2.000000e-01 : f32
        %mul3A_301 = vector.broadcast %mul3A_300 : f32 to vector<16xf32>
        %mul3A_302 = arith.mulf %mul3A_301, %add3A_299 : vector<16xf32>
        %max3A = arith.maximumf %add3A_299, %mul3A_302 : vector<16xf32>
        %mul3A_303 = arith.mulf %max3A, %get3A_37 : vector<16xf32>
        %get3A_304 = arith.constant 0 : i32
        %get3A_305 = arith.constant 0 : i32
        %get3A_306 = tpu.memref_slice %arg16[%rem3A_178, %get3A_304, %get3A_305] : memref<2x80x64xf32, #tpu.memory_space<vmem>> -> memref<1x80x64xf32, #tpu.memory_space<vmem>>
        %get3A_307 = tpu.memref_squeeze %get3A_306 : memref<1x80x64xf32, #tpu.memory_space<vmem>> -> memref<80x64xf32, #tpu.memory_space<vmem>>
        %get3A_308 = arith.index_cast %scan3A_269 : i32 to index
        %get3A_309 = arith.constant 16 : index
        %get3A_310 = tpu.vector_load %get3A_307[%get3A_308, %get3A_309] {strides = array<i32>} : memref<80x64xf32, #tpu.memory_space<vmem>>, vector<16xf32>,
        %get3A_311 = arith.constant 0 : i32
        %get3A_312 = arith.constant 0 : i32
        %get3A_313 = tpu.memref_slice %arg17[%rem3A_178, %get3A_311, %get3A_312] : memref<2x80x64xf32, #tpu.memory_space<vmem>> -> memref<1x80x64xf32, #tpu.memory_space<vmem>>
        %get3A_314 = tpu.memref_squeeze %get3A_313 : memref<1x80x64xf32, #tpu.memory_space<vmem>> -> memref<80x64xf32, #tpu.memory_space<vmem>>
        %get3A_315 = arith.index_cast %scan3A_269 : i32 to index
        %get3A_316 = arith.constant 16 : index
        %get3A_317 = tpu.vector_load %get3A_314[%get3A_315, %get3A_316] {strides = array<i32>} : memref<80x64xf32, #tpu.memory_space<vmem>>, vector<16xf32>,
        %add3A_318 = arith.addf %get3A_310, %get3A_317 : vector<16xf32>
        %add3A_319 = arith.constant 16 : i32
        %add3A_320 = arith.addi %mul3A_274, %add3A_319 : i32
        %get3A_321 = arith.constant 0 : i32
        %get3A_322 = arith.constant 0 : i32
        %get3A_323 = tpu.memref_slice %arg18[%rem3A_178, %get3A_321, %get3A_322] : memref<2x40x128xf32, #tpu.memory_space<vmem>> -> memref<1x40x128xf32, #tpu.memory_space<vmem>>
        %get3A_324 = tpu.memref_squeeze %get3A_323 : memref<1x40x128xf32, #tpu.memory_space<vmem>> -> memref<40x128xf32, #tpu.memory_space<vmem>>
        %get3A_325 = arith.index_cast %shift_right_logical3A_270 : i32 to index
        %get3A_326 = arith.index_cast %add3A_320 : i32 to index
        %get3A_327 = tpu.vector_load %get3A_324[%get3A_325, %get3A_326] {strides = array<i32>} : memref<40x128xf32, #tpu.memory_space<vmem>>, vector<16xf32>,
        %add3A_328 = arith.addf %add3A_318, %get3A_327 : vector<16xf32>
        %mul3A_329 = arith.constant 2.000000e-01 : f32
        %mul3A_330 = vector.broadcast %mul3A_329 : f32 to vector<16xf32>
        %mul3A_331 = arith.mulf %mul3A_330, %add3A_328 : vector<16xf32>
        %max3A_332 = arith.maximumf %add3A_328, %mul3A_331 : vector<16xf32>
        %mul3A_333 = arith.mulf %max3A_332, %get3A_39 : vector<16xf32>
        %get3A_334 = arith.constant 0 : i32
        %get3A_335 = arith.constant 0 : i32
        %get3A_336 = tpu.memref_slice %arg16[%rem3A_178, %get3A_334, %get3A_335] : memref<2x80x64xf32, #tpu.memory_space<vmem>> -> memref<1x80x64xf32, #tpu.memory_space<vmem>>
        %get3A_337 = tpu.memref_squeeze %get3A_336 : memref<1x80x64xf32, #tpu.memory_space<vmem>> -> memref<80x64xf32, #tpu.memory_space<vmem>>
        %get3A_338 = arith.index_cast %scan3A_269 : i32 to index
        %get3A_339 = arith.constant 32 : index
        %get3A_340 = tpu.vector_load %get3A_337[%get3A_338, %get3A_339] {strides = array<i32>} : memref<80x64xf32, #tpu.memory_space<vmem>>, vector<16xf32>,
        %get3A_341 = arith.constant 0 : i32
        %get3A_342 = arith.constant 0 : i32
        %get3A_343 = tpu.memref_slice %arg17[%rem3A_178, %get3A_341, %get3A_342] : memref<2x80x64xf32, #tpu.memory_space<vmem>> -> memref<1x80x64xf32, #tpu.memory_space<vmem>>
        %get3A_344 = tpu.memref_squeeze %get3A_343 : memref<1x80x64xf32, #tpu.memory_space<vmem>> -> memref<80x64xf32, #tpu.memory_space<vmem>>
        %get3A_345 = arith.index_cast %scan3A_269 : i32 to index
        %get3A_346 = arith.constant 32 : index
        %get3A_347 = tpu.vector_load %get3A_344[%get3A_345, %get3A_346] {strides = array<i32>} : memref<80x64xf32, #tpu.memory_space<vmem>>, vector<16xf32>,
        %add3A_348 = arith.addf %get3A_340, %get3A_347 : vector<16xf32>
        %add3A_349 = arith.constant 32 : i32
        %add3A_350 = arith.addi %mul3A_274, %add3A_349 : i32
        %get3A_351 = arith.constant 0 : i32
        %get3A_352 = arith.constant 0 : i32
        %get3A_353 = tpu.memref_slice %arg18[%rem3A_178, %get3A_351, %get3A_352] : memref<2x40x128xf32, #tpu.memory_space<vmem>> -> memref<1x40x128xf32, #tpu.memory_space<vmem>>
        %get3A_354 = tpu.memref_squeeze %get3A_353 : memref<1x40x128xf32, #tpu.memory_space<vmem>> -> memref<40x128xf32, #tpu.memory_space<vmem>>
        %get3A_355 = arith.index_cast %shift_right_logical3A_270 : i32 to index
        %get3A_356 = arith.index_cast %add3A_350 : i32 to index
        %get3A_357 = tpu.vector_load %get3A_354[%get3A_355, %get3A_356] {strides = array<i32>} : memref<40x128xf32, #tpu.memory_space<vmem>>, vector<16xf32>,
        %add3A_358 = arith.addf %add3A_348, %get3A_357 : vector<16xf32>
        %mul3A_359 = arith.constant 2.000000e-01 : f32
        %mul3A_360 = vector.broadcast %mul3A_359 : f32 to vector<16xf32>
        %mul3A_361 = arith.mulf %mul3A_360, %add3A_358 : vector<16xf32>
        %max3A_362 = arith.maximumf %add3A_358, %mul3A_361 : vector<16xf32>
        %mul3A_363 = arith.mulf %max3A_362, %get3A_41 : vector<16xf32>
        %get3A_364 = arith.constant 0 : i32
        %get3A_365 = arith.constant 0 : i32
        %get3A_366 = tpu.memref_slice %arg16[%rem3A_178, %get3A_364, %get3A_365] : memref<2x80x64xf32, #tpu.memory_space<vmem>> -> memref<1x80x64xf32, #tpu.memory_space<vmem>>
        %get3A_367 = tpu.memref_squeeze %get3A_366 : memref<1x80x64xf32, #tpu.memory_space<vmem>> -> memref<80x64xf32, #tpu.memory_space<vmem>>
        %get3A_368 = arith.index_cast %scan3A_269 : i32 to index
        %get3A_369 = arith.constant 48 : index
        %get3A_370 = tpu.vector_load %get3A_367[%get3A_368, %get3A_369] {strides = array<i32>} : memref<80x64xf32, #tpu.memory_space<vmem>>, vector<16xf32>,
        %get3A_371 = arith.constant 0 : i32
        %get3A_372 = arith.constant 0 : i32
        %get3A_373 = tpu.memref_slice %arg17[%rem3A_178, %get3A_371, %get3A_372] : memref<2x80x64xf32, #tpu.memory_space<vmem>> -> memref<1x80x64xf32, #tpu.memory_space<vmem>>
        %get3A_374 = tpu.memref_squeeze %get3A_373 : memref<1x80x64xf32, #tpu.memory_space<vmem>> -> memref<80x64xf32, #tpu.memory_space<vmem>>
        %get3A_375 = arith.index_cast %scan3A_269 : i32 to index
        %get3A_376 = arith.constant 48 : index
        %get3A_377 = tpu.vector_load %get3A_374[%get3A_375, %get3A_376] {strides = array<i32>} : memref<80x64xf32, #tpu.memory_space<vmem>>, vector<16xf32>,
        %add3A_378 = arith.addf %get3A_370, %get3A_377 : vector<16xf32>
        %add3A_379 = arith.constant 48 : i32
        %add3A_380 = arith.addi %mul3A_274, %add3A_379 : i32
        %get3A_381 = arith.constant 0 : i32
        %get3A_382 = arith.constant 0 : i32
        %get3A_383 = tpu.memref_slice %arg18[%rem3A_178, %get3A_381, %get3A_382] : memref<2x40x128xf32, #tpu.memory_space<vmem>> -> memref<1x40x128xf32, #tpu.memory_space<vmem>>
        %get3A_384 = tpu.memref_squeeze %get3A_383 : memref<1x40x128xf32, #tpu.memory_space<vmem>> -> memref<40x128xf32, #tpu.memory_space<vmem>>
        %get3A_385 = arith.index_cast %shift_right_logical3A_270 : i32 to index
        %get3A_386 = arith.index_cast %add3A_380 : i32 to index
        %get3A_387 = tpu.vector_load %get3A_384[%get3A_385, %get3A_386] {strides = array<i32>} : memref<40x128xf32, #tpu.memory_space<vmem>>, vector<16xf32>,
        %add3A_388 = arith.addf %add3A_378, %get3A_387 : vector<16xf32>
        %mul3A_389 = arith.constant 2.000000e-01 : f32
        %mul3A_390 = vector.broadcast %mul3A_389 : f32 to vector<16xf32>
        %mul3A_391 = arith.mulf %mul3A_390, %add3A_388 : vector<16xf32>
        %max3A_392 = arith.maximumf %add3A_388, %mul3A_391 : vector<16xf32>
        %mul3A_393 = arith.mulf %max3A_392, %get3A_43 : vector<16xf32>
        %broadcast_in_dim3A_394 = arith.constant 0.000000e+00 : f32
        %broadcast_in_dim3A_395 = vector.broadcast %broadcast_in_dim3A_394 : f32 to vector<16xf32>
        %add3A_396 = arith.addf %mul3A_303, %mul3A_333 : vector<16xf32>
        %reduce_sum3A = arith.constant true
        %reduce_sum3A_397 = vector.broadcast %reduce_sum3A : i1 to vector<16xi1>
        %reduce_sum3A_398 = tpu.scan <sum>, %add3A_396 masked %reduce_sum3A_397 : vector<16xf32>, vector<16xi1> -> vector<16xf32>
        %reduce_sum3A_399 = vector.extract %reduce_sum3A_398[15] : f32 from vector<16xf32>
        %broadcast_in_dim3A_400 = vector.broadcast %reduce_sum3A_399 : f32 to vector<16xf32>
        %exp3A = math.exp %broadcast_in_dim3A_400 : vector<16xf32>
        %mul3A_401 = arith.mulf %get3A_281, %exp3A : vector<16xf32>
        %swap3A = arith.constant 0 : i32
        %swap3A_402 = arith.constant 0 : i32
        %swap3A_403 = tpu.memref_slice %arg19[%rem3A_178, %swap3A, %swap3A_402] : memref<2x80x80xf32, #tpu.memory_space<vmem>> -> memref<1x80x80xf32, #tpu.memory_space<vmem>>
        %swap3A_404 = tpu.memref_squeeze %swap3A_403 : memref<1x80x80xf32, #tpu.memory_space<vmem>> -> memref<80x80xf32, #tpu.memory_space<vmem>>
        %swap3A_405 = arith.index_cast %scan3A_269 : i32 to index
        %swap3A_406 = arith.constant 0 : index
        %swap3A_407 = tpu.vector_load %swap3A_404[%swap3A_405, %swap3A_406] {strides = array<i32>} : memref<80x80xf32, #tpu.memory_space<vmem>>, vector<16xf32>,
        tpu.vector_store %swap3A_404[%swap3A_405, %swap3A_406], %mul3A_401 {strides = array<i32>} : memref<80x80xf32, #tpu.memory_space<vmem>>, vector<16xf32>,
        %mul3A_408 = arith.mulf %get3A_310, %exp3A : vector<16xf32>
        %swap3A_409 = arith.constant 0 : i32
        %swap3A_410 = arith.constant 0 : i32
        %swap3A_411 = tpu.memref_slice %arg19[%rem3A_178, %swap3A_409, %swap3A_410] : memref<2x80x80xf32, #tpu.memory_space<vmem>> -> memref<1x80x80xf32, #tpu.memory_space<vmem>>
        %swap3A_412 = tpu.memref_squeeze %swap3A_411 : memref<1x80x80xf32, #tpu.memory_space<vmem>> -> memref<80x80xf32, #tpu.memory_space<vmem>>
        %swap3A_413 = arith.index_cast %scan3A_269 : i32 to index
        %swap3A_414 = arith.constant 16 : index
        %swap3A_415 = tpu.vector_load %swap3A_412[%swap3A_413, %swap3A_414] {strides = array<i32>} : memref<80x80xf32, #tpu.memory_space<vmem>>, vector<16xf32>,
        tpu.vector_store %swap3A_412[%swap3A_413, %swap3A_414], %mul3A_408 {strides = array<i32>} : memref<80x80xf32, #tpu.memory_space<vmem>>, vector<16xf32>,
        %eq3A_416 = arith.constant 0 : i32
        %eq3A_417 = vector.broadcast %eq3A_416 : i32 to vector<16xi32>
        %eq3A_418 = arith.cmpi eq, %iota3A, %eq3A_417 : vector<16xi32>
        %select_n3A_419 = arith.select %eq3A_418, %exp3A, %broadcast_in_dim3A_395 : vector<16xi1>, vector<16xf32>
        %add3A_420 = arith.addf %mul3A_363, %mul3A_393 : vector<16xf32>
        %reduce_sum3A_421 = arith.constant true
        %reduce_sum3A_422 = vector.broadcast %reduce_sum3A_421 : i1 to vector<16xi1>
        %reduce_sum3A_423 = tpu.scan <sum>, %add3A_420 masked %reduce_sum3A_422 : vector<16xf32>, vector<16xi1> -> vector<16xf32>
        %reduce_sum3A_424 = vector.extract %reduce_sum3A_423[15] : f32 from vector<16xf32>
        %broadcast_in_dim3A_425 = vector.broadcast %reduce_sum3A_424 : f32 to vector<16xf32>
        %exp3A_426 = math.exp %broadcast_in_dim3A_425 : vector<16xf32>
        %mul3A_427 = arith.mulf %get3A_340, %exp3A_426 : vector<16xf32>
        %swap3A_428 = arith.constant 0 : i32
        %swap3A_429 = arith.constant 0 : i32
        %swap3A_430 = tpu.memref_slice %arg19[%rem3A_178, %swap3A_428, %swap3A_429] : memref<2x80x80xf32, #tpu.memory_space<vmem>> -> memref<1x80x80xf32, #tpu.memory_space<vmem>>
        %swap3A_431 = tpu.memref_squeeze %swap3A_430 : memref<1x80x80xf32, #tpu.memory_space<vmem>> -> memref<80x80xf32, #tpu.memory_space<vmem>>
        %swap3A_432 = arith.index_cast %scan3A_269 : i32 to index
        %swap3A_433 = arith.constant 32 : index
        %swap3A_434 = tpu.vector_load %swap3A_431[%swap3A_432, %swap3A_433] {strides = array<i32>} : memref<80x80xf32, #tpu.memory_space<vmem>>, vector<16xf32>,
        tpu.vector_store %swap3A_431[%swap3A_432, %swap3A_433], %mul3A_427 {strides = array<i32>} : memref<80x80xf32, #tpu.memory_space<vmem>>, vector<16xf32>,
        %mul3A_435 = arith.mulf %get3A_370, %exp3A_426 : vector<16xf32>
        %swap3A_436 = arith.constant 0 : i32
        %swap3A_437 = arith.constant 0 : i32
        %swap3A_438 = tpu.memref_slice %arg19[%rem3A_178, %swap3A_436, %swap3A_437] : memref<2x80x80xf32, #tpu.memory_space<vmem>> -> memref<1x80x80xf32, #tpu.memory_space<vmem>>
        %swap3A_439 = tpu.memref_squeeze %swap3A_438 : memref<1x80x80xf32, #tpu.memory_space<vmem>> -> memref<80x80xf32, #tpu.memory_space<vmem>>
        %swap3A_440 = arith.index_cast %scan3A_269 : i32 to index
        %swap3A_441 = arith.constant 48 : index
        %swap3A_442 = tpu.vector_load %swap3A_439[%swap3A_440, %swap3A_441] {strides = array<i32>} : memref<80x80xf32, #tpu.memory_space<vmem>>, vector<16xf32>,
        tpu.vector_store %swap3A_439[%swap3A_440, %swap3A_441], %mul3A_435 {strides = array<i32>} : memref<80x80xf32, #tpu.memory_space<vmem>>, vector<16xf32>,
        %eq3A_443 = arith.constant 1 : i32
        %eq3A_444 = vector.broadcast %eq3A_443 : i32 to vector<16xi32>
        %eq3A_445 = arith.cmpi eq, %iota3A, %eq3A_444 : vector<16xi32>
        %select_n3A_446 = arith.select %eq3A_445, %exp3A_426, %select_n3A_419 : vector<16xi1>, vector<16xf32>
        %swap3A_447 = arith.constant 0 : i32
        %swap3A_448 = arith.constant 0 : i32
        %swap3A_449 = tpu.memref_slice %arg19[%rem3A_178, %swap3A_447, %swap3A_448] : memref<2x80x80xf32, #tpu.memory_space<vmem>> -> memref<1x80x80xf32, #tpu.memory_space<vmem>>
        %swap3A_450 = tpu.memref_squeeze %swap3A_449 : memref<1x80x80xf32, #tpu.memory_space<vmem>> -> memref<80x80xf32, #tpu.memory_space<vmem>>
        %swap3A_451 = arith.index_cast %scan3A_269 : i32 to index
        %swap3A_452 = arith.constant 64 : index
        %swap3A_453 = tpu.vector_load %swap3A_450[%swap3A_451, %swap3A_452] {strides = array<i32>} : memref<80x80xf32, #tpu.memory_space<vmem>>, vector<16xf32>,
        tpu.vector_store %swap3A_450[%swap3A_451, %swap3A_452], %select_n3A_446 {strides = array<i32>} : memref<80x80xf32, #tpu.memory_space<vmem>>, vector<16xf32>,
        %scan3A_454 = arith.constant 1 : i32
        %scan3A_455 = arith.addi %scan3A_269, %scan3A_454 : i32
        %shift_right_logical3A_456 = arith.constant 1 : i32
        %shift_right_logical3A_457 = arith.shrui %scan3A_455, %shift_right_logical3A_456 : i32
        %and3A_458 = arith.constant 1 : i32
        %and3A_459 = arith.andi %scan3A_455, %and3A_458 : i32
        %mul3A_460 = arith.constant 64 : i32
        %mul3A_461 = arith.muli %and3A_459, %mul3A_460 : i32
        %get3A_462 = arith.constant 0 : i32
        %get3A_463 = arith.constant 0 : i32
        %get3A_464 = tpu.memref_slice %arg16[%rem3A_178, %get3A_462, %get3A_463] : memref<2x80x64xf32, #tpu.memory_space<vmem>> -> memref<1x80x64xf32, #tpu.memory_space<vmem>>
        %get3A_465 = tpu.memref_squeeze %get3A_464 : memref<1x80x64xf32, #tpu.memory_space<vmem>> -> memref<80x64xf32, #tpu.memory_space<vmem>>
        %get3A_466 = arith.index_cast %scan3A_455 : i32 to index
        %get3A_467 = arith.constant 0 : index
        %get3A_468 = tpu.vector_load %get3A_465[%get3A_466, %get3A_467] {strides = array<i32>} : memref<80x64xf32, #tpu.memory_space<vmem>>, vector<16xf32>,
        %get3A_469 = arith.constant 0 : i32
        %get3A_470 = arith.constant 0 : i32
        %get3A_471 = tpu.memref_slice %arg17[%rem3A_178, %get3A_469, %get3A_470] : memref<2x80x64xf32, #tpu.memory_space<vmem>> -> memref<1x80x64xf32, #tpu.memory_space<vmem>>
        %get3A_472 = tpu.memref_squeeze %get3A_471 : memref<1x80x64xf32, #tpu.memory_space<vmem>> -> memref<80x64xf32, #tpu.memory_space<vmem>>
        %get3A_473 = arith.index_cast %scan3A_455 : i32 to index
        %get3A_474 = arith.constant 0 : index
        %get3A_475 = tpu.vector_load %get3A_472[%get3A_473, %get3A_474] {strides = array<i32>} : memref<80x64xf32, #tpu.memory_space<vmem>>, vector<16xf32>,
        %add3A_476 = arith.addf %get3A_468, %get3A_475 : vector<16xf32>
        %add3A_477 = arith.constant 0 : i32
        %add3A_478 = arith.addi %mul3A_461, %add3A_477 : i32
        %get3A_479 = arith.constant 0 : i32
        %get3A_480 = arith.constant 0 : i32
        %get3A_481 = tpu.memref_slice %arg18[%rem3A_178, %get3A_479, %get3A_480] : memref<2x40x128xf32, #tpu.memory_space<vmem>> -> memref<1x40x128xf32, #tpu.memory_space<vmem>>
        %get3A_482 = tpu.memref_squeeze %get3A_481 : memref<1x40x128xf32, #tpu.memory_space<vmem>> -> memref<40x128xf32, #tpu.memory_space<vmem>>
        %get3A_483 = arith.index_cast %shift_right_logical3A_457 : i32 to index
        %get3A_484 = arith.index_cast %add3A_478 : i32 to index
        %get3A_485 = tpu.vector_load %get3A_482[%get3A_483, %get3A_484] {strides = array<i32>} : memref<40x128xf32, #tpu.memory_space<vmem>>, vector<16xf32>,
        %add3A_486 = arith.addf %add3A_476, %get3A_485 : vector<16xf32>
        %mul3A_487 = arith.constant 2.000000e-01 : f32
        %mul3A_488 = vector.broadcast %mul3A_487 : f32 to vector<16xf32>
        %mul3A_489 = arith.mulf %mul3A_488, %add3A_486 : vector<16xf32>
        %max3A_490 = arith.maximumf %add3A_486, %mul3A_489 : vector<16xf32>
        %mul3A_491 = arith.mulf %max3A_490, %get3A_37 : vector<16xf32>
        %get3A_492 = arith.constant 0 : i32
        %get3A_493 = arith.constant 0 : i32
        %get3A_494 = tpu.memref_slice %arg16[%rem3A_178, %get3A_492, %get3A_493] : memref<2x80x64xf32, #tpu.memory_space<vmem>> -> memref<1x80x64xf32, #tpu.memory_space<vmem>>
        %get3A_495 = tpu.memref_squeeze %get3A_494 : memref<1x80x64xf32, #tpu.memory_space<vmem>> -> memref<80x64xf32, #tpu.memory_space<vmem>>
        %get3A_496 = arith.index_cast %scan3A_455 : i32 to index
        %get3A_497 = arith.constant 16 : index
        %get3A_498 = tpu.vector_load %get3A_495[%get3A_496, %get3A_497] {strides = array<i32>} : memref<80x64xf32, #tpu.memory_space<vmem>>, vector<16xf32>,
        %get3A_499 = arith.constant 0 : i32
        %get3A_500 = arith.constant 0 : i32
        %get3A_501 = tpu.memref_slice %arg17[%rem3A_178, %get3A_499, %get3A_500] : memref<2x80x64xf32, #tpu.memory_space<vmem>> -> memref<1x80x64xf32, #tpu.memory_space<vmem>>
        %get3A_502 = tpu.memref_squeeze %get3A_501 : memref<1x80x64xf32, #tpu.memory_space<vmem>> -> memref<80x64xf32, #tpu.memory_space<vmem>>
        %get3A_503 = arith.index_cast %scan3A_455 : i32 to index
        %get3A_504 = arith.constant 16 : index
        %get3A_505 = tpu.vector_load %get3A_502[%get3A_503, %get3A_504] {strides = array<i32>} : memref<80x64xf32, #tpu.memory_space<vmem>>, vector<16xf32>,
        %add3A_506 = arith.addf %get3A_498, %get3A_505 : vector<16xf32>
        %add3A_507 = arith.constant 16 : i32
        %add3A_508 = arith.addi %mul3A_461, %add3A_507 : i32
        %get3A_509 = arith.constant 0 : i32
        %get3A_510 = arith.constant 0 : i32
        %get3A_511 = tpu.memref_slice %arg18[%rem3A_178, %get3A_509, %get3A_510] : memref<2x40x128xf32, #tpu.memory_space<vmem>> -> memref<1x40x128xf32, #tpu.memory_space<vmem>>
        %get3A_512 = tpu.memref_squeeze %get3A_511 : memref<1x40x128xf32, #tpu.memory_space<vmem>> -> memref<40x128xf32, #tpu.memory_space<vmem>>
        %get3A_513 = arith.index_cast %shift_right_logical3A_457 : i32 to index
        %get3A_514 = arith.index_cast %add3A_508 : i32 to index
        %get3A_515 = tpu.vector_load %get3A_512[%get3A_513, %get3A_514] {strides = array<i32>} : memref<40x128xf32, #tpu.memory_space<vmem>>, vector<16xf32>,
        %add3A_516 = arith.addf %add3A_506, %get3A_515 : vector<16xf32>
        %mul3A_517 = arith.constant 2.000000e-01 : f32
        %mul3A_518 = vector.broadcast %mul3A_517 : f32 to vector<16xf32>
        %mul3A_519 = arith.mulf %mul3A_518, %add3A_516 : vector<16xf32>
        %max3A_520 = arith.maximumf %add3A_516, %mul3A_519 : vector<16xf32>
        %mul3A_521 = arith.mulf %max3A_520, %get3A_39 : vector<16xf32>
        %get3A_522 = arith.constant 0 : i32
        %get3A_523 = arith.constant 0 : i32
        %get3A_524 = tpu.memref_slice %arg16[%rem3A_178, %get3A_522, %get3A_523] : memref<2x80x64xf32, #tpu.memory_space<vmem>> -> memref<1x80x64xf32, #tpu.memory_space<vmem>>
        %get3A_525 = tpu.memref_squeeze %get3A_524 : memref<1x80x64xf32, #tpu.memory_space<vmem>> -> memref<80x64xf32, #tpu.memory_space<vmem>>
        %get3A_526 = arith.index_cast %scan3A_455 : i32 to index
        %get3A_527 = arith.constant 32 : index
        %get3A_528 = tpu.vector_load %get3A_525[%get3A_526, %get3A_527] {strides = array<i32>} : memref<80x64xf32, #tpu.memory_space<vmem>>, vector<16xf32>,
        %get3A_529 = arith.constant 0 : i32
        %get3A_530 = arith.constant 0 : i32
        %get3A_531 = tpu.memref_slice %arg17[%rem3A_178, %get3A_529, %get3A_530] : memref<2x80x64xf32, #tpu.memory_space<vmem>> -> memref<1x80x64xf32, #tpu.memory_space<vmem>>
        %get3A_532 = tpu.memref_squeeze %get3A_531 : memref<1x80x64xf32, #tpu.memory_space<vmem>> -> memref<80x64xf32, #tpu.memory_space<vmem>>
        %get3A_533 = arith.index_cast %scan3A_455 : i32 to index
        %get3A_534 = arith.constant 32 : index
        %get3A_535 = tpu.vector_load %get3A_532[%get3A_533, %get3A_534] {strides = array<i32>} : memref<80x64xf32, #tpu.memory_space<vmem>>, vector<16xf32>,
        %add3A_536 = arith.addf %get3A_528, %get3A_535 : vector<16xf32>
        %add3A_537 = arith.constant 32 : i32
        %add3A_538 = arith.addi %mul3A_461, %add3A_537 : i32
        %get3A_539 = arith.constant 0 : i32
        %get3A_540 = arith.constant 0 : i32
        %get3A_541 = tpu.memref_slice %arg18[%rem3A_178, %get3A_539, %get3A_540] : memref<2x40x128xf32, #tpu.memory_space<vmem>> -> memref<1x40x128xf32, #tpu.memory_space<vmem>>
        %get3A_542 = tpu.memref_squeeze %get3A_541 : memref<1x40x128xf32, #tpu.memory_space<vmem>> -> memref<40x128xf32, #tpu.memory_space<vmem>>
        %get3A_543 = arith.index_cast %shift_right_logical3A_457 : i32 to index
        %get3A_544 = arith.index_cast %add3A_538 : i32 to index
        %get3A_545 = tpu.vector_load %get3A_542[%get3A_543, %get3A_544] {strides = array<i32>} : memref<40x128xf32, #tpu.memory_space<vmem>>, vector<16xf32>,
        %add3A_546 = arith.addf %add3A_536, %get3A_545 : vector<16xf32>
        %mul3A_547 = arith.constant 2.000000e-01 : f32
        %mul3A_548 = vector.broadcast %mul3A_547 : f32 to vector<16xf32>
        %mul3A_549 = arith.mulf %mul3A_548, %add3A_546 : vector<16xf32>
        %max3A_550 = arith.maximumf %add3A_546, %mul3A_549 : vector<16xf32>
        %mul3A_551 = arith.mulf %max3A_550, %get3A_41 : vector<16xf32>
        %get3A_552 = arith.constant 0 : i32
        %get3A_553 = arith.constant 0 : i32
        %get3A_554 = tpu.memref_slice %arg16[%rem3A_178, %get3A_552, %get3A_553] : memref<2x80x64xf32, #tpu.memory_space<vmem>> -> memref<1x80x64xf32, #tpu.memory_space<vmem>>
        %get3A_555 = tpu.memref_squeeze %get3A_554 : memref<1x80x64xf32, #tpu.memory_space<vmem>> -> memref<80x64xf32, #tpu.memory_space<vmem>>
        %get3A_556 = arith.index_cast %scan3A_455 : i32 to index
        %get3A_557 = arith.constant 48 : index
        %get3A_558 = tpu.vector_load %get3A_555[%get3A_556, %get3A_557] {strides = array<i32>} : memref<80x64xf32, #tpu.memory_space<vmem>>, vector<16xf32>,
        %get3A_559 = arith.constant 0 : i32
        %get3A_560 = arith.constant 0 : i32
        %get3A_561 = tpu.memref_slice %arg17[%rem3A_178, %get3A_559, %get3A_560] : memref<2x80x64xf32, #tpu.memory_space<vmem>> -> memref<1x80x64xf32, #tpu.memory_space<vmem>>
        %get3A_562 = tpu.memref_squeeze %get3A_561 : memref<1x80x64xf32, #tpu.memory_space<vmem>> -> memref<80x64xf32, #tpu.memory_space<vmem>>
        %get3A_563 = arith.index_cast %scan3A_455 : i32 to index
        %get3A_564 = arith.constant 48 : index
        %get3A_565 = tpu.vector_load %get3A_562[%get3A_563, %get3A_564] {strides = array<i32>} : memref<80x64xf32, #tpu.memory_space<vmem>>, vector<16xf32>,
        %add3A_566 = arith.addf %get3A_558, %get3A_565 : vector<16xf32>
        %add3A_567 = arith.constant 48 : i32
        %add3A_568 = arith.addi %mul3A_461, %add3A_567 : i32
        %get3A_569 = arith.constant 0 : i32
        %get3A_570 = arith.constant 0 : i32
        %get3A_571 = tpu.memref_slice %arg18[%rem3A_178, %get3A_569, %get3A_570] : memref<2x40x128xf32, #tpu.memory_space<vmem>> -> memref<1x40x128xf32, #tpu.memory_space<vmem>>
        %get3A_572 = tpu.memref_squeeze %get3A_571 : memref<1x40x128xf32, #tpu.memory_space<vmem>> -> memref<40x128xf32, #tpu.memory_space<vmem>>
        %get3A_573 = arith.index_cast %shift_right_logical3A_457 : i32 to index
        %get3A_574 = arith.index_cast %add3A_568 : i32 to index
        %get3A_575 = tpu.vector_load %get3A_572[%get3A_573, %get3A_574] {strides = array<i32>} : memref<40x128xf32, #tpu.memory_space<vmem>>, vector<16xf32>,
        %add3A_576 = arith.addf %add3A_566, %get3A_575 : vector<16xf32>
        %mul3A_577 = arith.constant 2.000000e-01 : f32
        %mul3A_578 = vector.broadcast %mul3A_577 : f32 to vector<16xf32>
        %mul3A_579 = arith.mulf %mul3A_578, %add3A_576 : vector<16xf32>
        %max3A_580 = arith.maximumf %add3A_576, %mul3A_579 : vector<16xf32>
        %mul3A_581 = arith.mulf %max3A_580, %get3A_43 : vector<16xf32>
        %broadcast_in_dim3A_582 = arith.constant 0.000000e+00 : f32
        %broadcast_in_dim3A_583 = vector.broadcast %broadcast_in_dim3A_582 : f32 to vector<16xf32>
        %add3A_584 = arith.addf %mul3A_491, %mul3A_521 : vector<16xf32>
        %reduce_sum3A_585 = arith.constant true
        %reduce_sum3A_586 = vector.broadcast %reduce_sum3A_585 : i1 to vector<16xi1>
        %reduce_sum3A_587 = tpu.scan <sum>, %add3A_584 masked %reduce_sum3A_586 : vector<16xf32>, vector<16xi1> -> vector<16xf32>
        %reduce_sum3A_588 = vector.extract %reduce_sum3A_587[15] : f32 from vector<16xf32>
        %broadcast_in_dim3A_589 = vector.broadcast %reduce_sum3A_588 : f32 to vector<16xf32>
        %exp3A_590 = math.exp %broadcast_in_dim3A_589 : vector<16xf32>
        %mul3A_591 = arith.mulf %get3A_468, %exp3A_590 : vector<16xf32>
        %swap3A_592 = arith.constant 0 : i32
        %swap3A_593 = arith.constant 0 : i32
        %swap3A_594 = tpu.memref_slice %arg19[%rem3A_178, %swap3A_592, %swap3A_593] : memref<2x80x80xf32, #tpu.memory_space<vmem>> -> memref<1x80x80xf32, #tpu.memory_space<vmem>>
        %swap3A_595 = tpu.memref_squeeze %swap3A_594 : memref<1x80x80xf32, #tpu.memory_space<vmem>> -> memref<80x80xf32, #tpu.memory_space<vmem>>
        %swap3A_596 = arith.index_cast %scan3A_455 : i32 to index
        %swap3A_597 = arith.constant 0 : index
        %swap3A_598 = tpu.vector_load %swap3A_595[%swap3A_596, %swap3A_597] {strides = array<i32>} : memref<80x80xf32, #tpu.memory_space<vmem>>, vector<16xf32>,
        tpu.vector_store %swap3A_595[%swap3A_596, %swap3A_597], %mul3A_591 {strides = array<i32>} : memref<80x80xf32, #tpu.memory_space<vmem>>, vector<16xf32>,
        %mul3A_599 = arith.mulf %get3A_498, %exp3A_590 : vector<16xf32>
        %swap3A_600 = arith.constant 0 : i32
        %swap3A_601 = arith.constant 0 : i32
        %swap3A_602 = tpu.memref_slice %arg19[%rem3A_178, %swap3A_600, %swap3A_601] : memref<2x80x80xf32, #tpu.memory_space<vmem>> -> memref<1x80x80xf32, #tpu.memory_space<vmem>>
        %swap3A_603 = tpu.memref_squeeze %swap3A_602 : memref<1x80x80xf32, #tpu.memory_space<vmem>> -> memref<80x80xf32, #tpu.memory_space<vmem>>
        %swap3A_604 = arith.index_cast %scan3A_455 : i32 to index
        %swap3A_605 = arith.constant 16 : index
        %swap3A_606 = tpu.vector_load %swap3A_603[%swap3A_604, %swap3A_605] {strides = array<i32>} : memref<80x80xf32, #tpu.memory_space<vmem>>, vector<16xf32>,
        tpu.vector_store %swap3A_603[%swap3A_604, %swap3A_605], %mul3A_599 {strides = array<i32>} : memref<80x80xf32, #tpu.memory_space<vmem>>, vector<16xf32>,
        %eq3A_607 = arith.constant 0 : i32
        %eq3A_608 = vector.broadcast %eq3A_607 : i32 to vector<16xi32>
        %eq3A_609 = arith.cmpi eq, %iota3A, %eq3A_608 : vector<16xi32>
        %select_n3A_610 = arith.select %eq3A_609, %exp3A_590, %broadcast_in_dim3A_583 : vector<16xi1>, vector<16xf32>
        %add3A_611 = arith.addf %mul3A_551, %mul3A_581 : vector<16xf32>
        %reduce_sum3A_612 = arith.constant true
        %reduce_sum3A_613 = vector.broadcast %reduce_sum3A_612 : i1 to vector<16xi1>
        %reduce_sum3A_614 = tpu.scan <sum>, %add3A_611 masked %reduce_sum3A_613 : vector<16xf32>, vector<16xi1> -> vector<16xf32>
        %reduce_sum3A_615 = vector.extract %reduce_sum3A_614[15] : f32 from vector<16xf32>
        %broadcast_in_dim3A_616 = vector.broadcast %reduce_sum3A_615 : f32 to vector<16xf32>
        %exp3A_617 = math.exp %broadcast_in_dim3A_616 : vector<16xf32>
        %mul3A_618 = arith.mulf %get3A_528, %exp3A_617 : vector<16xf32>
        %swap3A_619 = arith.constant 0 : i32
        %swap3A_620 = arith.constant 0 : i32
        %swap3A_621 = tpu.memref_slice %arg19[%rem3A_178, %swap3A_619, %swap3A_620] : memref<2x80x80xf32, #tpu.memory_space<vmem>> -> memref<1x80x80xf32, #tpu.memory_space<vmem>>
        %swap3A_622 = tpu.memref_squeeze %swap3A_621 : memref<1x80x80xf32, #tpu.memory_space<vmem>> -> memref<80x80xf32, #tpu.memory_space<vmem>>
        %swap3A_623 = arith.index_cast %scan3A_455 : i32 to index
        %swap3A_624 = arith.constant 32 : index
        %swap3A_625 = tpu.vector_load %swap3A_622[%swap3A_623, %swap3A_624] {strides = array<i32>} : memref<80x80xf32, #tpu.memory_space<vmem>>, vector<16xf32>,
        tpu.vector_store %swap3A_622[%swap3A_623, %swap3A_624], %mul3A_618 {strides = array<i32>} : memref<80x80xf32, #tpu.memory_space<vmem>>, vector<16xf32>,
        %mul3A_626 = arith.mulf %get3A_558, %exp3A_617 : vector<16xf32>
        %swap3A_627 = arith.constant 0 : i32
        %swap3A_628 = arith.constant 0 : i32
        %swap3A_629 = tpu.memref_slice %arg19[%rem3A_178, %swap3A_627, %swap3A_628] : memref<2x80x80xf32, #tpu.memory_space<vmem>> -> memref<1x80x80xf32, #tpu.memory_space<vmem>>
        %swap3A_630 = tpu.memref_squeeze %swap3A_629 : memref<1x80x80xf32, #tpu.memory_space<vmem>> -> memref<80x80xf32, #tpu.memory_space<vmem>>
        %swap3A_631 = arith.index_cast %scan3A_455 : i32 to index
        %swap3A_632 = arith.constant 48 : index
        %swap3A_633 = tpu.vector_load %swap3A_630[%swap3A_631, %swap3A_632] {strides = array<i32>} : memref<80x80xf32, #tpu.memory_space<vmem>>, vector<16xf32>,
        tpu.vector_store %swap3A_630[%swap3A_631, %swap3A_632], %mul3A_626 {strides = array<i32>} : memref<80x80xf32, #tpu.memory_space<vmem>>, vector<16xf32>,
        %eq3A_634 = arith.constant 1 : i32
        %eq3A_635 = vector.broadcast %eq3A_634 : i32 to vector<16xi32>
        %eq3A_636 = arith.cmpi eq, %iota3A, %eq3A_635 : vector<16xi32>
        %select_n3A_637 = arith.select %eq3A_636, %exp3A_617, %select_n3A_610 : vector<16xi1>, vector<16xf32>
        %swap3A_638 = arith.constant 0 : i32
        %swap3A_639 = arith.constant 0 : i32
        %swap3A_640 = tpu.memref_slice %arg19[%rem3A_178, %swap3A_638, %swap3A_639] : memref<2x80x80xf32, #tpu.memory_space<vmem>> -> memref<1x80x80xf32, #tpu.memory_space<vmem>>
        %swap3A_641 = tpu.memref_squeeze %swap3A_640 : memref<1x80x80xf32, #tpu.memory_space<vmem>> -> memref<80x80xf32, #tpu.memory_space<vmem>>
        %swap3A_642 = arith.index_cast %scan3A_455 : i32 to index
        %swap3A_643 = arith.constant 64 : index
        %swap3A_644 = tpu.vector_load %swap3A_641[%swap3A_642, %swap3A_643] {strides = array<i32>} : memref<80x80xf32, #tpu.memory_space<vmem>>, vector<16xf32>,
        tpu.vector_store %swap3A_641[%swap3A_642, %swap3A_643], %select_n3A_637 {strides = array<i32>} : memref<80x80xf32, #tpu.memory_space<vmem>>, vector<16xf32>,
        %scan3A_645 = arith.constant 2 : i32
        %scan3A_646 = arith.addi %scan3A_269, %scan3A_645 : i32
        %shift_right_logical3A_647 = arith.constant 1 : i32
        %shift_right_logical3A_648 = arith.shrui %scan3A_646, %shift_right_logical3A_647 : i32
        %and3A_649 = arith.constant 1 : i32
        %and3A_650 = arith.andi %scan3A_646, %and3A_649 : i32
        %mul3A_651 = arith.constant 64 : i32
        %mul3A_652 = arith.muli %and3A_650, %mul3A_651 : i32
        %get3A_653 = arith.constant 0 : i32
        %get3A_654 = arith.constant 0 : i32
        %get3A_655 = tpu.memref_slice %arg16[%rem3A_178, %get3A_653, %get3A_654] : memref<2x80x64xf32, #tpu.memory_space<vmem>> -> memref<1x80x64xf32, #tpu.memory_space<vmem>>
        %get3A_656 = tpu.memref_squeeze %get3A_655 : memref<1x80x64xf32, #tpu.memory_space<vmem>> -> memref<80x64xf32, #tpu.memory_space<vmem>>
        %get3A_657 = arith.index_cast %scan3A_646 : i32 to index
        %get3A_658 = arith.constant 0 : index
        %get3A_659 = tpu.vector_load %get3A_656[%get3A_657, %get3A_658] {strides = array<i32>} : memref<80x64xf32, #tpu.memory_space<vmem>>, vector<16xf32>,
        %get3A_660 = arith.constant 0 : i32
        %get3A_661 = arith.constant 0 : i32
        %get3A_662 = tpu.memref_slice %arg17[%rem3A_178, %get3A_660, %get3A_661] : memref<2x80x64xf32, #tpu.memory_space<vmem>> -> memref<1x80x64xf32, #tpu.memory_space<vmem>>
        %get3A_663 = tpu.memref_squeeze %get3A_662 : memref<1x80x64xf32, #tpu.memory_space<vmem>> -> memref<80x64xf32, #tpu.memory_space<vmem>>
        %get3A_664 = arith.index_cast %scan3A_646 : i32 to index
        %get3A_665 = arith.constant 0 : index
        %get3A_666 = tpu.vector_load %get3A_663[%get3A_664, %get3A_665] {strides = array<i32>} : memref<80x64xf32, #tpu.memory_space<vmem>>, vector<16xf32>,
        %add3A_667 = arith.addf %get3A_659, %get3A_666 : vector<16xf32>
        %add3A_668 = arith.constant 0 : i32
        %add3A_669 = arith.addi %mul3A_652, %add3A_668 : i32
        %get3A_670 = arith.constant 0 : i32
        %get3A_671 = arith.constant 0 : i32
        %get3A_672 = tpu.memref_slice %arg18[%rem3A_178, %get3A_670, %get3A_671] : memref<2x40x128xf32, #tpu.memory_space<vmem>> -> memref<1x40x128xf32, #tpu.memory_space<vmem>>
        %get3A_673 = tpu.memref_squeeze %get3A_672 : memref<1x40x128xf32, #tpu.memory_space<vmem>> -> memref<40x128xf32, #tpu.memory_space<vmem>>
        %get3A_674 = arith.index_cast %shift_right_logical3A_648 : i32 to index
        %get3A_675 = arith.index_cast %add3A_669 : i32 to index
        %get3A_676 = tpu.vector_load %get3A_673[%get3A_674, %get3A_675] {strides = array<i32>} : memref<40x128xf32, #tpu.memory_space<vmem>>, vector<16xf32>,
        %add3A_677 = arith.addf %add3A_667, %get3A_676 : vector<16xf32>
        %mul3A_678 = arith.constant 2.000000e-01 : f32
        %mul3A_679 = vector.broadcast %mul3A_678 : f32 to vector<16xf32>
        %mul3A_680 = arith.mulf %mul3A_679, %add3A_677 : vector<16xf32>
        %max3A_681 = arith.maximumf %add3A_677, %mul3A_680 : vector<16xf32>
        %mul3A_682 = arith.mulf %max3A_681, %get3A_37 : vector<16xf32>
        %get3A_683 = arith.constant 0 : i32
        %get3A_684 = arith.constant 0 : i32
        %get3A_685 = tpu.memref_slice %arg16[%rem3A_178, %get3A_683, %get3A_684] : memref<2x80x64xf32, #tpu.memory_space<vmem>> -> memref<1x80x64xf32, #tpu.memory_space<vmem>>
        %get3A_686 = tpu.memref_squeeze %get3A_685 : memref<1x80x64xf32, #tpu.memory_space<vmem>> -> memref<80x64xf32, #tpu.memory_space<vmem>>
        %get3A_687 = arith.index_cast %scan3A_646 : i32 to index
        %get3A_688 = arith.constant 16 : index
        %get3A_689 = tpu.vector_load %get3A_686[%get3A_687, %get3A_688] {strides = array<i32>} : memref<80x64xf32, #tpu.memory_space<vmem>>, vector<16xf32>,
        %get3A_690 = arith.constant 0 : i32
        %get3A_691 = arith.constant 0 : i32
        %get3A_692 = tpu.memref_slice %arg17[%rem3A_178, %get3A_690, %get3A_691] : memref<2x80x64xf32, #tpu.memory_space<vmem>> -> memref<1x80x64xf32, #tpu.memory_space<vmem>>
        %get3A_693 = tpu.memref_squeeze %get3A_692 : memref<1x80x64xf32, #tpu.memory_space<vmem>> -> memref<80x64xf32, #tpu.memory_space<vmem>>
        %get3A_694 = arith.index_cast %scan3A_646 : i32 to index
        %get3A_695 = arith.constant 16 : index
        %get3A_696 = tpu.vector_load %get3A_693[%get3A_694, %get3A_695] {strides = array<i32>} : memref<80x64xf32, #tpu.memory_space<vmem>>, vector<16xf32>,
        %add3A_697 = arith.addf %get3A_689, %get3A_696 : vector<16xf32>
        %add3A_698 = arith.constant 16 : i32
        %add3A_699 = arith.addi %mul3A_652, %add3A_698 : i32
        %get3A_700 = arith.constant 0 : i32
        %get3A_701 = arith.constant 0 : i32
        %get3A_702 = tpu.memref_slice %arg18[%rem3A_178, %get3A_700, %get3A_701] : memref<2x40x128xf32, #tpu.memory_space<vmem>> -> memref<1x40x128xf32, #tpu.memory_space<vmem>>
        %get3A_703 = tpu.memref_squeeze %get3A_702 : memref<1x40x128xf32, #tpu.memory_space<vmem>> -> memref<40x128xf32, #tpu.memory_space<vmem>>
        %get3A_704 = arith.index_cast %shift_right_logical3A_648 : i32 to index
        %get3A_705 = arith.index_cast %add3A_699 : i32 to index
        %get3A_706 = tpu.vector_load %get3A_703[%get3A_704, %get3A_705] {strides = array<i32>} : memref<40x128xf32, #tpu.memory_space<vmem>>, vector<16xf32>,
        %add3A_707 = arith.addf %add3A_697, %get3A_706 : vector<16xf32>
        %mul3A_708 = arith.constant 2.000000e-01 : f32
        %mul3A_709 = vector.broadcast %mul3A_708 : f32 to vector<16xf32>
        %mul3A_710 = arith.mulf %mul3A_709, %add3A_707 : vector<16xf32>
        %max3A_711 = arith.maximumf %add3A_707, %mul3A_710 : vector<16xf32>
        %mul3A_712 = arith.mulf %max3A_711, %get3A_39 : vector<16xf32>
        %get3A_713 = arith.constant 0 : i32
        %get3A_714 = arith.constant 0 : i32
        %get3A_715 = tpu.memref_slice %arg16[%rem3A_178, %get3A_713, %get3A_714] : memref<2x80x64xf32, #tpu.memory_space<vmem>> -> memref<1x80x64xf32, #tpu.memory_space<vmem>>
        %get3A_716 = tpu.memref_squeeze %get3A_715 : memref<1x80x64xf32, #tpu.memory_space<vmem>> -> memref<80x64xf32, #tpu.memory_space<vmem>>
        %get3A_717 = arith.index_cast %scan3A_646 : i32 to index
        %get3A_718 = arith.constant 32 : index
        %get3A_719 = tpu.vector_load %get3A_716[%get3A_717, %get3A_718] {strides = array<i32>} : memref<80x64xf32, #tpu.memory_space<vmem>>, vector<16xf32>,
        %get3A_720 = arith.constant 0 : i32
        %get3A_721 = arith.constant 0 : i32
        %get3A_722 = tpu.memref_slice %arg17[%rem3A_178, %get3A_720, %get3A_721] : memref<2x80x64xf32, #tpu.memory_space<vmem>> -> memref<1x80x64xf32, #tpu.memory_space<vmem>>
        %get3A_723 = tpu.memref_squeeze %get3A_722 : memref<1x80x64xf32, #tpu.memory_space<vmem>> -> memref<80x64xf32, #tpu.memory_space<vmem>>
        %get3A_724 = arith.index_cast %scan3A_646 : i32 to index
        %get3A_725 = arith.constant 32 : index
        %get3A_726 = tpu.vector_load %get3A_723[%get3A_724, %get3A_725] {strides = array<i32>} : memref<80x64xf32, #tpu.memory_space<vmem>>, vector<16xf32>,
        %add3A_727 = arith.addf %get3A_719, %get3A_726 : vector<16xf32>
        %add3A_728 = arith.constant 32 : i32
        %add3A_729 = arith.addi %mul3A_652, %add3A_728 : i32
        %get3A_730 = arith.constant 0 : i32
        %get3A_731 = arith.constant 0 : i32
        %get3A_732 = tpu.memref_slice %arg18[%rem3A_178, %get3A_730, %get3A_731] : memref<2x40x128xf32, #tpu.memory_space<vmem>> -> memref<1x40x128xf32, #tpu.memory_space<vmem>>
        %get3A_733 = tpu.memref_squeeze %get3A_732 : memref<1x40x128xf32, #tpu.memory_space<vmem>> -> memref<40x128xf32, #tpu.memory_space<vmem>>
        %get3A_734 = arith.index_cast %shift_right_logical3A_648 : i32 to index
        %get3A_735 = arith.index_cast %add3A_729 : i32 to index
        %get3A_736 = tpu.vector_load %get3A_733[%get3A_734, %get3A_735] {strides = array<i32>} : memref<40x128xf32, #tpu.memory_space<vmem>>, vector<16xf32>,
        %add3A_737 = arith.addf %add3A_727, %get3A_736 : vector<16xf32>
        %mul3A_738 = arith.constant 2.000000e-01 : f32
        %mul3A_739 = vector.broadcast %mul3A_738 : f32 to vector<16xf32>
        %mul3A_740 = arith.mulf %mul3A_739, %add3A_737 : vector<16xf32>
        %max3A_741 = arith.maximumf %add3A_737, %mul3A_740 : vector<16xf32>
        %mul3A_742 = arith.mulf %max3A_741, %get3A_41 : vector<16xf32>
        %get3A_743 = arith.constant 0 : i32
        %get3A_744 = arith.constant 0 : i32
        %get3A_745 = tpu.memref_slice %arg16[%rem3A_178, %get3A_743, %get3A_744] : memref<2x80x64xf32, #tpu.memory_space<vmem>> -> memref<1x80x64xf32, #tpu.memory_space<vmem>>
        %get3A_746 = tpu.memref_squeeze %get3A_745 : memref<1x80x64xf32, #tpu.memory_space<vmem>> -> memref<80x64xf32, #tpu.memory_space<vmem>>
        %get3A_747 = arith.index_cast %scan3A_646 : i32 to index
        %get3A_748 = arith.constant 48 : index
        %get3A_749 = tpu.vector_load %get3A_746[%get3A_747, %get3A_748] {strides = array<i32>} : memref<80x64xf32, #tpu.memory_space<vmem>>, vector<16xf32>,
        %get3A_750 = arith.constant 0 : i32
        %get3A_751 = arith.constant 0 : i32
        %get3A_752 = tpu.memref_slice %arg17[%rem3A_178, %get3A_750, %get3A_751] : memref<2x80x64xf32, #tpu.memory_space<vmem>> -> memref<1x80x64xf32, #tpu.memory_space<vmem>>
        %get3A_753 = tpu.memref_squeeze %get3A_752 : memref<1x80x64xf32, #tpu.memory_space<vmem>> -> memref<80x64xf32, #tpu.memory_space<vmem>>
        %get3A_754 = arith.index_cast %scan3A_646 : i32 to index
        %get3A_755 = arith.constant 48 : index
        %get3A_756 = tpu.vector_load %get3A_753[%get3A_754, %get3A_755] {strides = array<i32>} : memref<80x64xf32, #tpu.memory_space<vmem>>, vector<16xf32>,
        %add3A_757 = arith.addf %get3A_749, %get3A_756 : vector<16xf32>
        %add3A_758 = arith.constant 48 : i32
        %add3A_759 = arith.addi %mul3A_652, %add3A_758 : i32
        %get3A_760 = arith.constant 0 : i32
        %get3A_761 = arith.constant 0 : i32
        %get3A_762 = tpu.memref_slice %arg18[%rem3A_178, %get3A_760, %get3A_761] : memref<2x40x128xf32, #tpu.memory_space<vmem>> -> memref<1x40x128xf32, #tpu.memory_space<vmem>>
        %get3A_763 = tpu.memref_squeeze %get3A_762 : memref<1x40x128xf32, #tpu.memory_space<vmem>> -> memref<40x128xf32, #tpu.memory_space<vmem>>
        %get3A_764 = arith.index_cast %shift_right_logical3A_648 : i32 to index
        %get3A_765 = arith.index_cast %add3A_759 : i32 to index
        %get3A_766 = tpu.vector_load %get3A_763[%get3A_764, %get3A_765] {strides = array<i32>} : memref<40x128xf32, #tpu.memory_space<vmem>>, vector<16xf32>,
        %add3A_767 = arith.addf %add3A_757, %get3A_766 : vector<16xf32>
        %mul3A_768 = arith.constant 2.000000e-01 : f32
        %mul3A_769 = vector.broadcast %mul3A_768 : f32 to vector<16xf32>
        %mul3A_770 = arith.mulf %mul3A_769, %add3A_767 : vector<16xf32>
        %max3A_771 = arith.maximumf %add3A_767, %mul3A_770 : vector<16xf32>
        %mul3A_772 = arith.mulf %max3A_771, %get3A_43 : vector<16xf32>
        %broadcast_in_dim3A_773 = arith.constant 0.000000e+00 : f32
        %broadcast_in_dim3A_774 = vector.broadcast %broadcast_in_dim3A_773 : f32 to vector<16xf32>
        %add3A_775 = arith.addf %mul3A_682, %mul3A_712 : vector<16xf32>
        %reduce_sum3A_776 = arith.constant true
        %reduce_sum3A_777 = vector.broadcast %reduce_sum3A_776 : i1 to vector<16xi1>
        %reduce_sum3A_778 = tpu.scan <sum>, %add3A_775 masked %reduce_sum3A_777 : vector<16xf32>, vector<16xi1> -> vector<16xf32>
        %reduce_sum3A_779 = vector.extract %reduce_sum3A_778[15] : f32 from vector<16xf32>
        %broadcast_in_dim3A_780 = vector.broadcast %reduce_sum3A_779 : f32 to vector<16xf32>
        %exp3A_781 = math.exp %broadcast_in_dim3A_780 : vector<16xf32>
        %mul3A_782 = arith.mulf %get3A_659, %exp3A_781 : vector<16xf32>
        %swap3A_783 = arith.constant 0 : i32
        %swap3A_784 = arith.constant 0 : i32
        %swap3A_785 = tpu.memref_slice %arg19[%rem3A_178, %swap3A_783, %swap3A_784] : memref<2x80x80xf32, #tpu.memory_space<vmem>> -> memref<1x80x80xf32, #tpu.memory_space<vmem>>
        %swap3A_786 = tpu.memref_squeeze %swap3A_785 : memref<1x80x80xf32, #tpu.memory_space<vmem>> -> memref<80x80xf32, #tpu.memory_space<vmem>>
        %swap3A_787 = arith.index_cast %scan3A_646 : i32 to index
        %swap3A_788 = arith.constant 0 : index
        %swap3A_789 = tpu.vector_load %swap3A_786[%swap3A_787, %swap3A_788] {strides = array<i32>} : memref<80x80xf32, #tpu.memory_space<vmem>>, vector<16xf32>,
        tpu.vector_store %swap3A_786[%swap3A_787, %swap3A_788], %mul3A_782 {strides = array<i32>} : memref<80x80xf32, #tpu.memory_space<vmem>>, vector<16xf32>,
        %mul3A_790 = arith.mulf %get3A_689, %exp3A_781 : vector<16xf32>
        %swap3A_791 = arith.constant 0 : i32
        %swap3A_792 = arith.constant 0 : i32
        %swap3A_793 = tpu.memref_slice %arg19[%rem3A_178, %swap3A_791, %swap3A_792] : memref<2x80x80xf32, #tpu.memory_space<vmem>> -> memref<1x80x80xf32, #tpu.memory_space<vmem>>
        %swap3A_794 = tpu.memref_squeeze %swap3A_793 : memref<1x80x80xf32, #tpu.memory_space<vmem>> -> memref<80x80xf32, #tpu.memory_space<vmem>>
        %swap3A_795 = arith.index_cast %scan3A_646 : i32 to index
        %swap3A_796 = arith.constant 16 : index
        %swap3A_797 = tpu.vector_load %swap3A_794[%swap3A_795, %swap3A_796] {strides = array<i32>} : memref<80x80xf32, #tpu.memory_space<vmem>>, vector<16xf32>,
        tpu.vector_store %swap3A_794[%swap3A_795, %swap3A_796], %mul3A_790 {strides = array<i32>} : memref<80x80xf32, #tpu.memory_space<vmem>>, vector<16xf32>,
        %eq3A_798 = arith.constant 0 : i32
        %eq3A_799 = vector.broadcast %eq3A_798 : i32 to vector<16xi32>
        %eq3A_800 = arith.cmpi eq, %iota3A, %eq3A_799 : vector<16xi32>
        %select_n3A_801 = arith.select %eq3A_800, %exp3A_781, %broadcast_in_dim3A_774 : vector<16xi1>, vector<16xf32>
        %add3A_802 = arith.addf %mul3A_742, %mul3A_772 : vector<16xf32>
        %reduce_sum3A_803 = arith.constant true
        %reduce_sum3A_804 = vector.broadcast %reduce_sum3A_803 : i1 to vector<16xi1>
        %reduce_sum3A_805 = tpu.scan <sum>, %add3A_802 masked %reduce_sum3A_804 : vector<16xf32>, vector<16xi1> -> vector<16xf32>
        %reduce_sum3A_806 = vector.extract %reduce_sum3A_805[15] : f32 from vector<16xf32>
        %broadcast_in_dim3A_807 = vector.broadcast %reduce_sum3A_806 : f32 to vector<16xf32>
        %exp3A_808 = math.exp %broadcast_in_dim3A_807 : vector<16xf32>
        %mul3A_809 = arith.mulf %get3A_719, %exp3A_808 : vector<16xf32>
        %swap3A_810 = arith.constant 0 : i32
        %swap3A_811 = arith.constant 0 : i32
        %swap3A_812 = tpu.memref_slice %arg19[%rem3A_178, %swap3A_810, %swap3A_811] : memref<2x80x80xf32, #tpu.memory_space<vmem>> -> memref<1x80x80xf32, #tpu.memory_space<vmem>>
        %swap3A_813 = tpu.memref_squeeze %swap3A_812 : memref<1x80x80xf32, #tpu.memory_space<vmem>> -> memref<80x80xf32, #tpu.memory_space<vmem>>
        %swap3A_814 = arith.index_cast %scan3A_646 : i32 to index
        %swap3A_815 = arith.constant 32 : index
        %swap3A_816 = tpu.vector_load %swap3A_813[%swap3A_814, %swap3A_815] {strides = array<i32>} : memref<80x80xf32, #tpu.memory_space<vmem>>, vector<16xf32>,
        tpu.vector_store %swap3A_813[%swap3A_814, %swap3A_815], %mul3A_809 {strides = array<i32>} : memref<80x80xf32, #tpu.memory_space<vmem>>, vector<16xf32>,
        %mul3A_817 = arith.mulf %get3A_749, %exp3A_808 : vector<16xf32>
        %swap3A_818 = arith.constant 0 : i32
        %swap3A_819 = arith.constant 0 : i32
        %swap3A_820 = tpu.memref_slice %arg19[%rem3A_178, %swap3A_818, %swap3A_819] : memref<2x80x80xf32, #tpu.memory_space<vmem>> -> memref<1x80x80xf32, #tpu.memory_space<vmem>>
        %swap3A_821 = tpu.memref_squeeze %swap3A_820 : memref<1x80x80xf32, #tpu.memory_space<vmem>> -> memref<80x80xf32, #tpu.memory_space<vmem>>
        %swap3A_822 = arith.index_cast %scan3A_646 : i32 to index
        %swap3A_823 = arith.constant 48 : index
        %swap3A_824 = tpu.vector_load %swap3A_821[%swap3A_822, %swap3A_823] {strides = array<i32>} : memref<80x80xf32, #tpu.memory_space<vmem>>, vector<16xf32>,
        tpu.vector_store %swap3A_821[%swap3A_822, %swap3A_823], %mul3A_817 {strides = array<i32>} : memref<80x80xf32, #tpu.memory_space<vmem>>, vector<16xf32>,
        %eq3A_825 = arith.constant 1 : i32
        %eq3A_826 = vector.broadcast %eq3A_825 : i32 to vector<16xi32>
        %eq3A_827 = arith.cmpi eq, %iota3A, %eq3A_826 : vector<16xi32>
        %select_n3A_828 = arith.select %eq3A_827, %exp3A_808, %select_n3A_801 : vector<16xi1>, vector<16xf32>
        %swap3A_829 = arith.constant 0 : i32
        %swap3A_830 = arith.constant 0 : i32
        %swap3A_831 = tpu.memref_slice %arg19[%rem3A_178, %swap3A_829, %swap3A_830] : memref<2x80x80xf32, #tpu.memory_space<vmem>> -> memref<1x80x80xf32, #tpu.memory_space<vmem>>
        %swap3A_832 = tpu.memref_squeeze %swap3A_831 : memref<1x80x80xf32, #tpu.memory_space<vmem>> -> memref<80x80xf32, #tpu.memory_space<vmem>>
        %swap3A_833 = arith.index_cast %scan3A_646 : i32 to index
        %swap3A_834 = arith.constant 64 : index
        %swap3A_835 = tpu.vector_load %swap3A_832[%swap3A_833, %swap3A_834] {strides = array<i32>} : memref<80x80xf32, #tpu.memory_space<vmem>>, vector<16xf32>,
        tpu.vector_store %swap3A_832[%swap3A_833, %swap3A_834], %select_n3A_828 {strides = array<i32>} : memref<80x80xf32, #tpu.memory_space<vmem>>, vector<16xf32>,
        %scan3A_836 = arith.constant 3 : i32
        %scan3A_837 = arith.addi %scan3A_269, %scan3A_836 : i32
        %shift_right_logical3A_838 = arith.constant 1 : i32
        %shift_right_logical3A_839 = arith.shrui %scan3A_837, %shift_right_logical3A_838 : i32
        %and3A_840 = arith.constant 1 : i32
        %and3A_841 = arith.andi %scan3A_837, %and3A_840 : i32
        %mul3A_842 = arith.constant 64 : i32
        %mul3A_843 = arith.muli %and3A_841, %mul3A_842 : i32
        %get3A_844 = arith.constant 0 : i32
        %get3A_845 = arith.constant 0 : i32
        %get3A_846 = tpu.memref_slice %arg16[%rem3A_178, %get3A_844, %get3A_845] : memref<2x80x64xf32, #tpu.memory_space<vmem>> -> memref<1x80x64xf32, #tpu.memory_space<vmem>>
        %get3A_847 = tpu.memref_squeeze %get3A_846 : memref<1x80x64xf32, #tpu.memory_space<vmem>> -> memref<80x64xf32, #tpu.memory_space<vmem>>
        %get3A_848 = arith.index_cast %scan3A_837 : i32 to index
        %get3A_849 = arith.constant 0 : index
        %get3A_850 = tpu.vector_load %get3A_847[%get3A_848, %get3A_849] {strides = array<i32>} : memref<80x64xf32, #tpu.memory_space<vmem>>, vector<16xf32>,
        %get3A_851 = arith.constant 0 : i32
        %get3A_852 = arith.constant 0 : i32
        %get3A_853 = tpu.memref_slice %arg17[%rem3A_178, %get3A_851, %get3A_852] : memref<2x80x64xf32, #tpu.memory_space<vmem>> -> memref<1x80x64xf32, #tpu.memory_space<vmem>>
        %get3A_854 = tpu.memref_squeeze %get3A_853 : memref<1x80x64xf32, #tpu.memory_space<vmem>> -> memref<80x64xf32, #tpu.memory_space<vmem>>
        %get3A_855 = arith.index_cast %scan3A_837 : i32 to index
        %get3A_856 = arith.constant 0 : index
        %get3A_857 = tpu.vector_load %get3A_854[%get3A_855, %get3A_856] {strides = array<i32>} : memref<80x64xf32, #tpu.memory_space<vmem>>, vector<16xf32>,
        %add3A_858 = arith.addf %get3A_850, %get3A_857 : vector<16xf32>
        %add3A_859 = arith.constant 0 : i32
        %add3A_860 = arith.addi %mul3A_843, %add3A_859 : i32
        %get3A_861 = arith.constant 0 : i32
        %get3A_862 = arith.constant 0 : i32
        %get3A_863 = tpu.memref_slice %arg18[%rem3A_178, %get3A_861, %get3A_862] : memref<2x40x128xf32, #tpu.memory_space<vmem>> -> memref<1x40x128xf32, #tpu.memory_space<vmem>>
        %get3A_864 = tpu.memref_squeeze %get3A_863 : memref<1x40x128xf32, #tpu.memory_space<vmem>> -> memref<40x128xf32, #tpu.memory_space<vmem>>
        %get3A_865 = arith.index_cast %shift_right_logical3A_839 : i32 to index
        %get3A_866 = arith.index_cast %add3A_860 : i32 to index
        %get3A_867 = tpu.vector_load %get3A_864[%get3A_865, %get3A_866] {strides = array<i32>} : memref<40x128xf32, #tpu.memory_space<vmem>>, vector<16xf32>,
        %add3A_868 = arith.addf %add3A_858, %get3A_867 : vector<16xf32>
        %mul3A_869 = arith.constant 2.000000e-01 : f32
        %mul3A_870 = vector.broadcast %mul3A_869 : f32 to vector<16xf32>
        %mul3A_871 = arith.mulf %mul3A_870, %add3A_868 : vector<16xf32>
        %max3A_872 = arith.maximumf %add3A_868, %mul3A_871 : vector<16xf32>
        %mul3A_873 = arith.mulf %max3A_872, %get3A_37 : vector<16xf32>
        %get3A_874 = arith.constant 0 : i32
        %get3A_875 = arith.constant 0 : i32
        %get3A_876 = tpu.memref_slice %arg16[%rem3A_178, %get3A_874, %get3A_875] : memref<2x80x64xf32, #tpu.memory_space<vmem>> -> memref<1x80x64xf32, #tpu.memory_space<vmem>>
        %get3A_877 = tpu.memref_squeeze %get3A_876 : memref<1x80x64xf32, #tpu.memory_space<vmem>> -> memref<80x64xf32, #tpu.memory_space<vmem>>
        %get3A_878 = arith.index_cast %scan3A_837 : i32 to index
        %get3A_879 = arith.constant 16 : index
        %get3A_880 = tpu.vector_load %get3A_877[%get3A_878, %get3A_879] {strides = array<i32>} : memref<80x64xf32, #tpu.memory_space<vmem>>, vector<16xf32>,
        %get3A_881 = arith.constant 0 : i32
        %get3A_882 = arith.constant 0 : i32
        %get3A_883 = tpu.memref_slice %arg17[%rem3A_178, %get3A_881, %get3A_882] : memref<2x80x64xf32, #tpu.memory_space<vmem>> -> memref<1x80x64xf32, #tpu.memory_space<vmem>>
        %get3A_884 = tpu.memref_squeeze %get3A_883 : memref<1x80x64xf32, #tpu.memory_space<vmem>> -> memref<80x64xf32, #tpu.memory_space<vmem>>
        %get3A_885 = arith.index_cast %scan3A_837 : i32 to index
        %get3A_886 = arith.constant 16 : index
        %get3A_887 = tpu.vector_load %get3A_884[%get3A_885, %get3A_886] {strides = array<i32>} : memref<80x64xf32, #tpu.memory_space<vmem>>, vector<16xf32>,
        %add3A_888 = arith.addf %get3A_880, %get3A_887 : vector<16xf32>
        %add3A_889 = arith.constant 16 : i32
        %add3A_890 = arith.addi %mul3A_843, %add3A_889 : i32
        %get3A_891 = arith.constant 0 : i32
        %get3A_892 = arith.constant 0 : i32
        %get3A_893 = tpu.memref_slice %arg18[%rem3A_178, %get3A_891, %get3A_892] : memref<2x40x128xf32, #tpu.memory_space<vmem>> -> memref<1x40x128xf32, #tpu.memory_space<vmem>>
        %get3A_894 = tpu.memref_squeeze %get3A_893 : memref<1x40x128xf32, #tpu.memory_space<vmem>> -> memref<40x128xf32, #tpu.memory_space<vmem>>
        %get3A_895 = arith.index_cast %shift_right_logical3A_839 : i32 to index
        %get3A_896 = arith.index_cast %add3A_890 : i32 to index
        %get3A_897 = tpu.vector_load %get3A_894[%get3A_895, %get3A_896] {strides = array<i32>} : memref<40x128xf32, #tpu.memory_space<vmem>>, vector<16xf32>,
        %add3A_898 = arith.addf %add3A_888, %get3A_897 : vector<16xf32>
        %mul3A_899 = arith.constant 2.000000e-01 : f32
        %mul3A_900 = vector.broadcast %mul3A_899 : f32 to vector<16xf32>
        %mul3A_901 = arith.mulf %mul3A_900, %add3A_898 : vector<16xf32>
        %max3A_902 = arith.maximumf %add3A_898, %mul3A_901 : vector<16xf32>
        %mul3A_903 = arith.mulf %max3A_902, %get3A_39 : vector<16xf32>
        %get3A_904 = arith.constant 0 : i32
        %get3A_905 = arith.constant 0 : i32
        %get3A_906 = tpu.memref_slice %arg16[%rem3A_178, %get3A_904, %get3A_905] : memref<2x80x64xf32, #tpu.memory_space<vmem>> -> memref<1x80x64xf32, #tpu.memory_space<vmem>>
        %get3A_907 = tpu.memref_squeeze %get3A_906 : memref<1x80x64xf32, #tpu.memory_space<vmem>> -> memref<80x64xf32, #tpu.memory_space<vmem>>
        %get3A_908 = arith.index_cast %scan3A_837 : i32 to index
        %get3A_909 = arith.constant 32 : index
        %get3A_910 = tpu.vector_load %get3A_907[%get3A_908, %get3A_909] {strides = array<i32>} : memref<80x64xf32, #tpu.memory_space<vmem>>, vector<16xf32>,
        %get3A_911 = arith.constant 0 : i32
        %get3A_912 = arith.constant 0 : i32
        %get3A_913 = tpu.memref_slice %arg17[%rem3A_178, %get3A_911, %get3A_912] : memref<2x80x64xf32, #tpu.memory_space<vmem>> -> memref<1x80x64xf32, #tpu.memory_space<vmem>>
        %get3A_914 = tpu.memref_squeeze %get3A_913 : memref<1x80x64xf32, #tpu.memory_space<vmem>> -> memref<80x64xf32, #tpu.memory_space<vmem>>
        %get3A_915 = arith.index_cast %scan3A_837 : i32 to index
        %get3A_916 = arith.constant 32 : index
        %get3A_917 = tpu.vector_load %get3A_914[%get3A_915, %get3A_916] {strides = array<i32>} : memref<80x64xf32, #tpu.memory_space<vmem>>, vector<16xf32>,
        %add3A_918 = arith.addf %get3A_910, %get3A_917 : vector<16xf32>
        %add3A_919 = arith.constant 32 : i32
        %add3A_920 = arith.addi %mul3A_843, %add3A_919 : i32
        %get3A_921 = arith.constant 0 : i32
        %get3A_922 = arith.constant 0 : i32
        %get3A_923 = tpu.memref_slice %arg18[%rem3A_178, %get3A_921, %get3A_922] : memref<2x40x128xf32, #tpu.memory_space<vmem>> -> memref<1x40x128xf32, #tpu.memory_space<vmem>>
        %get3A_924 = tpu.memref_squeeze %get3A_923 : memref<1x40x128xf32, #tpu.memory_space<vmem>> -> memref<40x128xf32, #tpu.memory_space<vmem>>
        %get3A_925 = arith.index_cast %shift_right_logical3A_839 : i32 to index
        %get3A_926 = arith.index_cast %add3A_920 : i32 to index
        %get3A_927 = tpu.vector_load %get3A_924[%get3A_925, %get3A_926] {strides = array<i32>} : memref<40x128xf32, #tpu.memory_space<vmem>>, vector<16xf32>,
        %add3A_928 = arith.addf %add3A_918, %get3A_927 : vector<16xf32>
        %mul3A_929 = arith.constant 2.000000e-01 : f32
        %mul3A_930 = vector.broadcast %mul3A_929 : f32 to vector<16xf32>
        %mul3A_931 = arith.mulf %mul3A_930, %add3A_928 : vector<16xf32>
        %max3A_932 = arith.maximumf %add3A_928, %mul3A_931 : vector<16xf32>
        %mul3A_933 = arith.mulf %max3A_932, %get3A_41 : vector<16xf32>
        %get3A_934 = arith.constant 0 : i32
        %get3A_935 = arith.constant 0 : i32
        %get3A_936 = tpu.memref_slice %arg16[%rem3A_178, %get3A_934, %get3A_935] : memref<2x80x64xf32, #tpu.memory_space<vmem>> -> memref<1x80x64xf32, #tpu.memory_space<vmem>>
        %get3A_937 = tpu.memref_squeeze %get3A_936 : memref<1x80x64xf32, #tpu.memory_space<vmem>> -> memref<80x64xf32, #tpu.memory_space<vmem>>
        %get3A_938 = arith.index_cast %scan3A_837 : i32 to index
        %get3A_939 = arith.constant 48 : index
        %get3A_940 = tpu.vector_load %get3A_937[%get3A_938, %get3A_939] {strides = array<i32>} : memref<80x64xf32, #tpu.memory_space<vmem>>, vector<16xf32>,
        %get3A_941 = arith.constant 0 : i32
        %get3A_942 = arith.constant 0 : i32
        %get3A_943 = tpu.memref_slice %arg17[%rem3A_178, %get3A_941, %get3A_942] : memref<2x80x64xf32, #tpu.memory_space<vmem>> -> memref<1x80x64xf32, #tpu.memory_space<vmem>>
        %get3A_944 = tpu.memref_squeeze %get3A_943 : memref<1x80x64xf32, #tpu.memory_space<vmem>> -> memref<80x64xf32, #tpu.memory_space<vmem>>
        %get3A_945 = arith.index_cast %scan3A_837 : i32 to index
        %get3A_946 = arith.constant 48 : index
        %get3A_947 = tpu.vector_load %get3A_944[%get3A_945, %get3A_946] {strides = array<i32>} : memref<80x64xf32, #tpu.memory_space<vmem>>, vector<16xf32>,
        %add3A_948 = arith.addf %get3A_940, %get3A_947 : vector<16xf32>
        %add3A_949 = arith.constant 48 : i32
        %add3A_950 = arith.addi %mul3A_843, %add3A_949 : i32
        %get3A_951 = arith.constant 0 : i32
        %get3A_952 = arith.constant 0 : i32
        %get3A_953 = tpu.memref_slice %arg18[%rem3A_178, %get3A_951, %get3A_952] : memref<2x40x128xf32, #tpu.memory_space<vmem>> -> memref<1x40x128xf32, #tpu.memory_space<vmem>>
        %get3A_954 = tpu.memref_squeeze %get3A_953 : memref<1x40x128xf32, #tpu.memory_space<vmem>> -> memref<40x128xf32, #tpu.memory_space<vmem>>
        %get3A_955 = arith.index_cast %shift_right_logical3A_839 : i32 to index
        %get3A_956 = arith.index_cast %add3A_950 : i32 to index
        %get3A_957 = tpu.vector_load %get3A_954[%get3A_955, %get3A_956] {strides = array<i32>} : memref<40x128xf32, #tpu.memory_space<vmem>>, vector<16xf32>,
        %add3A_958 = arith.addf %add3A_948, %get3A_957 : vector<16xf32>
        %mul3A_959 = arith.constant 2.000000e-01 : f32
        %mul3A_960 = vector.broadcast %mul3A_959 : f32 to vector<16xf32>
        %mul3A_961 = arith.mulf %mul3A_960, %add3A_958 : vector<16xf32>
        %max3A_962 = arith.maximumf %add3A_958, %mul3A_961 : vector<16xf32>
        %mul3A_963 = arith.mulf %max3A_962, %get3A_43 : vector<16xf32>
        %broadcast_in_dim3A_964 = arith.constant 0.000000e+00 : f32
        %broadcast_in_dim3A_965 = vector.broadcast %broadcast_in_dim3A_964 : f32 to vector<16xf32>
        %add3A_966 = arith.addf %mul3A_873, %mul3A_903 : vector<16xf32>
        %reduce_sum3A_967 = arith.constant true
        %reduce_sum3A_968 = vector.broadcast %reduce_sum3A_967 : i1 to vector<16xi1>
        %reduce_sum3A_969 = tpu.scan <sum>, %add3A_966 masked %reduce_sum3A_968 : vector<16xf32>, vector<16xi1> -> vector<16xf32>
        %reduce_sum3A_970 = vector.extract %reduce_sum3A_969[15] : f32 from vector<16xf32>
        %broadcast_in_dim3A_971 = vector.broadcast %reduce_sum3A_970 : f32 to vector<16xf32>
        %exp3A_972 = math.exp %broadcast_in_dim3A_971 : vector<16xf32>
        %mul3A_973 = arith.mulf %get3A_850, %exp3A_972 : vector<16xf32>
        %swap3A_974 = arith.constant 0 : i32
        %swap3A_975 = arith.constant 0 : i32
        %swap3A_976 = tpu.memref_slice %arg19[%rem3A_178, %swap3A_974, %swap3A_975] : memref<2x80x80xf32, #tpu.memory_space<vmem>> -> memref<1x80x80xf32, #tpu.memory_space<vmem>>
        %swap3A_977 = tpu.memref_squeeze %swap3A_976 : memref<1x80x80xf32, #tpu.memory_space<vmem>> -> memref<80x80xf32, #tpu.memory_space<vmem>>
        %swap3A_978 = arith.index_cast %scan3A_837 : i32 to index
        %swap3A_979 = arith.constant 0 : index
        %swap3A_980 = tpu.vector_load %swap3A_977[%swap3A_978, %swap3A_979] {strides = array<i32>} : memref<80x80xf32, #tpu.memory_space<vmem>>, vector<16xf32>,
        tpu.vector_store %swap3A_977[%swap3A_978, %swap3A_979], %mul3A_973 {strides = array<i32>} : memref<80x80xf32, #tpu.memory_space<vmem>>, vector<16xf32>,
        %mul3A_981 = arith.mulf %get3A_880, %exp3A_972 : vector<16xf32>
        %swap3A_982 = arith.constant 0 : i32
        %swap3A_983 = arith.constant 0 : i32
        %swap3A_984 = tpu.memref_slice %arg19[%rem3A_178, %swap3A_982, %swap3A_983] : memref<2x80x80xf32, #tpu.memory_space<vmem>> -> memref<1x80x80xf32, #tpu.memory_space<vmem>>
        %swap3A_985 = tpu.memref_squeeze %swap3A_984 : memref<1x80x80xf32, #tpu.memory_space<vmem>> -> memref<80x80xf32, #tpu.memory_space<vmem>>
        %swap3A_986 = arith.index_cast %scan3A_837 : i32 to index
        %swap3A_987 = arith.constant 16 : index
        %swap3A_988 = tpu.vector_load %swap3A_985[%swap3A_986, %swap3A_987] {strides = array<i32>} : memref<80x80xf32, #tpu.memory_space<vmem>>, vector<16xf32>,
        tpu.vector_store %swap3A_985[%swap3A_986, %swap3A_987], %mul3A_981 {strides = array<i32>} : memref<80x80xf32, #tpu.memory_space<vmem>>, vector<16xf32>,
        %eq3A_989 = arith.constant 0 : i32
        %eq3A_990 = vector.broadcast %eq3A_989 : i32 to vector<16xi32>
        %eq3A_991 = arith.cmpi eq, %iota3A, %eq3A_990 : vector<16xi32>
        %select_n3A_992 = arith.select %eq3A_991, %exp3A_972, %broadcast_in_dim3A_965 : vector<16xi1>, vector<16xf32>
        %add3A_993 = arith.addf %mul3A_933, %mul3A_963 : vector<16xf32>
        %reduce_sum3A_994 = arith.constant true
        %reduce_sum3A_995 = vector.broadcast %reduce_sum3A_994 : i1 to vector<16xi1>
        %reduce_sum3A_996 = tpu.scan <sum>, %add3A_993 masked %reduce_sum3A_995 : vector<16xf32>, vector<16xi1> -> vector<16xf32>
        %reduce_sum3A_997 = vector.extract %reduce_sum3A_996[15] : f32 from vector<16xf32>
        %broadcast_in_dim3A_998 = vector.broadcast %reduce_sum3A_997 : f32 to vector<16xf32>
        %exp3A_999 = math.exp %broadcast_in_dim3A_998 : vector<16xf32>
        %mul3A_1000 = arith.mulf %get3A_910, %exp3A_999 : vector<16xf32>
        %swap3A_1001 = arith.constant 0 : i32
        %swap3A_1002 = arith.constant 0 : i32
        %swap3A_1003 = tpu.memref_slice %arg19[%rem3A_178, %swap3A_1001, %swap3A_1002] : memref<2x80x80xf32, #tpu.memory_space<vmem>> -> memref<1x80x80xf32, #tpu.memory_space<vmem>>
        %swap3A_1004 = tpu.memref_squeeze %swap3A_1003 : memref<1x80x80xf32, #tpu.memory_space<vmem>> -> memref<80x80xf32, #tpu.memory_space<vmem>>
        %swap3A_1005 = arith.index_cast %scan3A_837 : i32 to index
        %swap3A_1006 = arith.constant 32 : index
        %swap3A_1007 = tpu.vector_load %swap3A_1004[%swap3A_1005, %swap3A_1006] {strides = array<i32>} : memref<80x80xf32, #tpu.memory_space<vmem>>, vector<16xf32>,
        tpu.vector_store %swap3A_1004[%swap3A_1005, %swap3A_1006], %mul3A_1000 {strides = array<i32>} : memref<80x80xf32, #tpu.memory_space<vmem>>, vector<16xf32>,
        %mul3A_1008 = arith.mulf %get3A_940, %exp3A_999 : vector<16xf32>
        %swap3A_1009 = arith.constant 0 : i32
        %swap3A_1010 = arith.constant 0 : i32
        %swap3A_1011 = tpu.memref_slice %arg19[%rem3A_178, %swap3A_1009, %swap3A_1010] : memref<2x80x80xf32, #tpu.memory_space<vmem>> -> memref<1x80x80xf32, #tpu.memory_space<vmem>>
        %swap3A_1012 = tpu.memref_squeeze %swap3A_1011 : memref<1x80x80xf32, #tpu.memory_space<vmem>> -> memref<80x80xf32, #tpu.memory_space<vmem>>
        %swap3A_1013 = arith.index_cast %scan3A_837 : i32 to index
        %swap3A_1014 = arith.constant 48 : index
        %swap3A_1015 = tpu.vector_load %swap3A_1012[%swap3A_1013, %swap3A_1014] {strides = array<i32>} : memref<80x80xf32, #tpu.memory_space<vmem>>, vector<16xf32>,
        tpu.vector_store %swap3A_1012[%swap3A_1013, %swap3A_1014], %mul3A_1008 {strides = array<i32>} : memref<80x80xf32, #tpu.memory_space<vmem>>, vector<16xf32>,
        %eq3A_1016 = arith.constant 1 : i32
        %eq3A_1017 = vector.broadcast %eq3A_1016 : i32 to vector<16xi32>
        %eq3A_1018 = arith.cmpi eq, %iota3A, %eq3A_1017 : vector<16xi32>
        %select_n3A_1019 = arith.select %eq3A_1018, %exp3A_999, %select_n3A_992 : vector<16xi1>, vector<16xf32>
        %swap3A_1020 = arith.constant 0 : i32
        %swap3A_1021 = arith.constant 0 : i32
        %swap3A_1022 = tpu.memref_slice %arg19[%rem3A_178, %swap3A_1020, %swap3A_1021] : memref<2x80x80xf32, #tpu.memory_space<vmem>> -> memref<1x80x80xf32, #tpu.memory_space<vmem>>
        %swap3A_1023 = tpu.memref_squeeze %swap3A_1022 : memref<1x80x80xf32, #tpu.memory_space<vmem>> -> memref<80x80xf32, #tpu.memory_space<vmem>>
        %swap3A_1024 = arith.index_cast %scan3A_837 : i32 to index
        %swap3A_1025 = arith.constant 64 : index
        %swap3A_1026 = tpu.vector_load %swap3A_1023[%swap3A_1024, %swap3A_1025] {strides = array<i32>} : memref<80x80xf32, #tpu.memory_space<vmem>>, vector<16xf32>,
        tpu.vector_store %swap3A_1023[%swap3A_1024, %swap3A_1025], %select_n3A_1019 {strides = array<i32>} : memref<80x80xf32, #tpu.memory_space<vmem>>, vector<16xf32>,
      }
      %scan3A_256 = arith.constant 80 : i32
      %dma_start3A_257 = arith.constant 0 : i32
      %dma_start3A_258 = arith.constant 0 : i32
      %dma_start3A_259 = tpu.memref_slice %arg19[%rem3A_178, %dma_start3A_257, %dma_start3A_258] : memref<2x80x80xf32, #tpu.memory_space<vmem>> -> memref<1x80x80xf32, #tpu.memory_space<vmem>>
      %dma_start3A_260 = tpu.memref_squeeze %dma_start3A_259 : memref<1x80x80xf32, #tpu.memory_space<vmem>> -> memref<80x80xf32, #tpu.memory_space<vmem>>
      %dma_start3A_261 = arith.constant 0 : i32
      %dma_start3A_262 = tpu.memref_slice %arg13[%rem3A_178, %dma_start3A_261] : memref<2x80xi32, #tpu.memory_space<vmem>> -> memref<1x80xi32, #tpu.memory_space<vmem>>
      %dma_start3A_263 = tpu.memref_squeeze %dma_start3A_262 : memref<1x80xi32, #tpu.memory_space<vmem>> -> memref<80xi32, #tpu.memory_space<vmem>>
      %dma_start3A_264 = arith.constant 0 : i32
      %dma_start3A_265 = arith.constant 0 : i32
      %dma_start3A_266 = tpu.memref_slice %arg22[%dma_start3A_264, %dma_start3A_265] : memref<10240x80xf32, #tpu.memory_space<vmem_shared>> -> memref<10240x80xf32, #tpu.memory_space<vmem_shared>>
      %dma_start3A_267 = tpu.memref_slice %arg24[%rem3A_178] : memref<2x!tpu.dma_semaphore, #tpu.memory_space<semaphore_mem>> -> memref<1x!tpu.dma_semaphore, #tpu.memory_space<semaphore_mem>>
      %dma_start3A_268 = tpu.memref_squeeze %dma_start3A_267 : memref<1x!tpu.dma_semaphore, #tpu.memory_space<semaphore_mem>> -> memref<!tpu.dma_semaphore, #tpu.memory_space<semaphore_mem>>
      tpu.enqueue_indirect_dma source(%dma_start3A_260 : memref<80x80xf32, #tpu.memory_space<vmem>>) target(%dma_start3A_266 : memref<10240x80xf32, #tpu.memory_space<vmem_shared>>) offsets(%dma_start3A_263 : memref<80xi32, #tpu.memory_space<vmem>>) semaphore(%dma_start3A_268 : memref<!tpu.dma_semaphore, #tpu.memory_space<semaphore_mem>>) {add = true}
    }
    %scan3A_145 = arith.constant 250 : i32
    %dma_wait3A = arith.constant 0 : i32
    %dma_wait3A_146 = arith.constant 0 : i32
    %dma_wait3A_147 = arith.constant 0 : i32
    %dma_wait3A_148 = arith.constant 0 : i32
    %dma_wait3A_149 = arith.constant 0 : i32
    %dma_wait3A_150 = tpu.memref_slice %arg19[%dma_wait3A, %dma_wait3A_148, %dma_wait3A_149] : memref<2x80x80xf32, #tpu.memory_space<vmem>> -> memref<1x80x80xf32, #tpu.memory_space<vmem>>
    %dma_wait3A_151 = tpu.memref_squeeze %dma_wait3A_150 : memref<1x80x80xf32, #tpu.memory_space<vmem>> -> memref<80x80xf32, #tpu.memory_space<vmem>>
    %dma_wait3A_152 = arith.constant 0 : i32
    %dma_wait3A_153 = tpu.memref_slice %arg13[%dma_wait3A_146, %dma_wait3A_152] : memref<2x80xi32, #tpu.memory_space<vmem>> -> memref<1x80xi32, #tpu.memory_space<vmem>>
    %dma_wait3A_154 = tpu.memref_squeeze %dma_wait3A_153 : memref<1x80xi32, #tpu.memory_space<vmem>> -> memref<80xi32, #tpu.memory_space<vmem>>
    %dma_wait3A_155 = arith.constant 0 : i32
    %dma_wait3A_156 = arith.constant 0 : i32
    %dma_wait3A_157 = tpu.memref_slice %arg22[%dma_wait3A_155, %dma_wait3A_156] : memref<10240x80xf32, #tpu.memory_space<vmem_shared>> -> memref<10240x80xf32, #tpu.memory_space<vmem_shared>>
    %dma_wait3A_158 = tpu.memref_slice %arg24[%dma_wait3A_147] : memref<2x!tpu.dma_semaphore, #tpu.memory_space<semaphore_mem>> -> memref<1x!tpu.dma_semaphore, #tpu.memory_space<semaphore_mem>>
    %dma_wait3A_159 = tpu.memref_squeeze %dma_wait3A_158 : memref<1x!tpu.dma_semaphore, #tpu.memory_space<semaphore_mem>> -> memref<!tpu.dma_semaphore, #tpu.memory_space<semaphore_mem>>
    tpu.wait_indirect_dma semaphore(%dma_wait3A_159 : memref<!tpu.dma_semaphore, #tpu.memory_space<semaphore_mem>>) src(%dma_wait3A_151 : memref<80x80xf32, #tpu.memory_space<vmem>>) dst(%dma_wait3A_157 : memref<10240x80xf32, #tpu.memory_space<vmem_shared>>)
    %dma_wait3A_160 = arith.constant 1 : i32
    %dma_wait3A_161 = arith.constant 1 : i32
    %dma_wait3A_162 = arith.constant 1 : i32
    %dma_wait3A_163 = arith.constant 0 : i32
    %dma_wait3A_164 = arith.constant 0 : i32
    %dma_wait3A_165 = tpu.memref_slice %arg19[%dma_wait3A_160, %dma_wait3A_163, %dma_wait3A_164] : memref<2x80x80xf32, #tpu.memory_space<vmem>> -> memref<1x80x80xf32, #tpu.memory_space<vmem>>
    %dma_wait3A_166 = tpu.memref_squeeze %dma_wait3A_165 : memref<1x80x80xf32, #tpu.memory_space<vmem>> -> memref<80x80xf32, #tpu.memory_space<vmem>>
    %dma_wait3A_167 = arith.constant 0 : i32
    %dma_wait3A_168 = tpu.memref_slice %arg13[%dma_wait3A_161, %dma_wait3A_167] : memref<2x80xi32, #tpu.memory_space<vmem>> -> memref<1x80xi32, #tpu.memory_space<vmem>>
    %dma_wait3A_169 = tpu.memref_squeeze %dma_wait3A_168 : memref<1x80xi32, #tpu.memory_space<vmem>> -> memref<80xi32, #tpu.memory_space<vmem>>
    %dma_wait3A_170 = arith.constant 0 : i32
    %dma_wait3A_171 = arith.constant 0 : i32
    %dma_wait3A_172 = tpu.memref_slice %arg22[%dma_wait3A_170, %dma_wait3A_171] : memref<10240x80xf32, #tpu.memory_space<vmem_shared>> -> memref<10240x80xf32, #tpu.memory_space<vmem_shared>>
    %dma_wait3A_173 = tpu.memref_slice %arg24[%dma_wait3A_162] : memref<2x!tpu.dma_semaphore, #tpu.memory_space<semaphore_mem>> -> memref<1x!tpu.dma_semaphore, #tpu.memory_space<semaphore_mem>>
    %dma_wait3A_174 = tpu.memref_squeeze %dma_wait3A_173 : memref<1x!tpu.dma_semaphore, #tpu.memory_space<semaphore_mem>> -> memref<!tpu.dma_semaphore, #tpu.memory_space<semaphore_mem>>
    tpu.wait_indirect_dma semaphore(%dma_wait3A_174 : memref<!tpu.dma_semaphore, #tpu.memory_space<semaphore_mem>>) src(%dma_wait3A_166 : memref<80x80xf32, #tpu.memory_space<vmem>>) dst(%dma_wait3A_172 : memref<10240x80xf32, #tpu.memory_space<vmem_shared>>)
    %barrier3A_175 = arith.constant 0 : index
    tpu.barrier barrier_id(%barrier3A_175)
    "tpu.region"() ({
      %run_scoped3A_176 = tpu.sem_alloc : memref<!tpu.dma_semaphore, #tpu.memory_space<semaphore_mem>>
      %dma_start3A_177 = arith.constant 0 : i32
      %dma_start3A_178 = tpu.memref_slice %arg9[%arg0, %mul3A_12, %dma_start3A_177] : memref<2x10240x80xf32, #tpu.memory_space<hbm>> -> memref<1x640x80xf32, #tpu.memory_space<hbm>>
      %dma_start3A_179 = tpu.memref_squeeze %dma_start3A_178 : memref<1x640x80xf32, #tpu.memory_space<hbm>> -> memref<640x80xf32, #tpu.memory_space<hbm>>
      %dma_start3A_180 = arith.constant 0 : i32
      %dma_start3A_181 = tpu.memref_slice %arg22[%mul3A_12, %dma_start3A_180] : memref<10240x80xf32, #tpu.memory_space<vmem_shared>> -> memref<640x80xf32, #tpu.memory_space<vmem_shared>>
      tpu.enqueue_dma source(%dma_start3A_181 : memref<640x80xf32, #tpu.memory_space<vmem_shared>>) target(%dma_start3A_179 : memref<640x80xf32, #tpu.memory_space<hbm>>) target_semaphore(%run_scoped3A_176 : memref<!tpu.dma_semaphore, #tpu.memory_space<semaphore_mem>>)
      %dma_wait3A_182 = arith.constant 0 : i32
      %dma_wait3A_183 = tpu.memref_slice %arg9[%arg0, %mul3A_12, %dma_wait3A_182] : memref<2x10240x80xf32, #tpu.memory_space<hbm>> -> memref<1x640x80xf32, #tpu.memory_space<hbm>>
      %dma_wait3A_184 = tpu.memref_squeeze %dma_wait3A_183 : memref<1x640x80xf32, #tpu.memory_space<hbm>> -> memref<640x80xf32, #tpu.memory_space<hbm>>
      %dma_wait3A_185 = arith.constant 0 : i32
      %dma_wait3A_186 = tpu.memref_slice %arg22[%mul3A_12, %dma_wait3A_185] : memref<10240x80xf32, #tpu.memory_space<vmem_shared>> -> memref<640x80xf32, #tpu.memory_space<vmem_shared>>
      tpu.wait_dma2 semaphore(%run_scoped3A_176 : memref<!tpu.dma_semaphore, #tpu.memory_space<semaphore_mem>>) src(%dma_wait3A_186 : memref<640x80xf32, #tpu.memory_space<vmem_shared>>) dst(%dma_wait3A_184 : memref<640x80xf32, #tpu.memory_space<hbm>>)
      tpu.yield
    }) : () -> ()
    return
  }
}

module attributes {stable_mosaic.version = 14 : i64} {
  func.func @_ea_body(%arg0: i32, %arg1: i32, %arg2: i32, %arg3: memref<1600x32xf32, #tpu.memory_space<vmem>>, %arg4: memref<1x1x32x128xf32, #tpu.memory_space<vmem>>, %arg5: memref<1600x128xf32, #tpu.memory_space<vmem>>) attributes {dimension_semantics = [#tpu.dimension_semantics<arbitrary>, #tpu.dimension_semantics<arbitrary>, #tpu.dimension_semantics<arbitrary>], iteration_bounds = array<i64: 4, 100, 2>, scalar_prefetch = 0 : i64, scratch_operands = 0 : i64, tpu.core_type = #tpu.core_type<tc>, window_params = [{transform_indices = @transform_0, window_bounds = array<i64: 1600, 32>}, {transform_indices = @transform_1, window_bounds = array<i64: 1, 1, 32, 128>}, {transform_indices = @transform_2, window_bounds = array<i64: 1600, 128>}]} {
    %get3A = arith.constant 0 : index
    %get3A_0 = arith.constant 0 : index
    %get3A_1 = vector.load %arg3[%get3A, %get3A_0] : memref<1600x32xf32, #tpu.memory_space<vmem>>, vector<1600x32xf32>
    %get3A_2 = arith.constant 0 : index
    %get3A_3 = arith.constant 0 : index
    %get3A_4 = arith.constant 0 : index
    %get3A_5 = arith.constant 0 : index
    %get3A_6 = vector.load %arg4[%get3A_2, %get3A_3, %get3A_4, %get3A_5] : memref<1x1x32x128xf32, #tpu.memory_space<vmem>>, vector<1x1x32x128xf32>
    %get3A_7 = vector.shape_cast %get3A_6 : vector<1x1x32x128xf32> to vector<32x128xf32>
    %dot_general3A = arith.constant dense<0.000000e+00> : vector<1600x128xf32>
    %dot_general3A_8 = tpu.matmul %get3A_1, %get3A_7, %dot_general3A {dimension_numbers = #tpu.dot_dimension_numbers<[1], [0], [0], [1], [0, 0, 1, 1], [], []>, transpose_lhs_hint = false} : vector<1600x32xf32>, vector<32x128xf32>, vector<1600x128xf32> -> vector<1600x128xf32>
    %swap3A = arith.constant 0 : index
    %swap3A_9 = arith.constant 0 : index
    %swap3A_10 = vector.load %arg5[%swap3A, %swap3A_9] : memref<1600x128xf32, #tpu.memory_space<vmem>>, vector<1600x128xf32>
    tpu.vector_store %arg5[%swap3A, %swap3A_9], %dot_general3A_8 {strides = array<i32>} : memref<1600x128xf32, #tpu.memory_space<vmem>>, vector<1600x128xf32>,
    return
  }
  func.func @transform_0(%arg0: i32, %arg1: i32, %arg2: i32) -> (i32, i32) {
    %c0_i32 = arith.constant 0 : i32
    %c0_i32_0 = arith.constant 0 : i32
    return %arg1, %c0_i32 : i32, i32
  }
  func.func @transform_1(%arg0: i32, %arg1: i32, %arg2: i32) -> (i32, i32, i32, i32) {
    %c0_i32 = arith.constant 0 : i32
    %c0_i32_0 = arith.constant 0 : i32
    %c0_i32_1 = arith.constant 0 : i32
    return %arg0, %arg2, %c0_i32, %c0_i32_0 : i32, i32, i32, i32
  }
  func.func @transform_2(%arg0: i32, %arg1: i32, %arg2: i32) -> (i32, i32) {
    %mul3A = arith.constant 2 : i32
    %mul3A_0 = arith.muli %arg0, %mul3A : i32
    %add3A = arith.addi %mul3A_0, %arg2 : i32
    %mul3A_1 = arith.constant 100 : i32
    %mul3A_2 = arith.muli %add3A, %mul3A_1 : i32
    %add3A_3 = arith.addi %mul3A_2, %arg1 : i32
    %c0_i32 = arith.constant 0 : i32
    %c0_i32_4 = arith.constant 0 : i32
    return %add3A_3, %c0_i32 : i32, i32
  }
}

module attributes {stable_mosaic.version = 14 : i64} {
  func.func @_matmul_body(%arg0: i32, %arg1: i32, %arg2: memref<2000x128xf32, #tpu.memory_space<vmem>>, %arg3: memref<1x128x64xf32, #tpu.memory_space<vmem>>, %arg4: memref<1x128x64xf32, #tpu.memory_space<vmem>>, %arg5: memref<2000x64xf32, #tpu.memory_space<vmem>>, %arg6: memref<2000x64xf32, #tpu.memory_space<vmem>>) attributes {dimension_semantics = [#tpu.dimension_semantics<arbitrary>, #tpu.dimension_semantics<arbitrary>], iteration_bounds = array<i64: 5, 2>, scalar_prefetch = 0 : i64, scratch_operands = 0 : i64, tpu.core_type = #tpu.core_type<tc>, window_params = [{transform_indices = @transform_0, window_bounds = array<i64: 2000, 128>}, {transform_indices = @transform_1, window_bounds = array<i64: 1, 128, 64>}, {transform_indices = @transform_2, window_bounds = array<i64: 1, 128, 64>}, {transform_indices = @transform_3, window_bounds = array<i64: 2000, 64>}, {transform_indices = @transform_4, window_bounds = array<i64: 2000, 64>}]} {
    %get3A = arith.constant 0 : index
    %get3A_0 = arith.constant 0 : index
    %get3A_1 = vector.load %arg2[%get3A, %get3A_0] : memref<2000x128xf32, #tpu.memory_space<vmem>>, vector<2000x128xf32>
    %get3A_2 = arith.constant 0 : index
    %get3A_3 = arith.constant 0 : index
    %get3A_4 = arith.constant 0 : index
    %get3A_5 = vector.load %arg3[%get3A_2, %get3A_3, %get3A_4] : memref<1x128x64xf32, #tpu.memory_space<vmem>>, vector<1x128x64xf32>
    %get3A_6 = vector.shape_cast %get3A_5 : vector<1x128x64xf32> to vector<128x64xf32>
    %dot_general3A = arith.constant dense<0.000000e+00> : vector<2000x64xf32>
    %dot_general3A_7 = tpu.matmul %get3A_1, %get3A_6, %dot_general3A {dimension_numbers = #tpu.dot_dimension_numbers<[1], [0], [0], [1], [0, 0, 1, 1], [], []>, precision = #tpu.contract_precision<fp32>, transpose_lhs_hint = false} : vector<2000x128xf32>, vector<128x64xf32>, vector<2000x64xf32> -> vector<2000x64xf32>
    %swap3A = arith.constant 0 : index
    %swap3A_8 = arith.constant 0 : index
    %swap3A_9 = vector.load %arg5[%swap3A, %swap3A_8] : memref<2000x64xf32, #tpu.memory_space<vmem>>, vector<2000x64xf32>
    tpu.vector_store %arg5[%swap3A, %swap3A_8], %dot_general3A_7 {strides = array<i32>} : memref<2000x64xf32, #tpu.memory_space<vmem>>, vector<2000x64xf32>,
    %get3A_10 = arith.constant 0 : index
    %get3A_11 = arith.constant 0 : index
    %get3A_12 = arith.constant 0 : index
    %get3A_13 = vector.load %arg4[%get3A_10, %get3A_11, %get3A_12] : memref<1x128x64xf32, #tpu.memory_space<vmem>>, vector<1x128x64xf32>
    %get3A_14 = vector.shape_cast %get3A_13 : vector<1x128x64xf32> to vector<128x64xf32>
    %dot_general3A_15 = arith.constant dense<0.000000e+00> : vector<2000x64xf32>
    %dot_general3A_16 = tpu.matmul %get3A_1, %get3A_14, %dot_general3A_15 {dimension_numbers = #tpu.dot_dimension_numbers<[1], [0], [0], [1], [0, 0, 1, 1], [], []>, precision = #tpu.contract_precision<fp32>, transpose_lhs_hint = false} : vector<2000x128xf32>, vector<128x64xf32>, vector<2000x64xf32> -> vector<2000x64xf32>
    %swap3A_17 = arith.constant 0 : index
    %swap3A_18 = arith.constant 0 : index
    %swap3A_19 = vector.load %arg6[%swap3A_17, %swap3A_18] : memref<2000x64xf32, #tpu.memory_space<vmem>>, vector<2000x64xf32>
    tpu.vector_store %arg6[%swap3A_17, %swap3A_18], %dot_general3A_16 {strides = array<i32>} : memref<2000x64xf32, #tpu.memory_space<vmem>>, vector<2000x64xf32>,
    return
  }
  func.func @transform_0(%arg0: i32, %arg1: i32) -> (i32, i32) {
    %c0_i32 = arith.constant 0 : i32
    %c0_i32_0 = arith.constant 0 : i32
    return %arg0, %c0_i32 : i32, i32
  }
  func.func @transform_1(%arg0: i32, %arg1: i32) -> (i32, i32, i32) {
    %c0_i32 = arith.constant 0 : i32
    %c0_i32_0 = arith.constant 0 : i32
    %c0_i32_1 = arith.constant 0 : i32
    return %arg1, %c0_i32, %c0_i32_0 : i32, i32, i32
  }
  func.func @transform_2(%arg0: i32, %arg1: i32) -> (i32, i32, i32) {
    %c0_i32 = arith.constant 0 : i32
    %c0_i32_0 = arith.constant 0 : i32
    %c0_i32_1 = arith.constant 0 : i32
    return %arg1, %c0_i32, %c0_i32_0 : i32, i32, i32
  }
  func.func @transform_3(%arg0: i32, %arg1: i32) -> (i32, i32) {
    %mul3A = arith.constant 5 : i32
    %mul3A_0 = arith.muli %arg1, %mul3A : i32
    %add3A = arith.addi %mul3A_0, %arg0 : i32
    %c0_i32 = arith.constant 0 : i32
    %c0_i32_1 = arith.constant 0 : i32
    return %add3A, %c0_i32 : i32, i32
  }
  func.func @transform_4(%arg0: i32, %arg1: i32) -> (i32, i32) {
    %mul3A = arith.constant 5 : i32
    %mul3A_0 = arith.muli %arg1, %mul3A : i32
    %add3A = arith.addi %mul3A_0, %arg0 : i32
    %c0_i32 = arith.constant 0 : i32
    %c0_i32_1 = arith.constant 0 : i32
    return %add3A, %c0_i32 : i32, i32
  }
}

module attributes {stable_mosaic.version = 14 : i64} {
  func.func @_combine_body(%arg0: i32, %arg1: memref<2000x128xf32, #tpu.memory_space<vmem>>, %arg2: memref<2x2000x80xf32, #tpu.memory_space<vmem>>, %arg3: memref<1x128xf32, #tpu.memory_space<vmem>>, %arg4: memref<2000x128xf32, #tpu.memory_space<vmem>>) attributes {dimension_semantics = [#tpu.dimension_semantics<arbitrary>], iteration_bounds = array<i64: 5>, scalar_prefetch = 0 : i64, scratch_operands = 0 : i64, tpu.core_type = #tpu.core_type<tc>, window_params = [{transform_indices = @transform_0, window_bounds = array<i64: 2000, 128>}, {transform_indices = @transform_1, window_bounds = array<i64: 2, 2000, 80>}, {pipeline_mode = #tpu.pipeline_mode<synchronous>, transform_indices = @transform_2, window_bounds = array<i64: 1, 128>}, {transform_indices = @transform_3, window_bounds = array<i64: 2000, 128>}]} {
    %get3A = arith.constant 0 : index
    %get3A_0 = arith.constant 0 : index
    %get3A_1 = arith.constant 0 : index
    %get3A_2 = vector.load %arg2[%get3A, %get3A_0, %get3A_1] : memref<2x2000x80xf32, #tpu.memory_space<vmem>>, vector<1x2000x32xf32>
    %get3A_3 = vector.shape_cast %get3A_2 : vector<1x2000x32xf32> to vector<2000x32xf32>
    %get3A_4 = arith.constant 0 : index
    %get3A_5 = arith.constant 0 : index
    %get3A_6 = arith.constant 64 : index
    %get3A_7 = vector.load %arg2[%get3A_4, %get3A_5, %get3A_6] : memref<2x2000x80xf32, #tpu.memory_space<vmem>>, vector<1x2000x1xf32>
    %get3A_8 = vector.shape_cast %get3A_7 : vector<1x2000x1xf32> to vector<2000x1xf32>
    %add3A = arith.constant 1.000000e-16 : f32
    %add3A_9 = vector.broadcast %add3A : f32 to vector<2000x1xf32>
    %add3A_10 = arith.addf %get3A_8, %add3A_9 : vector<2000x1xf32>
    %div3A = vector.broadcast %add3A_10 : vector<2000x1xf32> to vector<2000x32xf32>
    %div3A_11 = arith.divf %get3A_3, %div3A : vector<2000x32xf32>
    %get3A_12 = arith.constant 0 : index
    %get3A_13 = arith.constant 0 : index
    %get3A_14 = arith.constant 32 : index
    %get3A_15 = vector.load %arg2[%get3A_12, %get3A_13, %get3A_14] : memref<2x2000x80xf32, #tpu.memory_space<vmem>>, vector<1x2000x32xf32>
    %get3A_16 = vector.shape_cast %get3A_15 : vector<1x2000x32xf32> to vector<2000x32xf32>
    %get3A_17 = arith.constant 0 : index
    %get3A_18 = arith.constant 0 : index
    %get3A_19 = arith.constant 65 : index
    %get3A_20 = vector.load %arg2[%get3A_17, %get3A_18, %get3A_19] : memref<2x2000x80xf32, #tpu.memory_space<vmem>>, vector<1x2000x1xf32>
    %get3A_21 = vector.shape_cast %get3A_20 : vector<1x2000x1xf32> to vector<2000x1xf32>
    %add3A_22 = arith.constant 1.000000e-16 : f32
    %add3A_23 = vector.broadcast %add3A_22 : f32 to vector<2000x1xf32>
    %add3A_24 = arith.addf %get3A_21, %add3A_23 : vector<2000x1xf32>
    %div3A_25 = vector.broadcast %add3A_24 : vector<2000x1xf32> to vector<2000x32xf32>
    %div3A_26 = arith.divf %get3A_16, %div3A_25 : vector<2000x32xf32>
    %get3A_27 = arith.constant 1 : index
    %get3A_28 = arith.constant 0 : index
    %get3A_29 = arith.constant 0 : index
    %get3A_30 = vector.load %arg2[%get3A_27, %get3A_28, %get3A_29] : memref<2x2000x80xf32, #tpu.memory_space<vmem>>, vector<1x2000x32xf32>
    %get3A_31 = vector.shape_cast %get3A_30 : vector<1x2000x32xf32> to vector<2000x32xf32>
    %get3A_32 = arith.constant 1 : index
    %get3A_33 = arith.constant 0 : index
    %get3A_34 = arith.constant 64 : index
    %get3A_35 = vector.load %arg2[%get3A_32, %get3A_33, %get3A_34] : memref<2x2000x80xf32, #tpu.memory_space<vmem>>, vector<1x2000x1xf32>
    %get3A_36 = vector.shape_cast %get3A_35 : vector<1x2000x1xf32> to vector<2000x1xf32>
    %add3A_37 = arith.constant 1.000000e-16 : f32
    %add3A_38 = vector.broadcast %add3A_37 : f32 to vector<2000x1xf32>
    %add3A_39 = arith.addf %get3A_36, %add3A_38 : vector<2000x1xf32>
    %div3A_40 = vector.broadcast %add3A_39 : vector<2000x1xf32> to vector<2000x32xf32>
    %div3A_41 = arith.divf %get3A_31, %div3A_40 : vector<2000x32xf32>
    %get3A_42 = arith.constant 1 : index
    %get3A_43 = arith.constant 0 : index
    %get3A_44 = arith.constant 32 : index
    %get3A_45 = vector.load %arg2[%get3A_42, %get3A_43, %get3A_44] : memref<2x2000x80xf32, #tpu.memory_space<vmem>>, vector<1x2000x32xf32>
    %get3A_46 = vector.shape_cast %get3A_45 : vector<1x2000x32xf32> to vector<2000x32xf32>
    %get3A_47 = arith.constant 1 : index
    %get3A_48 = arith.constant 0 : index
    %get3A_49 = arith.constant 65 : index
    %get3A_50 = vector.load %arg2[%get3A_47, %get3A_48, %get3A_49] : memref<2x2000x80xf32, #tpu.memory_space<vmem>>, vector<1x2000x1xf32>
    %get3A_51 = vector.shape_cast %get3A_50 : vector<1x2000x1xf32> to vector<2000x1xf32>
    %add3A_52 = arith.constant 1.000000e-16 : f32
    %add3A_53 = vector.broadcast %add3A_52 : f32 to vector<2000x1xf32>
    %add3A_54 = arith.addf %get3A_51, %add3A_53 : vector<2000x1xf32>
    %div3A_55 = vector.broadcast %add3A_54 : vector<2000x1xf32> to vector<2000x32xf32>
    %div3A_56 = arith.divf %get3A_46, %div3A_55 : vector<2000x32xf32>
    %concatenate3A = tpu.concatenate %div3A_11, %div3A_26, %div3A_41, %div3A_56 in 1 : vector<2000x32xf32>, vector<2000x32xf32>, vector<2000x32xf32>, vector<2000x32xf32> -> vector<2000x128xf32>
    %get3A_57 = arith.constant 0 : index
    %get3A_58 = arith.constant 0 : index
    %get3A_59 = vector.load %arg1[%get3A_57, %get3A_58] : memref<2000x128xf32, #tpu.memory_space<vmem>>, vector<2000x128xf32>
    %add3A_60 = arith.addf %concatenate3A, %get3A_59 : vector<2000x128xf32>
    %get3A_61 = arith.constant 0 : index
    %get3A_62 = arith.constant 0 : index
    %get3A_63 = vector.load %arg3[%get3A_61, %get3A_62] : memref<1x128xf32, #tpu.memory_space<vmem>>, vector<1x128xf32>
    %get3A_64 = vector.shape_cast %get3A_63 : vector<1x128xf32> to vector<128xf32>
    %broadcast_in_dim3A = vector.shape_cast %get3A_64 : vector<128xf32> to vector<1x128xf32>
    %add3A_65 = vector.broadcast %broadcast_in_dim3A : vector<1x128xf32> to vector<2000x128xf32>
    %add3A_66 = arith.addf %add3A_60, %add3A_65 : vector<2000x128xf32>
    %swap3A = arith.constant 0 : index
    %swap3A_67 = arith.constant 0 : index
    %swap3A_68 = vector.load %arg4[%swap3A, %swap3A_67] : memref<2000x128xf32, #tpu.memory_space<vmem>>, vector<2000x128xf32>
    tpu.vector_store %arg4[%swap3A, %swap3A_67], %add3A_66 {strides = array<i32>} : memref<2000x128xf32, #tpu.memory_space<vmem>>, vector<2000x128xf32>,
    return
  }
  func.func @transform_0(%arg0: i32) -> (i32, i32) {
    %c0_i32 = arith.constant 0 : i32
    %c0_i32_0 = arith.constant 0 : i32
    return %arg0, %c0_i32 : i32, i32
  }
  func.func @transform_1(%arg0: i32) -> (i32, i32, i32) {
    %c0_i32 = arith.constant 0 : i32
    %c0_i32_0 = arith.constant 0 : i32
    %c0_i32_1 = arith.constant 0 : i32
    return %c0_i32, %arg0, %c0_i32_0 : i32, i32, i32
  }
  func.func @transform_2(%arg0: i32) -> (i32, i32) {
    %c0_i32 = arith.constant 0 : i32
    %c0_i32_0 = arith.constant 0 : i32
    %c0_i32_1 = arith.constant 0 : i32
    return %c0_i32, %c0_i32_0 : i32, i32
  }
  func.func @transform_3(%arg0: i32) -> (i32, i32) {
    %c0_i32 = arith.constant 0 : i32
    %c0_i32_0 = arith.constant 0 : i32
    return %arg0, %c0_i32 : i32, i32
  }
}

</mosaic_0001>

<sc_bundles>
// kernel: closed_call.12.cloned.1.call-start
scs
__scs_entry_jumppad:
0x0: {  	(pc) =	sbr.rel $0x88, $3  }
0x1: {  	(tag) =	ssettag $0x0;
	lr =	simm.s32 $0x1  }
0x2: {  	[smem:$0x3F99] =	sst lr;
	_ =	strace $0xD0000000  }
0x3: {  	_ = 	snop  }
0x4: {  	_ = 	snop  }
0x5: {  	_ = 	snop  }
0x6: {  	_ = 	snop  }
0x7: {  	_ = 	snop  }
__scs_overlays_trampoline_lowered:
0x8: {  	[smem:$0x3FA8] =	sst s0  }
0x9: {  	[smem:$0x3FA9] =	sst s1  }
0xa: {  	[smem:$0x3FAA] =	sst s2  }
0xb: {  	[smem:$0x3FAB] =	sst s3  }
0xc: {  	[smem:$0x3FAC] =	sst s4  }
0xd: {  	[smem:$0x3FAD] =	sst s5  }
0xe: {  	[smem:$0x3FAE] =	sst s6  }
0xf: {  	[smem:$0x3FAF] =	sst s7  }
0x10: {  	[smem:$0x3FB0] =	sst s8  }
0x11: {  	[smem:$0x3FB1] =	sst s9;
	s0 =	simm.s32 @!p0 $0x0  }
0x12: {  	s1 =	sld [smem:$0x3F97];
	s0 =	simm.s32 @p0 $0x1  }
0x13: {  	[smem:$0x3FB2] =	sst s0;
	s0 =	simm.s32 @!p1 $0x0  }
0x14: {  	s2 =	sld [smem:$0x3F96];
	s0 =	simm.s32 @p1 $0x1  }
0x15: {  	[smem:$0x3FB3] =	sst s0;
	s0 =	simm.s32 @!p2 $0x0  }
0x16: {  	s3 =	sld [smem:$0x3FDB];
	s0 =	simm.s32 @p2 $0x1  }
0x17: {  	s4 =	simm.s32 $0x1BF5;
	[smem:$0x3FB5] =	sst s0  }
0x18: {  	s0 =	sld [smem:$0x3F98];
	_ =	swait.ge [sflag:s4], $0x0  }
0x19: {  	s7 =	sld [smem:$0x3F99]  }
0x1a: {  	s8 =	sadd.s32 $0xFFFFE003, lr  }
0x1b: {  	s9 =	sadd.s32 $0xFFFFFEF7, lr;
	s5 =	simm.s32 $0xFFFFFFFF;
	p2 =	slt.u32 s8, $0xFFFFF086  }
0x1c: {  	p1 =	slt.u32 s9, $0xF7A;
	s5 =	simm.s32 @!p2 $0x0  }
0x1d: {  	s5 =	simm.s32 @p1 $0x1;
	p0 =	seq.s32 s7, s2  }
0x1e: {  	s7 =	smul.u32 @!p0 $0xF7A, s2;
	p2 =	seq.s32 @!p0 s5, $0x0  }
0x1f: {  	s9 =	smul.u32 $0xF7A, s1;
	s8 =	simm.s32 @!p0 $0x1BF5;
	p2 =	por !p2, p0  }
0x20: {  	[sflag:s8] =	ssyncset.s32 @!p0 $0xFFFFF086;
	s6 =	sadd.s32 @!p0 s3, s7;
	s7 =	simm.s32 @!p0 $0x108  }
0x21: {  	s3 =	sadd.s32 s3, s9;
	s6 =	sadd.s32 @!p0 $0x88, s6;
	s7 =	simm.s32 @p2 $0x1082  }
0x22: {  	[simem:s7], [sflag:s8] =	dma.local @!p0 [hbm:s6], $0xF7A  }
0x23: {  	s9 =	sor.u32 $0xD0000000, s2;
	s6 =	simm.s32 $0x108;
	_ =	swait.ge @!p0 [sflag:s8], $0x0  }
0x24: {  	s3 =	sadd.s32 $0x88, s3;
	s6 =	simm.s32 @!p1 $0x1082;
	[sflag:s4] =	ssyncset.s32 $0xFFFFF086  }
0x25: {  	[simem:s6], [sflag:s4] =	dma.local [hbm:s3], $0xF7A  }
0x26: {  	[smem:$0x3F99] =	sst s1;
	(tag) =	ssettag s2;
	_ =	strace s9  }
0x27: {  	s1 =	sld [smem:$0x3FA9]  }
0x28: {  	s2 =	sld [smem:$0x3FAA]  }
0x29: {  	s4 =	sld [smem:$0x3FAC]  }
0x2a: {  	p0 =	seq.s32 s5, $0x0;
	s5 =	sld [smem:$0x3FAD]  }
0x2b: {  	s6 =	sld [smem:$0x3FAE]  }
0x2c: {  	s7 =	sld [smem:$0x3FAF]  }
0x2d: {  	s3 =	simm.s32 $0x108;
	s8 =	sld [smem:$0x3FB0]  }
0x2e: {  	s3 =	simm.s32 @!p0 $0x1082;
	s9 =	sld [smem:$0x3FB1]  }
0x2f: {  	lr =	sadd.s32 s0, s3;
	s0 =	sld [smem:$0x3FA8]  }
0x30: {  	s3 =	sld [smem:$0x3FAB]  }
0x31: {  	[smem:$0x3FB4] =	sst s10  }
0x32: {  	s10 =	sld [smem:$0x3FB2];
	_ =	sdelay $0x3  }
0x33: {  	p0 =	seq.s32 s10, $0x1;
	s10 =	sld [smem:$0x3FB4];
	_ =	sdelay $0x3  }
0x34: {  	[smem:$0x3FB4] =	sst s10  }
0x35: {  	s10 =	sld [smem:$0x3FB3];
	_ =	sdelay $0x3  }
0x36: {  	p1 =	seq.s32 s10, $0x1;
	s10 =	sld [smem:$0x3FB4];
	_ =	sdelay $0x3  }
0x37: {  	[smem:$0x3FB4] =	sst s10  }
0x38: {  	s10 =	sld [smem:$0x3FB5]  }
0x39: {  	_ = 	snop;
	(pc) =	sbr.ind lr, $3  }
0x3a: {  	_ = 	snop  }
0x3b: {  	_ = 	snop  }
0x3c: {  	p2 =	seq.s32 s10, $0x1;
	s10 =	sld [smem:$0x3FB4]  }
0x3d: {  	_ =	shalt  }
0x3e: {  	_ =	shalt  }
0x3f: {  	_ =	shalt  }
0x40: {  	_ =	shalt  }
0x41: {  	_ =	shalt  }
0x42: {  	_ =	shalt  }
0x43: {  	_ =	shalt  }
0x44: {  	_ =	shalt  }
0x45: {  	_ =	shalt  }
0x46: {  	_ =	shalt  }
0x47: {  	_ =	shalt  }
0x48: {  	_ =	shalt  }
0x49: {  	_ =	shalt  }
0x4a: {  	_ =	shalt  }
0x4b: {  	_ =	shalt  }
0x4c: {  	_ =	shalt  }
0x4d: {  	_ =	shalt  }
0x4e: {  	_ =	shalt  }
0x4f: {  	_ =	shalt  }
0x50: {  	_ =	shalt  }
0x51: {  	_ =	shalt  }
0x52: {  	_ =	shalt  }
0x53: {  	_ =	shalt  }
0x54: {  	_ =	shalt  }
0x55: {  	_ =	shalt  }
0x56: {  	_ =	shalt  }
0x57: {  	_ =	shalt  }
0x58: {  	_ =	shalt  }
0x59: {  	_ =	shalt  }
0x5a: {  	_ =	shalt  }
0x5b: {  	_ =	shalt  }
0x5c: {  	_ =	shalt  }
0x5d: {  	_ =	shalt  }
0x5e: {  	_ =	shalt  }
0x5f: {  	_ =	shalt  }
0x60: {  	_ =	shalt  }
0x61: {  	_ =	shalt  }
0x62: {  	_ =	shalt  }
0x63: {  	_ =	shalt  }
0x64: {  	_ =	shalt  }
0x65: {  	_ =	shalt  }
0x66: {  	_ =	shalt  }
0x67: {  	_ =	shalt  }
0x68: {  	_ =	shalt  }
0x69: {  	_ =	shalt  }
0x6a: {  	_ =	shalt  }
0x6b: {  	_ =	shalt  }
0x6c: {  	_ =	shalt  }
0x6d: {  	_ =	shalt  }
0x6e: {  	_ =	shalt  }
0x6f: {  	_ =	shalt  }
0x70: {  	_ =	shalt  }
0x71: {  	_ =	shalt  }
0x72: {  	_ =	shalt  }
0x73: {  	_ =	shalt  }
0x74: {  	_ =	shalt  }
0x75: {  	_ =	shalt  }
0x76: {  	_ =	shalt  }
0x77: {  	_ =	shalt  }
0x78: {  	_ =	shalt  }
0x79: {  	_ =	shalt  }
0x7a: {  	_ =	shalt  }
0x7b: {  	_ =	shalt  }
0x7c: {  	_ =	shalt  }
0x7d: {  	_ =	shalt  }
0x7e: {  	_ =	shalt  }
0x7f: {  	_ =	shalt  }
0x80: {  	_ =	shalt  }
0x81: {  	_ =	shalt  }
0x82: {  	_ =	shalt  }
0x83: {  	_ =	shalt  }
0x84: {  	_ =	shalt  }
0x85: {  	_ =	shalt  }
0x86: {  	_ =	shalt  }
0x87: {  	_ =	shalt  }
.Lfunc_end0:
.L_simem_size_0:
called_computation_lowered:
.L_overlay_start_0:
0x88: {  	s2 =	sld [smem:$0x3FD9]  }
0x89: {  	s3 =	sld [smem:$0x3FFE];
	_ =	sdelay $0x1  }
0x8a: {  	s1 =	srdreg.scid  }
0x8b: {  	s0 =	sand.u32 $0x1, s1  }
0x8c: {  	s16 =	sshll.u32 s0, $0xA;
	s2 =	sadd.s32 s3, s2  }
0x8d: {  	s2 =	sadd.s32 s2, s16  }
0x8e: {  	[smem:$0x3FC0] =	sst s2  }
0x8f: {  	_ = 	snop  }
0x90: {  	(tm) =	ssettm $0x1  }
0x91: {  	s17 =	sld [smem:$0x3FFB];
	_ =	sdelay $0x3  }
0x92: {  	_ =	strace s17  }
0x93: {  	s2 =	sld [smem:$0x3FFC];
	_ =	sdelay $0x3  }
0x94: {  	_ =	strace s2  }
0x95: {  	s2 =	sld [smem:$0x3FFD];
	_ =	sdelay $0x3  }
0x96: {  	_ =	strace s2  }
0x97: {  	_ =	strace $0x8FFFFFFF  }
0x98: {  	s18 =	sld [smem:$0x3FDB];
	_ =	sdelay $0x1  }
0x99: {  	s19 =	simm.s32 $_scs_section_size  }
0x9a: {  	s4 =	simm.s32 $_size__tile_overlayer_lowered;
	s5 =	simm.s32 $_tile_overlayer_lowered  }
0x9b: {  	s22 =	simm.s32 $0x1BFF;
	s21 =	sshll.u32 s5, $0x1;
	s2 =	sadd.s32 s19, s18  }
0x9c: {  	s6 =	simm.s32 $0x0;
	s20 =	sshll.u32 s4, $0x1;
	s4 =	sadd.s32 s21, s2  }
0x9d: {  	[timem:s6], [sflag:s22] =	dma.local [hbm:s4], s20  }
0x9e: {  	_ =	swait.ge [sflag:s22], s20  }
0x9f: {  	s3 =	ssub.s32 $0x0, s20;
	[sflag:s22] =	ssyncset.done $0x0  }
0xa0: {  	[sflag:s22] =	ssyncadd.s32 s3;
	_ =	sdelay $0x1  }
0xa1: {  	s23 =	simm.s32 $0x1B8B  }
0xa2: {  	_ =	swait.ge [sflag:s23], $0x1  }
0xa3: {  	[sflag:s23] =	ssyncset.done $0x0  }
0xa4: {  	s25 =	simm.s32 $0x1B8E;
	s24 =	sld [smem:$0x3FFE];
	[sflag:s23] =	ssyncadd.s32 $0xFFFFFFFF  }
0xa5: {  	s26 =	simm.s32 $execute0_lowered;
	[smem:$0x3FD2] =	sst s25  }
0xa6: {  	s4 =	sshll.u32 s26, $0x1;
	_ =	strace $0x80000046;
	[dreg:$0x1] =	wrdreg $0xFFFFFFFF  }
0xa7: {  	s28 =	simm.s32 $_size_execute0_lowered;
	s2 =	sadd.s32 s2, s4;
	[dreg:$0x0] =	wrdreg $0x0  }
0xa8: {  	s4 =	sshll.u32 s28, $0x1;
	[dreg:$0x2] =	wrdreg s2  }
0xa9: {  	[dreg:$0x3] =	wrdreg s4  }
0xaa: {  	[dreg:$0x4] =	wrdreg $0xC0  }
0xab: {  	_ =	task [dreg:s6], $0x5FFFF  }
0xac: {  	[dreg:$0x1] =	wrdreg $0xFFFFFFFF  }
0xad: {  	[dreg:$0x0] =	wrdreg $0x60  }
0xae: {  	[dreg:$0x2] =	wrdreg s24  }
0xaf: {  	[dreg:$0x3] =	wrdreg $0xC3A00  }
0xb0: {  	[dreg:$0x4] =	wrdreg $0x9  }
0xb1: {  	_ =	task.clear_ibuf [dreg:s6], $0x5FFFF;
	_ =	strace $0x90000046  }
0xb2: {  	s29 =	simm.s32 $0x9;
	_ =	strace $0x80000048  }
0xb3: {  	_ =	swait.ge [sflag:s29], $0x1  }
0xb4: {  	[sflag:s29] =	ssyncadd.s32 $0xFFFFFFFF  }
0xb5: {  	_ =	strace $0x90000048  }
0xb6: {  	_ =	sfence  }
0xb7: {  	s30 =	sld [smem:$0x0];
	_ =	sdelay $0x2  }
0xb8: {  	s31 =	sshll.u32 s1, $0xD;
	s1 =	sshrl.u32 s1, $0x2  }
0xb9: {  	s3 =	sand.u32 $0x4000, s31;
	s1 =	sadd.s32 s1, s30  }
0xba: {  	s0 =	sor.u32 s3, s0;
	s1 =	sshll.u32 s1, $0x11  }
0xbb: {  	s0 =	sor.u32 s1, s0  }
0xbc: {  	s0 =	sadd.s32 $0x8F2B, s0  }
0xbd: {  	[sflag:s0] =	ssyncadd.remote.s32 $0x1  }
0xbe: {  	_ =	sfence.sel $0xFFFF  }
0xbf: {  	[dreg:$0x0] =	wrdreg $0xFFFFFFFF;
	(pc) =	sbr.abs _section_cstart, $3  }
0xc0: {  	[dreg:$0x1] =	wrdreg $0xFFFFFFFF  }
0xc1: {  	_ =	task.clear_ibuf [dreg:s6], $0x2FFFF;
	_ =	strace $0x9FFFFFFF  }
0xc2: {  	(tm) =	ssettm $0x7FFFFFFF  }
0xc3: {  	_ =	shalt  }
tec
execute0_lowered:
.L_overlay_start_1:
0x0: {  	(tag) =	ssettag $0x1  }
0x1: {  	s0 =	rddreg [dreg:$0x0]  }
0x2: {  	s2 =	rddreg [dreg:$0x1]  }
0x3: {  	s3 =	simm.s32 $0x0;
	s1 =	srdreg.scid;
	s14 =	stileid.u32  }
0x4: {  	s28 =	simm.s32 $0x5;
	s30 =	simm.s32 $0x9150;
	s31 =	simm.s32 $0x7D0  }
0x5: {  	s29 =	simm.s32 $0x3;
	[smem:$0x7FF] =	sst s3;
	s4 =	sand.u32 $0x1, s1  }
0x6: {  	s25 =	smul.u32 $0xC800, s14;
	s5 =	sadd.s32 $0x67E00, s0;
	s6 =	sadd.s32 $0x19C00, s0  }
0x7: {  	s7 =	sadd.s32 $0x768600, s0;
	s8 =	sadd.s32 $0xB800, s0;
	s9 =	sadd.s32 $0x1A00, s0  }
0x8: {  	s11 =	sadd.s32 $0x19800, s0;
	s12 =	smul.u32 $0x32000, s14;
	s13 =	sadd.s32 $0x40E00, s0  }
0x9: {  	s14 =	smul.u32 $0x4E20, s14;
	_ =	strace $0x80000047;
	[dreg:$0x3] =	wrdreg s11  }
0xa: {  	s10 =	smul.u32 $0xC8000, s4;
	s26 =	ssub.s32 $0x2, s4;
	[dreg:$0x4] =	wrdreg s13  }
0xb: {  	s15 =	sshll.u32 s4, $0x6;
	s16 =	sshrl.u32 s12, $0x2;
	s22 =	sshrl.u32 s14, $0x3  }
0xc: {  	[dreg:$0x5] =	wrdreg s15;
	s17 =	sadd.s32 s16, s2;
	s24 =	sadd.s32 s8, s22  }
0xd: {  	s13 =	sshrl.u32 s26, $0x1;
	s11 =	sadd.s32 $0x1900, s17;
	[dreg:$0xd] =	wrdreg s24  }
0xe: {  	s10 =	sadd.s32 s25, s10;
	s18 =	sadd.s32 $0x3200, s17;
	[dreg:$0x6] =	wrdreg s11  }
0xf: {  	s10 =	sshrl.u32 s10, $0x3;
	s19 =	sadd.s32 $0x4B00, s17;
	[dreg:$0x7] =	wrdreg s18  }
0x10: {  	s20 =	sadd.s32 $0x6400, s17;
	s21 =	sadd.s32 $0x7D00, s17;
	[dreg:$0x8] =	wrdreg s19  }
0x11: {  	s23 =	sadd.s32 $0x9600, s17;
	s1 =	sadd.s32 $0xAF00, s17;
	[dreg:$0x9] =	wrdreg s20  }
.Ltmp0:
0x12: {  	s0 =	sadd.s32 s10, s0;
	[dreg:$0xa] =	wrdreg s21;
	(pc) =	sbr.rel .LBB2_1-.Ltmp0, $4  }
0x13: {  	s10 =	ssub.s32 s26, s13;
	s13 =	sadd.s32 s25, s2;
	[dreg:$0xb] =	wrdreg s23  }
0x14: {  	[dreg:$0xc] =	wrdreg s1;
	s25 =	sadd.s32 s9, s22;
	s26 =	smul.u32 $0x2710, s4  }
0x15: {  	v1 =	vimm.f32 $0.0e+00;
	s1 =	simm.s32 $0x0;
	[dreg:$0xe] =	wrdreg s25;
	s24 =	sadd.s32 $0x8F000, s0  }
0x16: {  	vm0 =	vmmov $0x1;
	vm1 =	vcmask $0x308;
	s25 =	smax.u32 s10, $0x1;
	s0 =	simm.s32 $0x50;
	v0 =	vmov s26;
	s26 =	simm.s32 $0x4  }
.LBB2_15:
0x17: {  	_ =	swait.ge [sflag:s29], $0x1900  }
0x18: {  	[sflag:s29] =	ssyncset.done $0x0  }
0x19: {  	[sflag:s29] =	ssyncadd.s32 $0xFFFFE700  }
0x1a: {  	s10 =	stileid.u32;
	_ =	swait.ge [sflag:s26], $0x1900  }
0x1b: {  	s11 =	sshrl.u32 s13, $0x3;
	s1 =	sadd.s32 $0x1, s1;
	[sflag:s26] =	ssyncset.done $0x0  }
0x1c: {  	s10 =	sshll.u32 s10, $0x6;
	p0 =	sne.s32 s1, s25;
	[sflag:s26] =	ssyncadd.s32 $0xFFFFE700  }
.Ltmp1:
0x1d: {  	s10 =	sor.u32 $0x1C05, s10;
	[bflag:$0x0] =	sbarrier.arrive $0xFFFF;
	(pc) =	sbr.rel @!p0 .LBB2_16-.Ltmp1, $4  }
0x1e: {  	[hbm:s24], [sflag:s10] =	dma.local [spmem:s11], $0x1900  }
0x1f: {  	_ =	swait.ge [sflag:s28], $0x1900  }
0x20: {  	[sflag:s28] =	ssyncset.done $0x0  }
0x21: {  	[sflag:s28] =	ssyncadd.s32 $0xFFFFE700  }
.LBB2_1:
0x22: {  	s10 =	rddreg [dreg:$0x4];
	s11 =	simm.s32 $0xC390  }
0x23: {  	[tilespmem:s11], [sflag:$0x5] =	stream.linear.gather [hbm4b:s10+s3], $0x10, $0x38;
	[tilespmem:$0x18BA0] =	vst v63  }
0x24: {  	_ =	swait.ge [sflag:s28], $0x10  }
0x25: {  	[sflag:s28] =	ssyncset.done $0x0  }
0x26: {  	[sflag:s28] =	ssyncadd.s32 $0xFFFFFFF0  }
0x27: {  	v2 =	vld [tilespmem:$0xC390];
	_ =	sdelay $0x4  }
0x28: {  	(v2sf) =	vpush v2, $0x0;
	_ =	sdelay $0xe  }
0x29: {  	s10 =	spop (v2sf)  }
0x2a: {  	s12 =	rddreg [dreg:$0x5];
	s21 =	sshll.u32 s10, $0x7  }
0x2b: {  	s11 =	sor.u32 s12, s21  }
0x2c: {  	s22 =	rddreg [dreg:$0x3];
	s11 =	sshrl.u32 s11, $0x3  }
0x2d: {  	s23 =	simm.s32 $0xC350;
	s11 =	sadd.s32 s22, s11  }
0x2e: {  	[tilespmem:s23], [sflag:$0x5] =	stream.linear.gather [hbm4b:s11+s3], $0x40, $0x38;
	[tilespmem:$0x18BA0] =	vst v63  }
0x2f: {  	_ =	swait.ge [sflag:s28], $0x40  }
0x30: {  	[sflag:s28] =	ssyncset.done $0x0  }
0x31: {  	s12 =	simm.s32 $0x140;
	s11 =	simm.s32 $0x0;
	[sflag:s28] =	ssyncadd.s32 $0xFFFFFFC0  }
.LBB2_2:
0x32: {  	p0 =	sne.s32 s12, $0x62C0;
	[tilespmem:s11+$0x9190] =	vst v1;
	s15 =	smov.u32 s12;
	s12 =	sadd.s32 $0x140, s12  }
.Ltmp2:
0x33: {  	[tilespmem:s11+$0x9180] =	vst v1;
	(pc) =	sbr.rel @p0 .LBB2_2-.Ltmp2, $4  }
0x34: {  	[tilespmem:s11+$0x9170] =	vst v1  }
0x35: {  	[tilespmem:s11+$0x9150] =	vst v1  }
0x36: {  	[tilespmem:s11+$0x9160] =	vst v1  }
0x37: {  	s11 =	sshra.s32 s15, $0x2  }
0x38: {  	[tilespmem:s11+$0x9190] =	vst v1  }
0x39: {  	[tilespmem:s11+$0x9180] =	vst v1  }
0x3a: {  	[tilespmem:s11+$0x9170] =	vst v1  }
0x3b: {  	[tilespmem:s11+$0x9150] =	vst v1  }
0x3c: {  	[tilespmem:s11+$0x9160] =	vst v1  }
0x3d: {  	[spmem:s13] =	stream.linear.scatter [tilespmem:s30], [sflag:$0x5], $0x1900, $0x38;
	[tilespmem:$0x18BA0] =	vst v63  }
0x3e: {  	_ =	swait.ge [sflag:s28], $0x1900  }
0x3f: {  	[sflag:s28] =	ssyncset.done $0x0  }
0x40: {  	s15 =	rddreg [dreg:$0x6];
	[sflag:s28] =	ssyncadd.s32 $0xFFFFE700  }
0x41: {  	[spmem:s15] =	stream.linear.scatter [tilespmem:s30], [sflag:$0x5], $0x1900, $0x38;
	[tilespmem:$0x18BA0] =	vst v63  }
0x42: {  	_ =	swait.ge [sflag:s28], $0x1900  }
0x43: {  	[sflag:s28] =	ssyncset.done $0x0  }
0x44: {  	s16 =	rddreg [dreg:$0x7];
	[sflag:s28] =	ssyncadd.s32 $0xFFFFE700  }
0x45: {  	[spmem:s16] =	stream.linear.scatter [tilespmem:s30], [sflag:$0x5], $0x1900, $0x38;
	[tilespmem:$0x18BA0] =	vst v63  }
0x46: {  	_ =	swait.ge [sflag:s28], $0x1900  }
0x47: {  	[sflag:s28] =	ssyncset.done $0x0  }
0x48: {  	s17 =	rddreg [dreg:$0x8];
	[sflag:s28] =	ssyncadd.s32 $0xFFFFE700  }
0x49: {  	[spmem:s17] =	stream.linear.scatter [tilespmem:s30], [sflag:$0x5], $0x1900, $0x38;
	[tilespmem:$0x18BA0] =	vst v63  }
0x4a: {  	_ =	swait.ge [sflag:s28], $0x1900  }
0x4b: {  	[sflag:s28] =	ssyncset.done $0x0  }
0x4c: {  	s18 =	rddreg [dreg:$0x9];
	[sflag:s28] =	ssyncadd.s32 $0xFFFFE700  }
0x4d: {  	[spmem:s18] =	stream.linear.scatter [tilespmem:s30], [sflag:$0x5], $0x1900, $0x38;
	[tilespmem:$0x18BA0] =	vst v63  }
0x4e: {  	_ =	swait.ge [sflag:s28], $0x1900  }
0x4f: {  	[sflag:s28] =	ssyncset.done $0x0  }
0x50: {  	s19 =	rddreg [dreg:$0xa];
	[sflag:s28] =	ssyncadd.s32 $0xFFFFE700  }
0x51: {  	[spmem:s19] =	stream.linear.scatter [tilespmem:s30], [sflag:$0x5], $0x1900, $0x38;
	[tilespmem:$0x18BA0] =	vst v63  }
0x52: {  	_ =	swait.ge [sflag:s28], $0x1900  }
0x53: {  	[sflag:s28] =	ssyncset.done $0x0  }
0x54: {  	s20 =	rddreg [dreg:$0xb];
	[sflag:s28] =	ssyncadd.s32 $0xFFFFE700  }
0x55: {  	[spmem:s20] =	stream.linear.scatter [tilespmem:s30], [sflag:$0x5], $0x1900, $0x38;
	[tilespmem:$0x18BA0] =	vst v63  }
0x56: {  	_ =	swait.ge [sflag:s28], $0x1900  }
0x57: {  	[sflag:s28] =	ssyncset.done $0x0  }
0x58: {  	s21 =	rddreg [dreg:$0xc];
	[sflag:s28] =	ssyncadd.s32 $0xFFFFE700  }
0x59: {  	[spmem:s21] =	stream.linear.scatter [tilespmem:s30], [sflag:$0x5], $0x1900, $0x38;
	[tilespmem:$0x18BA0] =	vst v63  }
0x5a: {  	_ =	swait.ge [sflag:s28], $0x1900  }
0x5b: {  	[sflag:s28] =	ssyncset.done $0x0  }
0x5c: {  	[sflag:s28] =	ssyncadd.s32 $0xFFFFE700  }
0x5d: {  	[bflag:$0x0] =	sbarrier.arrive $0xFFFF  }
0x5e: {  	v2 =	vld [tilespmem:$0xC350]  }
0x5f: {  	v3 =	vld [tilespmem:$0xC360]  }
0x60: {  	s22 =	simm.s32 $0x0;
	v4 =	vld [tilespmem:$0xC370];
	s12 =	rddreg [dreg:$0xd]  }
0x61: {  	v5 =	vld [tilespmem:$0xC380];
	[tilespmem:s22], [sflag:$0x5] =	stream.linear.gather [hbm4b:s12+s22], $0x7D0, $0x38  }
0x62: {  	_ =	swait.ge [sflag:s28], $0x7D0  }
0x63: {  	[sflag:s28] =	ssyncset.done $0x0  }
0x64: {  	s23 =	rddreg [dreg:$0xe];
	[sflag:s28] =	ssyncadd.s32 $0xFFFFF830  }
0x65: {  	[tilespmem:s31], [sflag:$0x5] =	stream.linear.gather [hbm4b:s23+s22], $0x7D0, $0x38;
	[tilespmem:$0x18BA0] =	vst v63  }
0x66: {  	_ =	swait.ge [sflag:s28], $0x7D0  }
0x67: {  	[sflag:s28] =	ssyncset.done $0x0  }
0x68: {  	s11 =	simm.s32 $0x0;
	[sflag:s28] =	ssyncadd.s32 $0xFFFFF830  }
0x69: {  	v6 =	vld [tilespmem:s11+$0x0]  }
0x6a: {  	v7 =	vld [tilespmem:s11+$0x7D0];
	_ =	sdelay $0x3  }
0x6b: {  	v6 =	vadd.s32 v0, v6  }
0x6c: {  	s15 =	simm.s32 $0x10;
	s12 =	simm.s32 $0x80;
	[tilespmem:s11+$0x0] =	vst v6;
	v6 =	vadd.s32 v0, v7  }
.LBB2_4:
0x6d: {  	p0 =	sne.s32 s12, $0x1F00;
	v7 =	vld [tilespmem:s15+$0x0];
	[tilespmem:s11+$0xFA0] =	vst v6;
	s11 =	smov.u32 s15  }
0x6e: {  	v6 =	vld [tilespmem:s11+$0x7D0]  }
.Ltmp3:
0x6f: {  	(pc) =	sbr.rel @p0 .LBB2_4-.Ltmp3, $3  }
0x70: {  	_ =	sdelay $0x1  }
0x71: {  	v7 =	vadd.s32 v0, v7  }
0x72: {  	s15 =	sshra.s32 s12, $0x2;
	s12 =	sadd.s32 $0x40, s12;
	[tilespmem:s11+$0x0] =	vst v7;
	v6 =	vadd.s32 v0, v6  }
0x73: {  	v7 =	vld [tilespmem:s15+$0x0];
	[tilespmem:s11+$0xFA0] =	vst v6  }
0x74: {  	v6 =	vld [tilespmem:s15+$0x7D0];
	_ =	sdelay $0x3  }
0x75: {  	v7 =	vadd.s32 v0, v7  }
0x76: {  	[tilespmem:s15+$0x0] =	vst v7;
	v6 =	vadd.s32 v0, v6  }
0x77: {  	[tilespmem:s15+$0xFA0] =	vst v6  }
0x78: {  	v6 =	vld [tilespmem:$0x0]  }
0x79: {  	v7 =	vld [tilespmem:$0xFA0]  }
0x7a: {  	v8 =	vld [tilespmem:$0x10]  }
0x7b: {  	v9 =	vld [tilespmem:$0xFB0]  }
0x7c: {  	v10 =	vld [tilespmem:$0x20]  }
0x7d: {  	v61 =	vld [tilespmem:$0xFD0];
	[tilespmem:$0x1810] =	vst v6  }
0x7e: {  	v62 =	vld [tilespmem:$0x40];
	[tilespmem:$0x18B0] =	vst v7  }
0x7f: {  	v63 =	vld [tilespmem:$0xFE0];
	[tilespmem:$0x1820] =	vst v8  }
0x80: {  	v6 =	vld [tilespmem:$0xFC0];
	[tilespmem:$0x18C0] =	vst v9  }
0x81: {  	s10 =	sshll.u32 s10, $0x1;
	v7 =	vld [tilespmem:$0x30];
	[tilespmem:$0x1830] =	vst v10  }
0x82: {  	s10 =	sor.u32 s4, s10;
	[tilespmem:$0x18E0] =	vst v61  }
0x83: {  	s10 =	smul.u32 $0x4E200, s10;
	[tilespmem:$0x1850] =	vst v62  }
0x84: {  	[tilespmem:$0x18F0] =	vst v63  }
0x85: {  	s19 =	simm.s32 $0x1810;
	s12 =	simm.s32 $0x1950;
	s10 =	sadd.s32 s14, s10;
	[tilespmem:$0x18D0] =	vst v6  }
0x86: {  	s20 =	simm.s32 $0x18B0;
	s21 =	simm.s32 $0x4150;
	s22 =	sshll.u32 s10, $0x3;
	[tilespmem:$0x1840] =	vst v7  }
0x87: {  	[tilespmem:s12], [sflag:$0x1] =	stream.indirect.gather [hbm4b:s5+s0], $0x40, s19, s0, $0xb8;
	[tilespmem:$0x18BA0] =	vst v63  }
0x88: {  	s23 =	simm.s32 $0x6950;
	p0 =	por $0x0, $0x0;
	s11 =	sand.u32 $0x1FFFFF00, s22  }
0x89: {  	[tilespmem:s21], [sflag:$0x1] =	stream.indirect.gather [hbm4b:s6+s0], $0x40, s20, s0, $0xb8;
	[tilespmem:$0x18BA0] =	vst v63  }
0x8a: {  	s10 =	sshrl.u32 s10, $0x1;
	s11 =	sadd.s32 s7, s11;
	s12 =	simm.s32 $0x0  }
0x8b: {  	[tilespmem:s23], [sflag:$0x1] =	stream.linear.gather [hbm4b:s11+s12], $0x1400, $0x38;
	[tilespmem:$0x18BA0] =	vst v63  }
.LBB2_6:
0x8c: {  	s11 =	smul.u32 $0x29, s12;
	_ =	sdelay $0x1  }
0x8d: {  	s11 =	sshrl.u32 s11, $0xA  }
0x8e: {  	s11 =	sand.u32 $0x3F, s11  }
0x8f: {  	s20 =	smul.u32 $0x19, s11  }
0x90: {  	s15 =	smov.u32 s12  }
0x91: {  	p1 =	slt.u32 s15, $0x2;
	s11 =	sand.u32 $0x1, s15;
	s12 =	ssub.s32 s15, s20  }
0x92: {  	s16 =	sadd.s32 @!p1 $0x3, s11;
	s12 =	sand.u32 $0xFF, s12  }
0x93: {  	_ =	swait.ge @!p1 [sflag:s16], $0x1900;
	s12 =	smul.u32 $0x140, s12  }
0x94: {  	[sflag:s16] =	ssyncset.done @!p1 $0x0  }
0x95: {  	[sflag:s16] =	ssyncadd.s32 @!p1 $0xFFFFE700;
	s17 =	sshrl.u32 s12, $0x2  }
0x96: {  	v6 =	vld [tilespmem:s17+$0x7D0];
	_ =	sdelay $0x1  }
0x97: {  	s21 =	smul.u32 $0x140, s11;
	_ =	sdelay $0x1  }
0x98: {  	s18 =	sshrl.u32 s21, $0x2  }
0x99: {  	[tilespmem:s18+$0x1770] =	vst v6  }
0x9a: {  	v6 =	vld [tilespmem:s17+$0x7E0];
	_ =	sdelay $0x4  }
0x9b: {  	[tilespmem:s18+$0x1780] =	vst v6  }
0x9c: {  	v6 =	vld [tilespmem:s17+$0x7F0];
	_ =	sdelay $0x3  }
0x9d: {  	s12 =	sadd.s32 $0x1, s15  }
0x9e: {  	s22 =	smulhi.u32 $0x51EB851F, s12;
	[tilespmem:s18+$0x1790] =	vst v6  }
0x9f: {  	v6 =	vld [tilespmem:s17+$0x800]  }
0xa0: {  	s16 =	sshrl.u32 s22, $0x3  }
0xa1: {  	s23 =	smul.u32 $0x19, s16;
	_ =	sdelay $0x1  }
0xa2: {  	p1 =	seq.s32 s15, $0xF9;
	s15 =	ssub.s32 s12, s23  }
0xa3: {  	p2 =	sne.s32 @!p1 s15, $0x0;
	[tilespmem:s18+$0x17A0] =	vst v6  }
0xa4: {  	p2 =	por p1, p2;
	v6 =	vld [tilespmem:s17+$0x810]  }
.Ltmp4:
0xa5: {  	_ = 	snop;
	(pc) =	sbr.rel @p2 .LBB2_10-.Ltmp4, $2  }
0xa6: {  	_ =	sdelay $0x2  }
0xa7: {  	[tilespmem:s18+$0x17B0] =	vst v6  }
0xa8: {  	s16 =	smul.u32 $0x7D0, s16;
	_ =	sdelay $0x1  }
0xa9: {  	s16 =	sadd.s32 s14, s16  }
0xaa: {  	s16 =	sshrl.u32 s16, $0x3  }
0xab: {  	s19 =	simm.s32 $0x0;
	s17 =	sadd.s32 s8, s16  }
0xac: {  	[tilespmem:s19], [sflag:$0x5] =	stream.linear.gather [hbm4b:s17+s19], $0x7D0, $0x38;
	[tilespmem:$0x18BA0] =	vst v63  }
0xad: {  	_ =	swait.ge [sflag:s28], $0x7D0  }
0xae: {  	[sflag:s28] =	ssyncset.done $0x0  }
0xaf: {  	s16 =	sadd.s32 s9, s16;
	[sflag:s28] =	ssyncadd.s32 $0xFFFFF830  }
0xb0: {  	[tilespmem:s31], [sflag:$0x5] =	stream.linear.gather [hbm4b:s16+s19], $0x7D0, $0x38;
	[tilespmem:$0x18BA0] =	vst v63  }
0xb1: {  	_ =	swait.ge [sflag:s28], $0x7D0  }
0xb2: {  	[sflag:s28] =	ssyncset.done $0x0  }
0xb3: {  	s16 =	simm.s32 $0x0;
	[sflag:s28] =	ssyncadd.s32 $0xFFFFF830  }
0xb4: {  	v6 =	vld [tilespmem:s16+$0x0]  }
0xb5: {  	v7 =	vld [tilespmem:s16+$0x7D0];
	_ =	sdelay $0x3  }
0xb6: {  	v6 =	vadd.s32 v0, v6  }
0xb7: {  	s17 =	simm.s32 $0x80;
	s19 =	simm.s32 $0x10;
	[tilespmem:s16+$0x0] =	vst v6;
	v6 =	vadd.s32 v0, v7  }
.LBB2_8:
0xb8: {  	p1 =	seq.s32 s17, $0x1F00;
	v7 =	vld [tilespmem:s19+$0x0];
	[tilespmem:s16+$0xFA0] =	vst v6;
	s16 =	smov.u32 s19  }
0xb9: {  	v6 =	vld [tilespmem:s16+$0x7D0]  }
.Ltmp5:
0xba: {  	(pc) =	sbr.rel @!p1 .LBB2_8-.Ltmp5, $3  }
0xbb: {  	_ =	sdelay $0x1  }
0xbc: {  	v7 =	vadd.s32 v0, v7  }
0xbd: {  	s19 =	sshra.s32 s17, $0x2;
	s17 =	sadd.s32 $0x40, s17;
	[tilespmem:s16+$0x0] =	vst v7;
	v6 =	vadd.s32 v0, v6  }
0xbe: {  	v7 =	vld [tilespmem:s19+$0x0];
	[tilespmem:s16+$0xFA0] =	vst v6  }
0xbf: {  	v6 =	vld [tilespmem:s19+$0x7D0];
	_ =	sdelay $0x3  }
0xc0: {  	v7 =	vadd.s32 v0, v7  }
0xc1: {  	[tilespmem:s19+$0x0] =	vst v7;
	v6 =	vadd.s32 v0, v6  }
0xc2: {  	[tilespmem:s19+$0xFA0] =	vst v6  }
.LBB2_11:
0xc3: {  	s15 =	smul.u32 $0x50, s15;
	_ =	sdelay $0x1  }
0xc4: {  	v6 =	vld [tilespmem:s15+$0x0];
	_ =	sdelay $0x1  }
0xc5: {  	s16 =	sxor.u32 $0x1, s11  }
0xc6: {  	s17 =	smul.u32 $0x50, s16;
	_ =	sdelay $0x1  }
0xc7: {  	[tilespmem:s17+$0x1810] =	vst v6  }
0xc8: {  	v6 =	vld [tilespmem:s15+$0xFA0];
	_ =	sdelay $0x4  }
0xc9: {  	[tilespmem:s17+$0x18B0] =	vst v6  }
0xca: {  	v6 =	vld [tilespmem:s15+$0x10];
	_ =	sdelay $0x4  }
0xcb: {  	[tilespmem:s17+$0x1820] =	vst v6  }
0xcc: {  	v6 =	vld [tilespmem:s15+$0xFB0];
	_ =	sdelay $0x4  }
0xcd: {  	[tilespmem:s17+$0x18C0] =	vst v6  }
0xce: {  	v6 =	vld [tilespmem:s15+$0x20];
	_ =	sdelay $0x4  }
0xcf: {  	[tilespmem:s17+$0x1830] =	vst v6  }
0xd0: {  	v6 =	vld [tilespmem:s15+$0xFC0];
	_ =	sdelay $0x4  }
0xd1: {  	[tilespmem:s17+$0x18D0] =	vst v6  }
0xd2: {  	v6 =	vld [tilespmem:s15+$0x30];
	_ =	sdelay $0x4  }
0xd3: {  	[tilespmem:s17+$0x1840] =	vst v6  }
0xd4: {  	v6 =	vld [tilespmem:s15+$0xFD0];
	_ =	sdelay $0x4  }
0xd5: {  	[tilespmem:s17+$0x18E0] =	vst v6  }
0xd6: {  	v6 =	vld [tilespmem:s15+$0x40];
	_ =	sdelay $0x4  }
0xd7: {  	[tilespmem:s17+$0x1850] =	vst v6  }
0xd8: {  	v6 =	vld [tilespmem:s15+$0xFE0];
	_ =	sdelay $0x2  }
0xd9: {  	s15 =	smul.u32 $0x1400, s16  }
0xda: {  	s22 =	smul.u32 $0x28, s12  }
0xdb: {  	s19 =	sadd.s32 $0x1810, s17;
	s16 =	sadd.s32 $0x1, s16;
	s20 =	sadd.s32 $0x1950, s15;
	[tilespmem:s17+$0x18F0] =	vst v6  }
0xdc: {  	[tilespmem:s20], [sflag:s16] =	stream.indirect.gather [hbm4b:s5+s0], $0x40, s19, s0, $0xb8;
	[tilespmem:$0x18BA0] =	vst v63  }
0xdd: {  	s23 =	sadd.s32 s10, s22;
	s21 =	sor.u32 $0x4150, s15;
	s17 =	sadd.s32 $0x18B0, s17  }
0xde: {  	[tilespmem:s21], [sflag:s16] =	stream.indirect.gather [hbm4b:s6+s0], $0x40, s17, s0, $0xb8;
	[tilespmem:$0x18BA0] =	vst v63  }
0xdf: {  	s17 =	sshll.u32 s23, $0x4  }
0xe0: {  	s17 =	sand.u32 $0x1FFFFF80, s17  }
0xe1: {  	s15 =	sadd.s32 $0x6950, s15;
	s17 =	sadd.s32 s7, s17  }
0xe2: {  	[tilespmem:s15], [sflag:s16] =	stream.linear.gather [hbm4b:s17+s3], $0x1400, $0x38;
	[tilespmem:$0x18BA0] =	vst v63  }
.LBB2_12:
0xe3: {  	s17 =	simm.s32 $0x1  }
0xe4: {  	s20 =	sadd.s32 $0x1, s11;
	s17 =	simm.s32 @!p0 $0x0  }
0xe5: {  	_ =	swait.ge [sflag:s20], $0x1400;
	s15 =	smul.u32 $0x5000, s17  }
0xe6: {  	[sflag:s20] =	ssyncset.done $0x0;
	s21 =	smul.u32 $0x6400, s17  }
0xe7: {  	s22 =	smul.u32 $0x1400, s11;
	s18 =	sadd.s32 $0x1770, s18;
	[sflag:s20] =	ssyncadd.s32 $0xFFFFEC00  }
0xe8: {  	s19 =	sshrl.u32 s15, $0x2;
	_ =	swait.ge [sflag:s20], $0x1400;
	s23 =	sshrl.u32 s21, $0x2  }
0xe9: {  	s21 =	smul.u32 $0x6400, s11;
	s15 =	sor.u32 $0x41D0, s19;
	[sflag:s20] =	ssyncset.done $0x0  }
0xea: {  	s16 =	sadd.s32 $0x19D0, s19;
	s17 =	sadd.s32 $0x69B0, s19;
	[sflag:s20] =	ssyncadd.s32 $0xFFFFEC00  }
0xeb: {  	s19 =	sadd.s32 $0x91F0, s23;
	s23 =	sadd.s32 $0x6950, s22;
	_ =	swait.ge [sflag:s20], $0x1400  }
0xec: {  	s22 =	sshrl.u32 s21, $0x2;
	s21 =	simm.s32 $0xFFFFFFFC;
	[sflag:s20] =	ssyncset.done $0x0  }
0xed: {  	v6 =	vmov s23;
	[sflag:s20] =	ssyncadd.s32 $0xFFFFEC00;
	s20 =	sadd.s32 $0x9150, s22;
	s22 =	simm.s32 $0xC0  }
.LBB2_13:
0xee: {  	v7 =	vld [tilespmem:s16+$0xFFFFFF80]  }
0xef: {  	v8 =	vld [tilespmem:s15+$0xFFFFFF80]  }
0xf0: {  	v9 =	vld [tilespmem:s17+$0xFFFFFFA0]  }
0xf1: {  	v10 =	vld [tilespmem:s16+$0xFFFFFF90]  }
0xf2: {  	v11 =	vld [tilespmem:s15+$0xFFFFFF90]  }
0xf3: {  	v13 =	vld [tilespmem:s16+$0xFFFFFFA0]  }
0xf4: {  	v14 =	vld [tilespmem:s15+$0xFFFFFFA0]  }
0xf5: {  	v15 =	vld [tilespmem:s16+$0xFFFFFFB0]  }
0xf6: {  	v16 =	vld [tilespmem:s15+$0xFFFFFFB0]  }
0xf7: {  	v12 =	vld [tilespmem:s17+$0xFFFFFFB0]  }
0xf8: {  	v17 =	vld [tilespmem:s17+$0xFFFFFFC0]  }
0xf9: {  	v18 =	vld [tilespmem:s17+$0xFFFFFFD0]  }
0xfa: {  	v8 =	vadd.f32 v8, v7;
	v11 =	vadd.f32 v11, v10  }
0xfb: {  	v38 =	vadd.f32 v14, v13;
	v39 =	vadd.f32 v16, v15  }
0xfc: {  	v8 =	vadd.f32 v9, v8;
	v37 =	vadd.f32 v12, v11  }
0xfd: {  	v11 =	vadd.f32 v17, v38  }
0xfe: {  	v12 =	vadd.f32 v18, v39;
	v40 =	vmul.f32 $2.000000030e-01, v8;
	v41 =	vmul.f32 $2.000000030e-01, v37  }
0xff: {  	v42 =	vmul.f32 $2.000000030e-01, v11  }
0x100: {  	v43 =	vmul.f32 $2.000000030e-01, v12;
	v8 =	vmax.f32 v8, v40;
	v9 =	vmax.f32 v37, v41  }
0x101: {  	v8 =	vmul.f32 v8, v2;
	v9 =	vmul.f32 v9, v3  }
0x102: {  	v11 =	vmax.f32 v11, v42;
	v12 =	vmax.f32 v12, v43  }
0x103: {  	v11 =	vmul.f32 v11, v4;
	v12 =	vmul.f32 v12, v5;
	v8 =	vadd.f32 v9, v8;
	_ =	sdelay $0x1  }
0x104: {  	(xrf2) =	vadd.scan.msk.f32 $0xffff, v8;
	v8 =	vadd.f32 v12, v11;
	_ =	sdelay $0x1  }
0x105: {  	(xrf2) =	vadd.scan.msk.f32 $0xffff, v8;
	_ =	sdelay $0x7  }
0x106: {  	v8, _, _ =	vpop (xrf2)  }
0x107: {  	v8 =	vmul.f32 $1.442695020e+00, v8  }
0x108: {  	v44, _, _ =	vpop (xrf2)  }
0x109: {  	v8 =	vbroadcast v8, $0xF;
	v9 =	vmul.f32 $1.442695020e+00, v44;
	_ =	sdelay $0x1  }
0x10a: {  	(erf) = vpow2.f32 v8;
	v8 =	vbroadcast v9, $0xF;
	_ =	sdelay $0x1  }
0x10b: {  	(erf) = vpow2.f32 v8;
	_ =	sdelay $0x6  }
0x10c: {  	v8 =	vpop (erf)  }
0x10d: {  	v7 =	vmul.f32 v8, v7  }
0x10e: {  	v45 =	vmul.f32 v8, v10;
	v46 =	vpop (erf)  }
0x10f: {  	[tilespmem:s19+$0xFFFFFF60] =	vst v7;
	v7 =	vmul.f32 v46, v13  }
0x110: {  	[tilespmem:s19+$0xFFFFFF70] =	vst v45;
	v47 =	vmul.f32 v46, v15  }
0x111: {  	v8 =	vnsel vm0, $0x0, v8;
	[tilespmem:s19+$0xFFFFFF80] =	vst v7  }
0x112: {  	[tilespmem:s19+$0xFFFFFF90] =	vst v47;
	v7 =	vsel vm1, v8, v46  }
0x113: {  	[tilespmem:s19+$0xFFFFFFA0] =	vst v7  }
0x114: {  	v7 =	vld [tilespmem:s16+$0xFFFFFFC0]  }
0x115: {  	v8 =	vld [tilespmem:s15+$0xFFFFFFC0]  }
0x116: {  	v9 =	vld [tilespmem:s17+$0xFFFFFFE0]  }
0x117: {  	v48 =	vld [tilespmem:s16+$0xFFFFFFD0]  }
0x118: {  	v49 =	vld [tilespmem:s15+$0xFFFFFFD0]  }
0x119: {  	v51 =	vld [tilespmem:s16+$0xFFFFFFE0]  }
0x11a: {  	v52 =	vld [tilespmem:s15+$0xFFFFFFE0]  }
0x11b: {  	v53 =	vld [tilespmem:s16+$0xFFFFFFF0]  }
0x11c: {  	v54 =	vld [tilespmem:s15+$0xFFFFFFF0]  }
0x11d: {  	v50 =	vld [tilespmem:s17+$0xFFFFFFF0]  }
0x11e: {  	v55 =	vld [tilespmem:s17+$0x0]  }
0x11f: {  	v56 =	vld [tilespmem:s17+$0x10]  }
0x120: {  	v8 =	vadd.f32 v8, v7;
	v11 =	vadd.f32 v49, v48  }
0x121: {  	v58 =	vadd.f32 v52, v51;
	v59 =	vadd.f32 v54, v53  }
0x122: {  	v8 =	vadd.f32 v9, v8;
	v57 =	vadd.f32 v50, v11  }
0x123: {  	v11 =	vadd.f32 v55, v58  }
0x124: {  	v12 =	vadd.f32 v56, v59;
	v60 =	vmul.f32 $2.000000030e-01, v8;
	v61 =	vmul.f32 $2.000000030e-01, v57  }
0x125: {  	v62 =	vmul.f32 $2.000000030e-01, v11  }
0x126: {  	v63 =	vmul.f32 $2.000000030e-01, v12;
	v8 =	vmax.f32 v8, v60;
	v9 =	vmax.f32 v57, v61  }
0x127: {  	v8 =	vmul.f32 v8, v2;
	v9 =	vmul.f32 v9, v3  }
0x128: {  	v11 =	vmax.f32 v11, v62;
	v12 =	vmax.f32 v12, v63  }
0x129: {  	v11 =	vmul.f32 v11, v4;
	v12 =	vmul.f32 v12, v5;
	v8 =	vadd.f32 v9, v8;
	_ =	sdelay $0x1  }
0x12a: {  	(xrf2) =	vadd.scan.msk.f32 $0xffff, v8;
	v8 =	vadd.f32 v12, v11;
	_ =	sdelay $0x1  }
0x12b: {  	(xrf2) =	vadd.scan.msk.f32 $0xffff, v8;
	_ =	sdelay $0x7  }
0x12c: {  	v8, _, _ =	vpop (xrf2)  }
0x12d: {  	v8 =	vmul.f32 $1.442695020e+00, v8  }
0x12e: {  	v20, _, _ =	vpop (xrf2)  }
0x12f: {  	v8 =	vbroadcast v8, $0xF;
	v9 =	vmul.f32 $1.442695020e+00, v20;
	_ =	sdelay $0x1  }
0x130: {  	(erf) = vpow2.f32 v8;
	v8 =	vbroadcast v9, $0xF;
	_ =	sdelay $0x1  }
0x131: {  	(erf) = vpow2.f32 v8;
	_ =	sdelay $0x6  }
0x132: {  	v8 =	vpop (erf)  }
0x133: {  	v7 =	vmul.f32 v8, v7  }
0x134: {  	v21 =	vmul.f32 v8, v48;
	v22 =	vpop (erf)  }
0x135: {  	[tilespmem:s19+$0xFFFFFFB0] =	vst v7;
	v7 =	vmul.f32 v22, v51  }
0x136: {  	[tilespmem:s19+$0xFFFFFFC0] =	vst v21;
	v23 =	vmul.f32 v22, v53  }
0x137: {  	v8 =	vnsel vm0, $0x0, v8;
	[tilespmem:s19+$0xFFFFFFD0] =	vst v7  }
0x138: {  	[tilespmem:s19+$0xFFFFFFE0] =	vst v23;
	v7 =	vsel vm1, v8, v22  }
0x139: {  	[tilespmem:s19+$0xFFFFFFF0] =	vst v7  }
0x13a: {  	v7 =	vld [tilespmem:s16+$0x0]  }
0x13b: {  	v8 =	vld [tilespmem:s15+$0x0]  }
0x13c: {  	v9 =	vld [tilespmem:s17+$0x20]  }
0x13d: {  	v24 =	vld [tilespmem:s16+$0x10]  }
0x13e: {  	v25 =	vld [tilespmem:s15+$0x10]  }
0x13f: {  	v27 =	vld [tilespmem:s16+$0x20]  }
0x140: {  	v28 =	vld [tilespmem:s15+$0x20]  }
0x141: {  	v29 =	vld [tilespmem:s16+$0x30]  }
0x142: {  	v30 =	vld [tilespmem:s15+$0x30]  }
0x143: {  	v26 =	vld [tilespmem:s17+$0x30]  }
0x144: {  	v31 =	vld [tilespmem:s17+$0x40]  }
0x145: {  	v32 =	vld [tilespmem:s17+$0x50]  }
0x146: {  	v8 =	vadd.f32 v8, v7;
	v11 =	vadd.f32 v25, v24  }
0x147: {  	v34 =	vadd.f32 v28, v27;
	v35 =	vadd.f32 v30, v29  }
0x148: {  	v8 =	vadd.f32 v9, v8;
	v33 =	vadd.f32 v26, v11  }
0x149: {  	v11 =	vadd.f32 v31, v34  }
0x14a: {  	v12 =	vadd.f32 v32, v35;
	v36 =	vmul.f32 $2.000000030e-01, v8;
	v37 =	vmul.f32 $2.000000030e-01, v33  }
0x14b: {  	v38 =	vmul.f32 $2.000000030e-01, v11  }
0x14c: {  	v39 =	vmul.f32 $2.000000030e-01, v12;
	v8 =	vmax.f32 v8, v36;
	v9 =	vmax.f32 v33, v37  }
0x14d: {  	v8 =	vmul.f32 v8, v2;
	v9 =	vmul.f32 v9, v3  }
0x14e: {  	v11 =	vmax.f32 v11, v38;
	v12 =	vmax.f32 v12, v39  }
0x14f: {  	v11 =	vmul.f32 v11, v4;
	v12 =	vmul.f32 v12, v5;
	v8 =	vadd.f32 v9, v8;
	_ =	sdelay $0x1  }
0x150: {  	(xrf2) =	vadd.scan.msk.f32 $0xffff, v8;
	v8 =	vadd.f32 v12, v11;
	_ =	sdelay $0x1  }
0x151: {  	(xrf2) =	vadd.scan.msk.f32 $0xffff, v8;
	_ =	sdelay $0x7  }
0x152: {  	v8, _, _ =	vpop (xrf2)  }
0x153: {  	v8 =	vmul.f32 $1.442695020e+00, v8  }
0x154: {  	v40, _, _ =	vpop (xrf2)  }
0x155: {  	v8 =	vbroadcast v8, $0xF;
	v9 =	vmul.f32 $1.442695020e+00, v40;
	_ =	sdelay $0x1  }
0x156: {  	(erf) = vpow2.f32 v8;
	v8 =	vbroadcast v9, $0xF;
	_ =	sdelay $0x1  }
0x157: {  	(erf) = vpow2.f32 v8;
	_ =	sdelay $0x6  }
0x158: {  	v8 =	vpop (erf)  }
0x159: {  	v7 =	vmul.f32 v8, v7  }
0x15a: {  	v41 =	vmul.f32 v8, v24;
	v42 =	vpop (erf)  }
0x15b: {  	[tilespmem:s19+$0x0] =	vst v7;
	v7 =	vmul.f32 v42, v27  }
0x15c: {  	[tilespmem:s19+$0x10] =	vst v41;
	v43 =	vmul.f32 v42, v29  }
0x15d: {  	v8 =	vnsel vm0, $0x0, v8;
	[tilespmem:s19+$0x20] =	vst v7  }
0x15e: {  	[tilespmem:s19+$0x30] =	vst v43;
	v7 =	vsel vm1, v8, v42  }
0x15f: {  	[tilespmem:s19+$0x40] =	vst v7  }
0x160: {  	v7 =	vld [tilespmem:s16+$0x40]  }
0x161: {  	v8 =	vld [tilespmem:s15+$0x40]  }
0x162: {  	v9 =	vld [tilespmem:s17+$0x60]  }
0x163: {  	v44 =	vld [tilespmem:s16+$0x50]  }
0x164: {  	v45 =	vld [tilespmem:s15+$0x50]  }
0x165: {  	v47 =	vld [tilespmem:s16+$0x60]  }
0x166: {  	v48 =	vld [tilespmem:s15+$0x60]  }
0x167: {  	v49 =	vld [tilespmem:s16+$0x70]  }
0x168: {  	s23 =	sor.u32 $0x50, s22;
	v50 =	vld [tilespmem:s15+$0x70]  }
0x169: {  	v46 =	vld.idx.msk [tilespmem:v6+s23+$0x0 ss:$0x1], $0xffff;
	s23 =	sor.u32 $0x60, s22  }
0x16a: {  	v51 =	vld.idx.msk [tilespmem:v6+s23+$0x0 ss:$0x1], $0xffff;
	s23 =	sor.u32 $0x70, s22  }
0x16b: {  	v52 =	vld.idx.msk [tilespmem:v6+s23+$0x0 ss:$0x1], $0xffff  }
0x16c: {  	v8 =	vadd.f32 v8, v7;
	v11 =	vadd.f32 v45, v44  }
0x16d: {  	v54 =	vadd.f32 v48, v47;
	v55 =	vadd.f32 v50, v49  }
0x16e: {  	v8 =	vadd.f32 v9, v8;
	v53 =	vadd.f32 v46, v11  }
0x16f: {  	v11 =	vadd.f32 v51, v54  }
0x170: {  	v12 =	vadd.f32 v52, v55;
	v56 =	vmul.f32 $2.000000030e-01, v8;
	v57 =	vmul.f32 $2.000000030e-01, v53  }
0x171: {  	v58 =	vmul.f32 $2.000000030e-01, v11  }
0x172: {  	v59 =	vmul.f32 $2.000000030e-01, v12;
	v8 =	vmax.f32 v8, v56;
	v9 =	vmax.f32 v53, v57  }
0x173: {  	v8 =	vmul.f32 v8, v2;
	v9 =	vmul.f32 v9, v3  }
0x174: {  	v11 =	vmax.f32 v11, v58;
	v12 =	vmax.f32 v12, v59  }
0x175: {  	v11 =	vmul.f32 v11, v4;
	v12 =	vmul.f32 v12, v5;
	v8 =	vadd.f32 v9, v8;
	_ =	sdelay $0x1  }
0x176: {  	(xrf2) =	vadd.scan.msk.f32 $0xffff, v8;
	v8 =	vadd.f32 v12, v11;
	_ =	sdelay $0x1  }
0x177: {  	(xrf2) =	vadd.scan.msk.f32 $0xffff, v8;
	_ =	sdelay $0x7  }
0x178: {  	v8, _, _ =	vpop (xrf2)  }
0x179: {  	v8 =	vmul.f32 $1.442695020e+00, v8  }
0x17a: {  	v60, _, _ =	vpop (xrf2)  }
0x17b: {  	v8 =	vbroadcast v8, $0xF;
	v9 =	vmul.f32 $1.442695020e+00, v60;
	_ =	sdelay $0x1  }
0x17c: {  	(erf) = vpow2.f32 v8;
	v8 =	vbroadcast v9, $0xF;
	_ =	sdelay $0x1  }
0x17d: {  	(erf) = vpow2.f32 v8;
	_ =	sdelay $0x6  }
0x17e: {  	v8 =	vpop (erf)  }
0x17f: {  	s21 =	sadd.s32 $0x4, s21;
	v7 =	vmul.f32 v8, v7  }
0x180: {  	p1 =	slt.u32 s21, $0x4C;
	v61 =	vmul.f32 v8, v44;
	v62 =	vpop (erf)  }
.Ltmp6:
0x181: {  	[tilespmem:s19+$0x50] =	vst v7;
	v7 =	vmul.f32 v62, v47;
	(pc) =	sbr.rel @p1 .LBB2_13-.Ltmp6, $4  }
0x182: {  	[tilespmem:s19+$0x60] =	vst v61;
	v63 =	vmul.f32 v62, v49  }
0x183: {  	v8 =	vnsel vm0, $0x0, v8;
	[tilespmem:s19+$0x70] =	vst v7  }
0x184: {  	s15 =	sadd.s32 $0x100, s15;
	s16 =	sadd.s32 $0x100, s16;
	[tilespmem:s19+$0x80] =	vst v63;
	v7 =	vsel vm1, v8, v62  }
0x185: {  	s17 =	sadd.s32 $0x100, s17;
	s22 =	sadd.s32 $0x100, s22;
	[tilespmem:s19+$0x90] =	vst v7;
	s19 =	sadd.s32 $0x140, s19  }
0x186: {  	p1 =	sne.s32 s12, $0xFA  }
.Ltmp7:
0x187: {  	_ = 	snop;
	(pc) =	sbr.rel @p1 .LBB2_6-.Ltmp7, $4  }
.Ltmp8:
0x188: {  	_ = 	snop;
	(pc) =	sbr.rel @!p1 .LBB2_15-.Ltmp8, $4  }
0x189: {  	_ = 	snop  }
0x18a: {  	s11 =	sadd.s32 $0x3, s11;
	p0 =	por !p0, !p0  }
0x18b: {  	[spmem:s2] =	stream.indirect.scatter.add.f32 [tilespmem:s20], [sflag:s11], $0x50, s18, s0, $0xb8;
	[tilespmem:$0x18BA0] =	vst v63  }
0x18c: {  	_ = 	snop  }
.LBB2_10:
.Ltmp9:
0x18d: {  	(pc) =	sbr.rel @p1 .LBB2_12-.Ltmp9, $4  }
.Ltmp10:
0x18e: {  	(pc) =	sbr.rel @!p1 .LBB2_11-.Ltmp10, $4  }
0x18f: {  	_ = 	snop  }
0x190: {  	_ = 	snop  }
0x191: {  	_ = 	snop  }
0x192: {  	_ = 	snop  }
.LBB2_16:
0x193: {  	_ =	sfence.sel $0x180000  }
0x194: {  	[bflag:$0x0] =	sbarrier.arrive $0xFFFF  }
0x195: {  	_ =	strace $0x90000047  }
0x196: {  	s0 =	stileid.u32;
	[bflag:$0x2] =	sbarrier.arrive $0xFFFF  }
0x197: {  	p0 =	sne.s32 s0, $0x0;
	s0 =	rddreg [dreg:$0x2]  }
0x198: {  	s0 =	sadd.s32 @!p0 $0x100000, s0  }
0x199: {  	[sflag:s0] =	ssyncadd.tile.s32 @!p0 $0x1;
	_ =	shalt  }
.Lfunc_end2:
_tile_overlayer_lowered:
.L_overlay_start_2:
0x19a: {  	(tag) =	ssettag $0x2  }
0x19b: {  	s0 =	rddreg [dreg:$0x0];
	s2 =	stileid.u32  }
0x19c: {  	s1 =	rddreg [dreg:$0x1];
	p0 =	sne.s32 s2, $0x0  }
0x19d: {  	s3 =	rddreg [dreg:$0x2];
	[bflag:$0x3] =	sbarrier.arrive $0xFFFF;
	s2 =	simm.s32 @!p0 $0x1C05  }
0x19e: {  	[timem:s3], [sflag:s2] =	dma.local @!p0 [hbm:s0], s1  }
0x19f: {  	s0 =	simm.s32 @!p0 $0x5  }
0x1a0: {  	_ =	swait.ge @!p0 [sflag:s0], s1  }
0x1a1: {  	s1 =	ssub.s32 @!p0 $0x0, s1;
	[sflag:s0] =	ssyncset.done @!p0 $0x0  }
0x1a2: {  	[sflag:s0] =	ssyncadd.s32 @!p0 s1  }
0x1a3: {  	[bflag:$0x3] =	sbarrier.arrive $0xFFFF  }
0x1a4: {  	_ =	shalt  }

</sc_bundles>
